<compile_context>
chip_gen: v7x
topology: tpu7x:2x2x1
jax: 0.10.2.dev20260603
libtpu: 0.0.44.dev20260713+nightly
codegen_flags: <defaults>
</compile_context>

<pallas_src>
import jax
import jax.numpy as jnp
from jax import lax
from jax.experimental import pallas as pl
from jax.experimental.pallas import tpu as pltpu
from jax.experimental.pallas import tpu_sc as plsc

N_NODES = 10000
D = 128
NC = 2
NS = 16
CHUNK = 128
N_PAD = 10240
ROWS_PER_SUB = N_PAD // NS
NINIT = ROWS_PER_SUB // CHUNK
NITER = 79
E_PAD = NC * NS * NITER * CHUNK
PER_CORE = NS * NITER


def _sc_pass(H, src_pad, dst_pad, zeros_blk, ones_blk, gather):
    out_type = jax.ShapeDtypeStruct((NC * N_PAD, D), jnp.float32)
    scratch = [
        pltpu.VMEM((CHUNK,), jnp.int32),
        pltpu.VMEM((CHUNK, D), jnp.float32),
        pltpu.VMEM_SHARED((N_PAD, D), jnp.float32),
        pltpu.SemaphoreType.DMA,
    ]
    if gather:
        scratch.append(pltpu.VMEM((CHUNK,), jnp.int32))

    mesh = plsc.VectorSubcoreMesh(core_axis_name="c", subcore_axis_name="s",
                                  num_cores=NC, num_subcores=NS)

    def body(H_hbm, src_hbm, dst_hbm, zeros_hbm, ones_hbm, out_hbm, *rest):
        if gather:
            dst_v, rows_v, acc_sh, sem, src_v = rest
        else:
            dst_v, rows_v, acc_sh, sem = rest
        c = lax.axis_index("c")
        s = lax.axis_index("s")
        r0 = s * ROWS_PER_SUB
        o0 = c * N_PAD + r0

        pltpu.sync_copy(zeros_hbm, rows_v)
        for k in range(NINIT):
            pltpu.sync_copy(rows_v, acc_sh.at[pl.ds(r0 + k * CHUNK, CHUNK)])
        if not gather:
            pltpu.sync_copy(ones_hbm, rows_v)
        plsc.subcore_barrier()

        def step(j, carry):
            chunk = c * PER_CORE + s + j * NS
            base = chunk * CHUNK
            pltpu.sync_copy(dst_hbm.at[pl.ds(base, CHUNK)], dst_v)
            if gather:
                pltpu.sync_copy(src_hbm.at[pl.ds(base, CHUNK)], src_v)
                pltpu.async_copy(H_hbm.at[src_v], rows_v, sem).wait()
            pltpu.sync_copy(rows_v, acc_sh.at[dst_v], add=True)
            return carry

        lax.fori_loop(0, NITER, step, 0, unroll=False)
        plsc.subcore_barrier()

        for k in range(NINIT):
            pltpu.sync_copy(acc_sh.at[pl.ds(r0 + k * CHUNK, CHUNK)], rows_v)
            pltpu.sync_copy(rows_v, out_hbm.at[pl.ds(o0 + k * CHUNK, CHUNK)])

    fn = pl.kernel(body, out_type=(out_type,), mesh=mesh,
                   scratch_types=scratch)
    (out,) = fn(H, src_pad, dst_pad, zeros_blk, ones_blk)
    return out.reshape(NC, N_PAD, D)


BLK = 2000


def _tc_layer(Gp, degp, W, b, act):

    def body(g_ref, d_ref, w_ref, b_ref, y_ref):
        g = g_ref[0] + g_ref[1]
        deg = jnp.maximum(d_ref[0, :, 0:1] + d_ref[1, :, 0:1], 1.0)
        y = jnp.dot(g / deg, w_ref[...], preferred_element_type=jnp.float32)
        y = y + b_ref[...]
        if act == "elu":
            y = jnp.where(y > 0, y, jnp.exp(y) - 1.0)
        else:
            y = jnp.maximum(y, 0.0)
        y_ref[...] = y

    return pl.pallas_call(
        body,
        grid=(N_NODES // BLK,),
        in_specs=[
            pl.BlockSpec((NC, BLK, D), lambda i: (0, i, 0)),
            pl.BlockSpec((NC, BLK, D), lambda i: (0, i, 0)),
            pl.BlockSpec((D, D), lambda i: (0, 0)),
            pl.BlockSpec((1, D), lambda i: (0, 0)),
        ],
        out_specs=pl.BlockSpec((BLK, D), lambda i: (i, 0)),
        out_shape=jax.ShapeDtypeStruct((N_NODES, D), jnp.float32),
    )(Gp, degp, W, b.reshape(1, D))


def _tc_layer3(Gp, degp, W, b):

    def body(g_ref, d_ref, w_ref, b_ref, y_ref, cs_ref):
        g = g_ref[0] + g_ref[1]
        deg = jnp.maximum(d_ref[0, :, 0:1] + d_ref[1, :, 0:1], 1.0)
        y = jnp.dot(g / deg, w_ref[...], preferred_element_type=jnp.float32)
        y = jnp.maximum(y + b_ref[...], 0.0)
        y_ref[...] = y
        part = jnp.sum(y.reshape(-1, 8, D), axis=0)

        @pl.when(pl.program_id(0) == 0)
        def _():
            cs_ref[...] = part

        @pl.when(pl.program_id(0) != 0)
        def _():
            cs_ref[...] += part

    return pl.pallas_call(
        body,
        grid=(N_NODES // BLK,),
        in_specs=[
            pl.BlockSpec((NC, BLK, D), lambda i: (0, i, 0)),
            pl.BlockSpec((NC, BLK, D), lambda i: (0, i, 0)),
            pl.BlockSpec((D, D), lambda i: (0, 0)),
            pl.BlockSpec((1, D), lambda i: (0, 0)),
        ],
        out_specs=[
            pl.BlockSpec((BLK, D), lambda i: (i, 0)),
            pl.BlockSpec((8, D), lambda i: (0, 0)),
        ],
        out_shape=[
            jax.ShapeDtypeStruct((N_NODES, D), jnp.float32),
            jax.ShapeDtypeStruct((8, D), jnp.float32),
        ],
    )(Gp, degp, W, b.reshape(1, D))


def _tc_decode(node, Wi, bi, W_lin, b_lin, colsum):
    B = node.shape[0]

    def body(n_ref, wi_ref, bi_ref, wl_ref, bl_ref, cs_ref, o_ref):
        x = jnp.dot(n_ref[...], wi_ref[...],
                    preferred_element_type=jnp.float32) + bi_ref[...]
        ymean = jnp.sum(cs_ref[...], axis=0, keepdims=True) * (1.0 / N_NODES)
        scal = jnp.dot(ymean, wl_ref[D:, :],
                       preferred_element_type=jnp.float32) + bl_ref[...]
        o_ref[...] = jnp.dot(x, wl_ref[0:D, :],
                             preferred_element_type=jnp.float32) + scal

    return pl.pallas_call(
        body,
        out_shape=jax.ShapeDtypeStruct((B, 1), jnp.float32),
    )(node, Wi, bi.reshape(1, D), W_lin, b_lin.reshape(1, 1), colsum)


def kernel(node, X, edge_index, Wi, bi, W_in, b_in, W_h, b_h, W_out, b_out,
           W_lin, b_lin):
    E = edge_index.shape[1]
    npad = E_PAD - E
    src_pad = jnp.concatenate(
        [edge_index[0], jnp.zeros((npad,), jnp.int32)])
    dst_pad = jnp.concatenate(
        [edge_index[1], jnp.full((npad,), N_NODES, jnp.int32)])
    zeros_blk = jnp.zeros((CHUNK, D), jnp.float32)
    ones_blk = jnp.ones((CHUNK, D), jnp.float32)

    degp = _sc_pass(X, src_pad, dst_pad, zeros_blk, ones_blk, gather=False)
    g1 = _sc_pass(X, src_pad, dst_pad, zeros_blk, ones_blk, gather=True)
    y1 = _tc_layer(g1, degp, W_in, b_in, act="elu")
    g2 = _sc_pass(y1, src_pad, dst_pad, zeros_blk, ones_blk, gather=True)
    y2 = _tc_layer(g2, degp, W_h, b_h, act="relu")
    g3 = _sc_pass(y2, src_pad, dst_pad, zeros_blk, ones_blk, gather=True)
    y3, colsum = _tc_layer3(g3, degp, W_out, b_out)
    del y3
    return _tc_decode(node, Wi, bi, W_lin, b_lin, colsum)

# --- scband reference (transcript-rebuilt; emitter-appended) ---
"""Pipeline reference for scband-link-prediction-25134148617070 (READ-ONLY COPY).

The authoritative reference and input builder live on the scoring server;
editing this copy changes nothing except your own understanding.
"""

import jax, jax.numpy as jnp
import numpy as np

N_NODES = 10000
N_EDGES = 320000
D_FEAT = 128
EMB = 128
BATCH = 1024


def gcn_layer(X, src, dst, W, b):
    # mean-aggregation message passing conv: aggregate neighbor features by dst,
    # normalize by in-degree, then linear transform
    deg = jnp.bincount(dst, length=N_NODES).astype(jnp.float32)
    deg = jnp.maximum(deg, 1.0)
    msgs = jnp.take(X, src, axis=0)
    agg = jax.ops.segment_sum(msgs, dst, num_segments=N_NODES)
    agg = agg / deg[:, None]
    return agg @ W + b


def setup_inputs(seed: int = 0) -> dict:
    key = jax.random.key(seed)
    ks = jax.random.split(key, 12)
    node = jax.random.normal(ks[0], (BATCH, D_FEAT), dtype=jnp.float32)
    X = jax.random.normal(ks[1], (N_NODES, D_FEAT), dtype=jnp.float32)
    edge_index = jax.random.randint(ks[2], (2, N_EDGES), 0, N_NODES, dtype=jnp.int32)
    s = 0.05
    Wi = jax.random.normal(ks[3], (D_FEAT, EMB), dtype=jnp.float32) * s
    bi = jnp.zeros((EMB,), dtype=jnp.float32)
    W_in = jax.random.normal(ks[4], (D_FEAT, EMB), dtype=jnp.float32) * s
    b_in = jnp.zeros((EMB,), dtype=jnp.float32)
    W_h = jax.random.normal(ks[5], (EMB, EMB), dtype=jnp.float32) * s
    b_h = jnp.zeros((EMB,), dtype=jnp.float32)
    W_out = jax.random.normal(ks[6], (EMB, EMB), dtype=jnp.float32) * s
    b_out = jnp.zeros((EMB,), dtype=jnp.float32)
    W_lin = jax.random.normal(ks[7], (2 * EMB, 1), dtype=jnp.float32) * s
    b_lin = jnp.zeros((1,), dtype=jnp.float32)
    return {"node": node, "X": X, "edge_index": edge_index,
            "Wi": Wi, "bi": bi, "W_in": W_in, "b_in": b_in,
            "W_h": W_h, "b_h": b_h, "W_out": W_out, "b_out": b_out,
            "W_lin": W_lin, "b_lin": b_lin}


def reference(node, X, edge_index, Wi, bi, W_in, b_in, W_h, b_h, W_out, b_out, W_lin, b_lin):
    src = edge_index[0]
    dst = edge_index[1]
    # forward_i: ivectors linear on the batch of candidate nodes
    x = node @ Wi + bi
    # _forward_common over graph (dropout skipped: eval mode)
    y = jax.nn.elu(gcn_layer(X, src, dst, W_in, b_in))
    y = jax.nn.relu(gcn_layer(y, src, dst, W_h, b_h))
    y = jax.nn.relu(gcn_layer(y, src, dst, W_out, b_out))
    ymean = jnp.mean(y, axis=0)
    feat = jnp.concatenate([x, jnp.broadcast_to(ymean, (x.shape[0], ymean.shape[0]))], axis=1)
    return feat @ W_lin + b_lin

if __name__ == "__main__":
    import jax
    _d = setup_inputs()
    print(jax.jit(kernel)(*tuple(_d.values())))

</pallas_src>

<mosaic_0001>
#map = affine_map<(d0, d1) -> (0, 0)>
#map1 = affine_map<(d0, d1) -> (0)>
module attributes {stable_mosaic.version = 14 : i64} {
  func.func @body(%arg0: i32, %arg1: i32, %arg2: memref<10000x128xf32, #tpu.memory_space<hbm>>, %arg3: memref<323584xi32, #tpu.memory_space<hbm>>, %arg4: memref<323584xi32, #tpu.memory_space<hbm>>, %arg5: memref<128x128xf32, #tpu.memory_space<hbm>>, %arg6: memref<128x128xf32, #tpu.memory_space<hbm>>, %arg7: memref<20480x128xf32, #tpu.memory_space<hbm>>, %arg8: memref<128xi32, #tpu.memory_space<vmem>>, %arg9: memref<128x128xf32, #tpu.memory_space<vmem>>, %arg10: memref<10240x128xf32, #tpu.memory_space<vmem_shared>>, %arg11: memref<!tpu.dma_semaphore, #tpu.memory_space<semaphore_mem>>) attributes {dimension_semantics = [#tpu.dimension_semantics<core_parallel>, #tpu.dimension_semantics<subcore_parallel>], iteration_bounds = array<i64: 2, 16>, scalar_prefetch = 0 : i64, scratch_operands = 4 : i64, tpu.core_type = #tpu.core_type<sc_vector_subcore>, window_params = [{transform_indices = #map}, {transform_indices = #map1}, {transform_indices = #map1}, {transform_indices = #map}, {transform_indices = #map}, {transform_indices = #map}]} {
    %mul3A = arith.constant 640 : i32
    %mul3A_0 = arith.muli %arg1, %mul3A : i32
    %mul3A_1 = arith.constant 10240 : i32
    %mul3A_2 = arith.muli %arg0, %mul3A_1 : i32
    %add3A = arith.addi %mul3A_2, %mul3A_0 : i32
    "tpu.region"() ({
      %run_scoped3A = tpu.sem_alloc : memref<!tpu.dma_semaphore, #tpu.memory_space<semaphore_mem>>
      tpu.enqueue_dma source(%arg5 : memref<128x128xf32, #tpu.memory_space<hbm>>) target(%arg9 : memref<128x128xf32, #tpu.memory_space<vmem>>) target_semaphore(%run_scoped3A : memref<!tpu.dma_semaphore, #tpu.memory_space<semaphore_mem>>)
      tpu.wait_dma2 semaphore(%run_scoped3A : memref<!tpu.dma_semaphore, #tpu.memory_space<semaphore_mem>>) src(%arg5 : memref<128x128xf32, #tpu.memory_space<hbm>>) dst(%arg9 : memref<128x128xf32, #tpu.memory_space<vmem>>)
      tpu.yield
    }) : () -> ()
    %add3A_3 = arith.constant 0 : i32
    %add3A_4 = arith.addi %mul3A_0, %add3A_3 : i32
    "tpu.region"() ({
      %run_scoped3A = tpu.sem_alloc : memref<!tpu.dma_semaphore, #tpu.memory_space<semaphore_mem>>
      %dma_start3A = arith.constant 0 : i32
      %dma_start3A_39 = tpu.memref_slice %arg10[%add3A_4, %dma_start3A] : memref<10240x128xf32, #tpu.memory_space<vmem_shared>> -> memref<128x128xf32, #tpu.memory_space<vmem_shared>>
      %dma_start3A_40 = arith.constant 0 : i32
      %dma_start3A_41 = tpu.memref_slice %arg10[%add3A_4, %dma_start3A_40] : memref<10240x128xf32, #tpu.memory_space<vmem_shared>> -> memref<128x128xf32, #tpu.memory_space<vmem_shared>>
      tpu.enqueue_dma source(%arg9 : memref<128x128xf32, #tpu.memory_space<vmem>>) target(%dma_start3A_41 : memref<128x128xf32, #tpu.memory_space<vmem_shared>>) target_semaphore(%run_scoped3A : memref<!tpu.dma_semaphore, #tpu.memory_space<semaphore_mem>>)
      %dma_wait3A = arith.constant 0 : i32
      %dma_wait3A_42 = tpu.memref_slice %arg10[%add3A_4, %dma_wait3A] : memref<10240x128xf32, #tpu.memory_space<vmem_shared>> -> memref<128x128xf32, #tpu.memory_space<vmem_shared>>
      %dma_wait3A_43 = arith.constant 0 : i32
      %dma_wait3A_44 = tpu.memref_slice %arg10[%add3A_4, %dma_wait3A_43] : memref<10240x128xf32, #tpu.memory_space<vmem_shared>> -> memref<128x128xf32, #tpu.memory_space<vmem_shared>>
      tpu.wait_dma2 semaphore(%run_scoped3A : memref<!tpu.dma_semaphore, #tpu.memory_space<semaphore_mem>>) src(%arg9 : memref<128x128xf32, #tpu.memory_space<vmem>>) dst(%dma_wait3A_44 : memref<128x128xf32, #tpu.memory_space<vmem_shared>>)
      tpu.yield
    }) : () -> ()
    %add3A_5 = arith.constant 128 : i32
    %add3A_6 = arith.addi %mul3A_0, %add3A_5 : i32
    "tpu.region"() ({
      %run_scoped3A = tpu.sem_alloc : memref<!tpu.dma_semaphore, #tpu.memory_space<semaphore_mem>>
      %dma_start3A = arith.constant 0 : i32
      %dma_start3A_39 = tpu.memref_slice %arg10[%add3A_6, %dma_start3A] : memref<10240x128xf32, #tpu.memory_space<vmem_shared>> -> memref<128x128xf32, #tpu.memory_space<vmem_shared>>
      %dma_start3A_40 = arith.constant 0 : i32
      %dma_start3A_41 = tpu.memref_slice %arg10[%add3A_6, %dma_start3A_40] : memref<10240x128xf32, #tpu.memory_space<vmem_shared>> -> memref<128x128xf32, #tpu.memory_space<vmem_shared>>
      tpu.enqueue_dma source(%arg9 : memref<128x128xf32, #tpu.memory_space<vmem>>) target(%dma_start3A_41 : memref<128x128xf32, #tpu.memory_space<vmem_shared>>) target_semaphore(%run_scoped3A : memref<!tpu.dma_semaphore, #tpu.memory_space<semaphore_mem>>)
      %dma_wait3A = arith.constant 0 : i32
      %dma_wait3A_42 = tpu.memref_slice %arg10[%add3A_6, %dma_wait3A] : memref<10240x128xf32, #tpu.memory_space<vmem_shared>> -> memref<128x128xf32, #tpu.memory_space<vmem_shared>>
      %dma_wait3A_43 = arith.constant 0 : i32
      %dma_wait3A_44 = tpu.memref_slice %arg10[%add3A_6, %dma_wait3A_43] : memref<10240x128xf32, #tpu.memory_space<vmem_shared>> -> memref<128x128xf32, #tpu.memory_space<vmem_shared>>
      tpu.wait_dma2 semaphore(%run_scoped3A : memref<!tpu.dma_semaphore, #tpu.memory_space<semaphore_mem>>) src(%arg9 : memref<128x128xf32, #tpu.memory_space<vmem>>) dst(%dma_wait3A_44 : memref<128x128xf32, #tpu.memory_space<vmem_shared>>)
      tpu.yield
    }) : () -> ()
    %add3A_7 = arith.constant 256 : i32
    %add3A_8 = arith.addi %mul3A_0, %add3A_7 : i32
    "tpu.region"() ({
      %run_scoped3A = tpu.sem_alloc : memref<!tpu.dma_semaphore, #tpu.memory_space<semaphore_mem>>
      %dma_start3A = arith.constant 0 : i32
      %dma_start3A_39 = tpu.memref_slice %arg10[%add3A_8, %dma_start3A] : memref<10240x128xf32, #tpu.memory_space<vmem_shared>> -> memref<128x128xf32, #tpu.memory_space<vmem_shared>>
      %dma_start3A_40 = arith.constant 0 : i32
      %dma_start3A_41 = tpu.memref_slice %arg10[%add3A_8, %dma_start3A_40] : memref<10240x128xf32, #tpu.memory_space<vmem_shared>> -> memref<128x128xf32, #tpu.memory_space<vmem_shared>>
      tpu.enqueue_dma source(%arg9 : memref<128x128xf32, #tpu.memory_space<vmem>>) target(%dma_start3A_41 : memref<128x128xf32, #tpu.memory_space<vmem_shared>>) target_semaphore(%run_scoped3A : memref<!tpu.dma_semaphore, #tpu.memory_space<semaphore_mem>>)
      %dma_wait3A = arith.constant 0 : i32
      %dma_wait3A_42 = tpu.memref_slice %arg10[%add3A_8, %dma_wait3A] : memref<10240x128xf32, #tpu.memory_space<vmem_shared>> -> memref<128x128xf32, #tpu.memory_space<vmem_shared>>
      %dma_wait3A_43 = arith.constant 0 : i32
      %dma_wait3A_44 = tpu.memref_slice %arg10[%add3A_8, %dma_wait3A_43] : memref<10240x128xf32, #tpu.memory_space<vmem_shared>> -> memref<128x128xf32, #tpu.memory_space<vmem_shared>>
      tpu.wait_dma2 semaphore(%run_scoped3A : memref<!tpu.dma_semaphore, #tpu.memory_space<semaphore_mem>>) src(%arg9 : memref<128x128xf32, #tpu.memory_space<vmem>>) dst(%dma_wait3A_44 : memref<128x128xf32, #tpu.memory_space<vmem_shared>>)
      tpu.yield
    }) : () -> ()
    %add3A_9 = arith.constant 384 : i32
    %add3A_10 = arith.addi %mul3A_0, %add3A_9 : i32
    "tpu.region"() ({
      %run_scoped3A = tpu.sem_alloc : memref<!tpu.dma_semaphore, #tpu.memory_space<semaphore_mem>>
      %dma_start3A = arith.constant 0 : i32
      %dma_start3A_39 = tpu.memref_slice %arg10[%add3A_10, %dma_start3A] : memref<10240x128xf32, #tpu.memory_space<vmem_shared>> -> memref<128x128xf32, #tpu.memory_space<vmem_shared>>
      %dma_start3A_40 = arith.constant 0 : i32
      %dma_start3A_41 = tpu.memref_slice %arg10[%add3A_10, %dma_start3A_40] : memref<10240x128xf32, #tpu.memory_space<vmem_shared>> -> memref<128x128xf32, #tpu.memory_space<vmem_shared>>
      tpu.enqueue_dma source(%arg9 : memref<128x128xf32, #tpu.memory_space<vmem>>) target(%dma_start3A_41 : memref<128x128xf32, #tpu.memory_space<vmem_shared>>) target_semaphore(%run_scoped3A : memref<!tpu.dma_semaphore, #tpu.memory_space<semaphore_mem>>)
      %dma_wait3A = arith.constant 0 : i32
      %dma_wait3A_42 = tpu.memref_slice %arg10[%add3A_10, %dma_wait3A] : memref<10240x128xf32, #tpu.memory_space<vmem_shared>> -> memref<128x128xf32, #tpu.memory_space<vmem_shared>>
      %dma_wait3A_43 = arith.constant 0 : i32
      %dma_wait3A_44 = tpu.memref_slice %arg10[%add3A_10, %dma_wait3A_43] : memref<10240x128xf32, #tpu.memory_space<vmem_shared>> -> memref<128x128xf32, #tpu.memory_space<vmem_shared>>
      tpu.wait_dma2 semaphore(%run_scoped3A : memref<!tpu.dma_semaphore, #tpu.memory_space<semaphore_mem>>) src(%arg9 : memref<128x128xf32, #tpu.memory_space<vmem>>) dst(%dma_wait3A_44 : memref<128x128xf32, #tpu.memory_space<vmem_shared>>)
      tpu.yield
    }) : () -> ()
    %add3A_11 = arith.constant 512 : i32
    %add3A_12 = arith.addi %mul3A_0, %add3A_11 : i32
    "tpu.region"() ({
      %run_scoped3A = tpu.sem_alloc : memref<!tpu.dma_semaphore, #tpu.memory_space<semaphore_mem>>
      %dma_start3A = arith.constant 0 : i32
      %dma_start3A_39 = tpu.memref_slice %arg10[%add3A_12, %dma_start3A] : memref<10240x128xf32, #tpu.memory_space<vmem_shared>> -> memref<128x128xf32, #tpu.memory_space<vmem_shared>>
      %dma_start3A_40 = arith.constant 0 : i32
      %dma_start3A_41 = tpu.memref_slice %arg10[%add3A_12, %dma_start3A_40] : memref<10240x128xf32, #tpu.memory_space<vmem_shared>> -> memref<128x128xf32, #tpu.memory_space<vmem_shared>>
      tpu.enqueue_dma source(%arg9 : memref<128x128xf32, #tpu.memory_space<vmem>>) target(%dma_start3A_41 : memref<128x128xf32, #tpu.memory_space<vmem_shared>>) target_semaphore(%run_scoped3A : memref<!tpu.dma_semaphore, #tpu.memory_space<semaphore_mem>>)
      %dma_wait3A = arith.constant 0 : i32
      %dma_wait3A_42 = tpu.memref_slice %arg10[%add3A_12, %dma_wait3A] : memref<10240x128xf32, #tpu.memory_space<vmem_shared>> -> memref<128x128xf32, #tpu.memory_space<vmem_shared>>
      %dma_wait3A_43 = arith.constant 0 : i32
      %dma_wait3A_44 = tpu.memref_slice %arg10[%add3A_12, %dma_wait3A_43] : memref<10240x128xf32, #tpu.memory_space<vmem_shared>> -> memref<128x128xf32, #tpu.memory_space<vmem_shared>>
      tpu.wait_dma2 semaphore(%run_scoped3A : memref<!tpu.dma_semaphore, #tpu.memory_space<semaphore_mem>>) src(%arg9 : memref<128x128xf32, #tpu.memory_space<vmem>>) dst(%dma_wait3A_44 : memref<128x128xf32, #tpu.memory_space<vmem_shared>>)
      tpu.yield
    }) : () -> ()
    "tpu.region"() ({
      %run_scoped3A = tpu.sem_alloc : memref<!tpu.dma_semaphore, #tpu.memory_space<semaphore_mem>>
      tpu.enqueue_dma source(%arg6 : memref<128x128xf32, #tpu.memory_space<hbm>>) target(%arg9 : memref<128x128xf32, #tpu.memory_space<vmem>>) target_semaphore(%run_scoped3A : memref<!tpu.dma_semaphore, #tpu.memory_space<semaphore_mem>>)
      tpu.wait_dma2 semaphore(%run_scoped3A : memref<!tpu.dma_semaphore, #tpu.memory_space<semaphore_mem>>) src(%arg6 : memref<128x128xf32, #tpu.memory_space<hbm>>) dst(%arg9 : memref<128x128xf32, #tpu.memory_space<vmem>>)
      tpu.yield
    }) : () -> ()
    %barrier3A = arith.constant 0 : index
    tpu.barrier barrier_id(%barrier3A)
    %scan3A = arith.constant 0 : i32
    %scan3A_13 = arith.constant 0 : i32
    %scan3A_14 = arith.constant 79 : i32
    %scan3A_15 = arith.addi %scan3A_13, %scan3A_14 : i32
    %scan3A_16 = arith.constant 1 : i32
    scf.for %scan3A_39 = %scan3A_13 to %scan3A_15 step %scan3A_16  : i32 {
      %mul3A_40 = arith.constant 1264 : i32
      %mul3A_41 = arith.muli %arg0, %mul3A_40 : i32
      %add3A_42 = arith.addi %mul3A_41, %arg1 : i32
      %mul3A_43 = arith.constant 16 : i32
      %mul3A_44 = arith.muli %scan3A_39, %mul3A_43 : i32
      %add3A_45 = arith.addi %add3A_42, %mul3A_44 : i32
      %mul3A_46 = arith.constant 128 : i32
      %mul3A_47 = arith.muli %add3A_45, %mul3A_46 : i32
      "tpu.region"() ({
        %run_scoped3A = tpu.sem_alloc : memref<!tpu.dma_semaphore, #tpu.memory_space<semaphore_mem>>
        %dma_start3A = tpu.memref_slice %arg4[%mul3A_47] : memref<323584xi32, #tpu.memory_space<hbm>> -> memref<128xi32, #tpu.memory_space<hbm>>
        %dma_start3A_48 = tpu.memref_slice %arg4[%mul3A_47] : memref<323584xi32, #tpu.memory_space<hbm>> -> memref<128xi32, #tpu.memory_space<hbm>>
        tpu.enqueue_dma source(%dma_start3A_48 : memref<128xi32, #tpu.memory_space<hbm>>) target(%arg8 : memref<128xi32, #tpu.memory_space<vmem>>) target_semaphore(%run_scoped3A : memref<!tpu.dma_semaphore, #tpu.memory_space<semaphore_mem>>)
        %dma_wait3A = tpu.memref_slice %arg4[%mul3A_47] : memref<323584xi32, #tpu.memory_space<hbm>> -> memref<128xi32, #tpu.memory_space<hbm>>
        %dma_wait3A_49 = tpu.memref_slice %arg4[%mul3A_47] : memref<323584xi32, #tpu.memory_space<hbm>> -> memref<128xi32, #tpu.memory_space<hbm>>
        tpu.wait_dma2 semaphore(%run_scoped3A : memref<!tpu.dma_semaphore, #tpu.memory_space<semaphore_mem>>) src(%dma_wait3A_49 : memref<128xi32, #tpu.memory_space<hbm>>) dst(%arg8 : memref<128xi32, #tpu.memory_space<vmem>>)
        tpu.yield
      }) : () -> ()
      "tpu.region"() ({
        %run_scoped3A = tpu.sem_alloc : memref<!tpu.dma_semaphore, #tpu.memory_space<semaphore_mem>>
        %dma_start3A = arith.constant 0 : i32
        %dma_start3A_48 = arith.constant 0 : i32
        %dma_start3A_49 = tpu.memref_slice %arg10[%dma_start3A, %dma_start3A_48] : memref<10240x128xf32, #tpu.memory_space<vmem_shared>> -> memref<10240x128xf32, #tpu.memory_space<vmem_shared>>
        tpu.enqueue_indirect_dma source(%arg9 : memref<128x128xf32, #tpu.memory_space<vmem>>) target(%dma_start3A_49 : memref<10240x128xf32, #tpu.memory_space<vmem_shared>>) offsets(%arg8 : memref<128xi32, #tpu.memory_space<vmem>>) semaphore(%run_scoped3A : memref<!tpu.dma_semaphore, #tpu.memory_space<semaphore_mem>>) {add = true}
        %dma_wait3A = arith.constant 0 : i32
        %dma_wait3A_50 = arith.constant 0 : i32
        %dma_wait3A_51 = tpu.memref_slice %arg10[%dma_wait3A, %dma_wait3A_50] : memref<10240x128xf32, #tpu.memory_space<vmem_shared>> -> memref<10240x128xf32, #tpu.memory_space<vmem_shared>>
        tpu.wait_indirect_dma semaphore(%run_scoped3A : memref<!tpu.dma_semaphore, #tpu.memory_space<semaphore_mem>>) src(%arg9 : memref<128x128xf32, #tpu.memory_space<vmem>>) dst(%dma_wait3A_51 : memref<10240x128xf32, #tpu.memory_space<vmem_shared>>)
        tpu.yield
      }) : () -> ()
    }
    %scan3A_17 = arith.constant 79 : i32
    %barrier3A_18 = arith.constant 0 : index
    tpu.barrier barrier_id(%barrier3A_18)
    %add3A_19 = arith.constant 0 : i32
    %add3A_20 = arith.addi %mul3A_0, %add3A_19 : i32
    "tpu.region"() ({
      %run_scoped3A = tpu.sem_alloc : memref<!tpu.dma_semaphore, #tpu.memory_space<semaphore_mem>>
      %dma_start3A = arith.constant 0 : i32
      %dma_start3A_39 = tpu.memref_slice %arg10[%add3A_20, %dma_start3A] : memref<10240x128xf32, #tpu.memory_space<vmem_shared>> -> memref<128x128xf32, #tpu.memory_space<vmem_shared>>
      %dma_start3A_40 = arith.constant 0 : i32
      %dma_start3A_41 = tpu.memref_slice %arg10[%add3A_20, %dma_start3A_40] : memref<10240x128xf32, #tpu.memory_space<vmem_shared>> -> memref<128x128xf32, #tpu.memory_space<vmem_shared>>
      tpu.enqueue_dma source(%dma_start3A_41 : memref<128x128xf32, #tpu.memory_space<vmem_shared>>) target(%arg9 : memref<128x128xf32, #tpu.memory_space<vmem>>) target_semaphore(%run_scoped3A : memref<!tpu.dma_semaphore, #tpu.memory_space<semaphore_mem>>)
      %dma_wait3A = arith.constant 0 : i32
      %dma_wait3A_42 = tpu.memref_slice %arg10[%add3A_20, %dma_wait3A] : memref<10240x128xf32, #tpu.memory_space<vmem_shared>> -> memref<128x128xf32, #tpu.memory_space<vmem_shared>>
      %dma_wait3A_43 = arith.constant 0 : i32
      %dma_wait3A_44 = tpu.memref_slice %arg10[%add3A_20, %dma_wait3A_43] : memref<10240x128xf32, #tpu.memory_space<vmem_shared>> -> memref<128x128xf32, #tpu.memory_space<vmem_shared>>
      tpu.wait_dma2 semaphore(%run_scoped3A : memref<!tpu.dma_semaphore, #tpu.memory_space<semaphore_mem>>) src(%dma_wait3A_44 : memref<128x128xf32, #tpu.memory_space<vmem_shared>>) dst(%arg9 : memref<128x128xf32, #tpu.memory_space<vmem>>)
      tpu.yield
    }) : () -> ()
    %add3A_21 = arith.constant 0 : i32
    %add3A_22 = arith.addi %add3A, %add3A_21 : i32
    "tpu.region"() ({
      %run_scoped3A = tpu.sem_alloc : memref<!tpu.dma_semaphore, #tpu.memory_space<semaphore_mem>>
      %dma_start3A = arith.constant 0 : i32
      %dma_start3A_39 = tpu.memref_slice %arg7[%add3A_22, %dma_start3A] : memref<20480x128xf32, #tpu.memory_space<hbm>> -> memref<128x128xf32, #tpu.memory_space<hbm>>
      %dma_start3A_40 = arith.constant 0 : i32
      %dma_start3A_41 = tpu.memref_slice %arg7[%add3A_22, %dma_start3A_40] : memref<20480x128xf32, #tpu.memory_space<hbm>> -> memref<128x128xf32, #tpu.memory_space<hbm>>
      tpu.enqueue_dma source(%arg9 : memref<128x128xf32, #tpu.memory_space<vmem>>) target(%dma_start3A_41 : memref<128x128xf32, #tpu.memory_space<hbm>>) target_semaphore(%run_scoped3A : memref<!tpu.dma_semaphore, #tpu.memory_space<semaphore_mem>>)
      %dma_wait3A = arith.constant 0 : i32
      %dma_wait3A_42 = tpu.memref_slice %arg7[%add3A_22, %dma_wait3A] : memref<20480x128xf32, #tpu.memory_space<hbm>> -> memref<128x128xf32, #tpu.memory_space<hbm>>
      %dma_wait3A_43 = arith.constant 0 : i32
      %dma_wait3A_44 = tpu.memref_slice %arg7[%add3A_22, %dma_wait3A_43] : memref<20480x128xf32, #tpu.memory_space<hbm>> -> memref<128x128xf32, #tpu.memory_space<hbm>>
      tpu.wait_dma2 semaphore(%run_scoped3A : memref<!tpu.dma_semaphore, #tpu.memory_space<semaphore_mem>>) src(%arg9 : memref<128x128xf32, #tpu.memory_space<vmem>>) dst(%dma_wait3A_44 : memref<128x128xf32, #tpu.memory_space<hbm>>)
      tpu.yield
    }) : () -> ()
    %add3A_23 = arith.constant 128 : i32
    %add3A_24 = arith.addi %mul3A_0, %add3A_23 : i32
    "tpu.region"() ({
      %run_scoped3A = tpu.sem_alloc : memref<!tpu.dma_semaphore, #tpu.memory_space<semaphore_mem>>
      %dma_start3A = arith.constant 0 : i32
      %dma_start3A_39 = tpu.memref_slice %arg10[%add3A_24, %dma_start3A] : memref<10240x128xf32, #tpu.memory_space<vmem_shared>> -> memref<128x128xf32, #tpu.memory_space<vmem_shared>>
      %dma_start3A_40 = arith.constant 0 : i32
      %dma_start3A_41 = tpu.memref_slice %arg10[%add3A_24, %dma_start3A_40] : memref<10240x128xf32, #tpu.memory_space<vmem_shared>> -> memref<128x128xf32, #tpu.memory_space<vmem_shared>>
      tpu.enqueue_dma source(%dma_start3A_41 : memref<128x128xf32, #tpu.memory_space<vmem_shared>>) target(%arg9 : memref<128x128xf32, #tpu.memory_space<vmem>>) target_semaphore(%run_scoped3A : memref<!tpu.dma_semaphore, #tpu.memory_space<semaphore_mem>>)
      %dma_wait3A = arith.constant 0 : i32
      %dma_wait3A_42 = tpu.memref_slice %arg10[%add3A_24, %dma_wait3A] : memref<10240x128xf32, #tpu.memory_space<vmem_shared>> -> memref<128x128xf32, #tpu.memory_space<vmem_shared>>
      %dma_wait3A_43 = arith.constant 0 : i32
      %dma_wait3A_44 = tpu.memref_slice %arg10[%add3A_24, %dma_wait3A_43] : memref<10240x128xf32, #tpu.memory_space<vmem_shared>> -> memref<128x128xf32, #tpu.memory_space<vmem_shared>>
      tpu.wait_dma2 semaphore(%run_scoped3A : memref<!tpu.dma_semaphore, #tpu.memory_space<semaphore_mem>>) src(%dma_wait3A_44 : memref<128x128xf32, #tpu.memory_space<vmem_shared>>) dst(%arg9 : memref<128x128xf32, #tpu.memory_space<vmem>>)
      tpu.yield
    }) : () -> ()
    %add3A_25 = arith.constant 128 : i32
    %add3A_26 = arith.addi %add3A, %add3A_25 : i32
    "tpu.region"() ({
      %run_scoped3A = tpu.sem_alloc : memref<!tpu.dma_semaphore, #tpu.memory_space<semaphore_mem>>
      %dma_start3A = arith.constant 0 : i32
      %dma_start3A_39 = tpu.memref_slice %arg7[%add3A_26, %dma_start3A] : memref<20480x128xf32, #tpu.memory_space<hbm>> -> memref<128x128xf32, #tpu.memory_space<hbm>>
      %dma_start3A_40 = arith.constant 0 : i32
      %dma_start3A_41 = tpu.memref_slice %arg7[%add3A_26, %dma_start3A_40] : memref<20480x128xf32, #tpu.memory_space<hbm>> -> memref<128x128xf32, #tpu.memory_space<hbm>>
      tpu.enqueue_dma source(%arg9 : memref<128x128xf32, #tpu.memory_space<vmem>>) target(%dma_start3A_41 : memref<128x128xf32, #tpu.memory_space<hbm>>) target_semaphore(%run_scoped3A : memref<!tpu.dma_semaphore, #tpu.memory_space<semaphore_mem>>)
      %dma_wait3A = arith.constant 0 : i32
      %dma_wait3A_42 = tpu.memref_slice %arg7[%add3A_26, %dma_wait3A] : memref<20480x128xf32, #tpu.memory_space<hbm>> -> memref<128x128xf32, #tpu.memory_space<hbm>>
      %dma_wait3A_43 = arith.constant 0 : i32
      %dma_wait3A_44 = tpu.memref_slice %arg7[%add3A_26, %dma_wait3A_43] : memref<20480x128xf32, #tpu.memory_space<hbm>> -> memref<128x128xf32, #tpu.memory_space<hbm>>
      tpu.wait_dma2 semaphore(%run_scoped3A : memref<!tpu.dma_semaphore, #tpu.memory_space<semaphore_mem>>) src(%arg9 : memref<128x128xf32, #tpu.memory_space<vmem>>) dst(%dma_wait3A_44 : memref<128x128xf32, #tpu.memory_space<hbm>>)
      tpu.yield
    }) : () -> ()
    %add3A_27 = arith.constant 256 : i32
    %add3A_28 = arith.addi %mul3A_0, %add3A_27 : i32
    "tpu.region"() ({
      %run_scoped3A = tpu.sem_alloc : memref<!tpu.dma_semaphore, #tpu.memory_space<semaphore_mem>>
      %dma_start3A = arith.constant 0 : i32
      %dma_start3A_39 = tpu.memref_slice %arg10[%add3A_28, %dma_start3A] : memref<10240x128xf32, #tpu.memory_space<vmem_shared>> -> memref<128x128xf32, #tpu.memory_space<vmem_shared>>
      %dma_start3A_40 = arith.constant 0 : i32
      %dma_start3A_41 = tpu.memref_slice %arg10[%add3A_28, %dma_start3A_40] : memref<10240x128xf32, #tpu.memory_space<vmem_shared>> -> memref<128x128xf32, #tpu.memory_space<vmem_shared>>
      tpu.enqueue_dma source(%dma_start3A_41 : memref<128x128xf32, #tpu.memory_space<vmem_shared>>) target(%arg9 : memref<128x128xf32, #tpu.memory_space<vmem>>) target_semaphore(%run_scoped3A : memref<!tpu.dma_semaphore, #tpu.memory_space<semaphore_mem>>)
      %dma_wait3A = arith.constant 0 : i32
      %dma_wait3A_42 = tpu.memref_slice %arg10[%add3A_28, %dma_wait3A] : memref<10240x128xf32, #tpu.memory_space<vmem_shared>> -> memref<128x128xf32, #tpu.memory_space<vmem_shared>>
      %dma_wait3A_43 = arith.constant 0 : i32
      %dma_wait3A_44 = tpu.memref_slice %arg10[%add3A_28, %dma_wait3A_43] : memref<10240x128xf32, #tpu.memory_space<vmem_shared>> -> memref<128x128xf32, #tpu.memory_space<vmem_shared>>
      tpu.wait_dma2 semaphore(%run_scoped3A : memref<!tpu.dma_semaphore, #tpu.memory_space<semaphore_mem>>) src(%dma_wait3A_44 : memref<128x128xf32, #tpu.memory_space<vmem_shared>>) dst(%arg9 : memref<128x128xf32, #tpu.memory_space<vmem>>)
      tpu.yield
    }) : () -> ()
    %add3A_29 = arith.constant 256 : i32
    %add3A_30 = arith.addi %add3A, %add3A_29 : i32
    "tpu.region"() ({
      %run_scoped3A = tpu.sem_alloc : memref<!tpu.dma_semaphore, #tpu.memory_space<semaphore_mem>>
      %dma_start3A = arith.constant 0 : i32
      %dma_start3A_39 = tpu.memref_slice %arg7[%add3A_30, %dma_start3A] : memref<20480x128xf32, #tpu.memory_space<hbm>> -> memref<128x128xf32, #tpu.memory_space<hbm>>
      %dma_start3A_40 = arith.constant 0 : i32
      %dma_start3A_41 = tpu.memref_slice %arg7[%add3A_30, %dma_start3A_40] : memref<20480x128xf32, #tpu.memory_space<hbm>> -> memref<128x128xf32, #tpu.memory_space<hbm>>
      tpu.enqueue_dma source(%arg9 : memref<128x128xf32, #tpu.memory_space<vmem>>) target(%dma_start3A_41 : memref<128x128xf32, #tpu.memory_space<hbm>>) target_semaphore(%run_scoped3A : memref<!tpu.dma_semaphore, #tpu.memory_space<semaphore_mem>>)
      %dma_wait3A = arith.constant 0 : i32
      %dma_wait3A_42 = tpu.memref_slice %arg7[%add3A_30, %dma_wait3A] : memref<20480x128xf32, #tpu.memory_space<hbm>> -> memref<128x128xf32, #tpu.memory_space<hbm>>
      %dma_wait3A_43 = arith.constant 0 : i32
      %dma_wait3A_44 = tpu.memref_slice %arg7[%add3A_30, %dma_wait3A_43] : memref<20480x128xf32, #tpu.memory_space<hbm>> -> memref<128x128xf32, #tpu.memory_space<hbm>>
      tpu.wait_dma2 semaphore(%run_scoped3A : memref<!tpu.dma_semaphore, #tpu.memory_space<semaphore_mem>>) src(%arg9 : memref<128x128xf32, #tpu.memory_space<vmem>>) dst(%dma_wait3A_44 : memref<128x128xf32, #tpu.memory_space<hbm>>)
      tpu.yield
    }) : () -> ()
    %add3A_31 = arith.constant 384 : i32
    %add3A_32 = arith.addi %mul3A_0, %add3A_31 : i32
    "tpu.region"() ({
      %run_scoped3A = tpu.sem_alloc : memref<!tpu.dma_semaphore, #tpu.memory_space<semaphore_mem>>
      %dma_start3A = arith.constant 0 : i32
      %dma_start3A_39 = tpu.memref_slice %arg10[%add3A_32, %dma_start3A] : memref<10240x128xf32, #tpu.memory_space<vmem_shared>> -> memref<128x128xf32, #tpu.memory_space<vmem_shared>>
      %dma_start3A_40 = arith.constant 0 : i32
      %dma_start3A_41 = tpu.memref_slice %arg10[%add3A_32, %dma_start3A_40] : memref<10240x128xf32, #tpu.memory_space<vmem_shared>> -> memref<128x128xf32, #tpu.memory_space<vmem_shared>>
      tpu.enqueue_dma source(%dma_start3A_41 : memref<128x128xf32, #tpu.memory_space<vmem_shared>>) target(%arg9 : memref<128x128xf32, #tpu.memory_space<vmem>>) target_semaphore(%run_scoped3A : memref<!tpu.dma_semaphore, #tpu.memory_space<semaphore_mem>>)
      %dma_wait3A = arith.constant 0 : i32
      %dma_wait3A_42 = tpu.memref_slice %arg10[%add3A_32, %dma_wait3A] : memref<10240x128xf32, #tpu.memory_space<vmem_shared>> -> memref<128x128xf32, #tpu.memory_space<vmem_shared>>
      %dma_wait3A_43 = arith.constant 0 : i32
      %dma_wait3A_44 = tpu.memref_slice %arg10[%add3A_32, %dma_wait3A_43] : memref<10240x128xf32, #tpu.memory_space<vmem_shared>> -> memref<128x128xf32, #tpu.memory_space<vmem_shared>>
      tpu.wait_dma2 semaphore(%run_scoped3A : memref<!tpu.dma_semaphore, #tpu.memory_space<semaphore_mem>>) src(%dma_wait3A_44 : memref<128x128xf32, #tpu.memory_space<vmem_shared>>) dst(%arg9 : memref<128x128xf32, #tpu.memory_space<vmem>>)
      tpu.yield
    }) : () -> ()
    %add3A_33 = arith.constant 384 : i32
    %add3A_34 = arith.addi %add3A, %add3A_33 : i32
    "tpu.region"() ({
      %run_scoped3A = tpu.sem_alloc : memref<!tpu.dma_semaphore, #tpu.memory_space<semaphore_mem>>
      %dma_start3A = arith.constant 0 : i32
      %dma_start3A_39 = tpu.memref_slice %arg7[%add3A_34, %dma_start3A] : memref<20480x128xf32, #tpu.memory_space<hbm>> -> memref<128x128xf32, #tpu.memory_space<hbm>>
      %dma_start3A_40 = arith.constant 0 : i32
      %dma_start3A_41 = tpu.memref_slice %arg7[%add3A_34, %dma_start3A_40] : memref<20480x128xf32, #tpu.memory_space<hbm>> -> memref<128x128xf32, #tpu.memory_space<hbm>>
      tpu.enqueue_dma source(%arg9 : memref<128x128xf32, #tpu.memory_space<vmem>>) target(%dma_start3A_41 : memref<128x128xf32, #tpu.memory_space<hbm>>) target_semaphore(%run_scoped3A : memref<!tpu.dma_semaphore, #tpu.memory_space<semaphore_mem>>)
      %dma_wait3A = arith.constant 0 : i32
      %dma_wait3A_42 = tpu.memref_slice %arg7[%add3A_34, %dma_wait3A] : memref<20480x128xf32, #tpu.memory_space<hbm>> -> memref<128x128xf32, #tpu.memory_space<hbm>>
      %dma_wait3A_43 = arith.constant 0 : i32
      %dma_wait3A_44 = tpu.memref_slice %arg7[%add3A_34, %dma_wait3A_43] : memref<20480x128xf32, #tpu.memory_space<hbm>> -> memref<128x128xf32, #tpu.memory_space<hbm>>
      tpu.wait_dma2 semaphore(%run_scoped3A : memref<!tpu.dma_semaphore, #tpu.memory_space<semaphore_mem>>) src(%arg9 : memref<128x128xf32, #tpu.memory_space<vmem>>) dst(%dma_wait3A_44 : memref<128x128xf32, #tpu.memory_space<hbm>>)
      tpu.yield
    }) : () -> ()
    %add3A_35 = arith.constant 512 : i32
    %add3A_36 = arith.addi %mul3A_0, %add3A_35 : i32
    "tpu.region"() ({
      %run_scoped3A = tpu.sem_alloc : memref<!tpu.dma_semaphore, #tpu.memory_space<semaphore_mem>>
      %dma_start3A = arith.constant 0 : i32
      %dma_start3A_39 = tpu.memref_slice %arg10[%add3A_36, %dma_start3A] : memref<10240x128xf32, #tpu.memory_space<vmem_shared>> -> memref<128x128xf32, #tpu.memory_space<vmem_shared>>
      %dma_start3A_40 = arith.constant 0 : i32
      %dma_start3A_41 = tpu.memref_slice %arg10[%add3A_36, %dma_start3A_40] : memref<10240x128xf32, #tpu.memory_space<vmem_shared>> -> memref<128x128xf32, #tpu.memory_space<vmem_shared>>
      tpu.enqueue_dma source(%dma_start3A_41 : memref<128x128xf32, #tpu.memory_space<vmem_shared>>) target(%arg9 : memref<128x128xf32, #tpu.memory_space<vmem>>) target_semaphore(%run_scoped3A : memref<!tpu.dma_semaphore, #tpu.memory_space<semaphore_mem>>)
      %dma_wait3A = arith.constant 0 : i32
      %dma_wait3A_42 = tpu.memref_slice %arg10[%add3A_36, %dma_wait3A] : memref<10240x128xf32, #tpu.memory_space<vmem_shared>> -> memref<128x128xf32, #tpu.memory_space<vmem_shared>>
      %dma_wait3A_43 = arith.constant 0 : i32
      %dma_wait3A_44 = tpu.memref_slice %arg10[%add3A_36, %dma_wait3A_43] : memref<10240x128xf32, #tpu.memory_space<vmem_shared>> -> memref<128x128xf32, #tpu.memory_space<vmem_shared>>
      tpu.wait_dma2 semaphore(%run_scoped3A : memref<!tpu.dma_semaphore, #tpu.memory_space<semaphore_mem>>) src(%dma_wait3A_44 : memref<128x128xf32, #tpu.memory_space<vmem_shared>>) dst(%arg9 : memref<128x128xf32, #tpu.memory_space<vmem>>)
      tpu.yield
    }) : () -> ()
    %add3A_37 = arith.constant 512 : i32
    %add3A_38 = arith.addi %add3A, %add3A_37 : i32
    "tpu.region"() ({
      %run_scoped3A = tpu.sem_alloc : memref<!tpu.dma_semaphore, #tpu.memory_space<semaphore_mem>>
      %dma_start3A = arith.constant 0 : i32
      %dma_start3A_39 = tpu.memref_slice %arg7[%add3A_38, %dma_start3A] : memref<20480x128xf32, #tpu.memory_space<hbm>> -> memref<128x128xf32, #tpu.memory_space<hbm>>
      %dma_start3A_40 = arith.constant 0 : i32
      %dma_start3A_41 = tpu.memref_slice %arg7[%add3A_38, %dma_start3A_40] : memref<20480x128xf32, #tpu.memory_space<hbm>> -> memref<128x128xf32, #tpu.memory_space<hbm>>
      tpu.enqueue_dma source(%arg9 : memref<128x128xf32, #tpu.memory_space<vmem>>) target(%dma_start3A_41 : memref<128x128xf32, #tpu.memory_space<hbm>>) target_semaphore(%run_scoped3A : memref<!tpu.dma_semaphore, #tpu.memory_space<semaphore_mem>>)
      %dma_wait3A = arith.constant 0 : i32
      %dma_wait3A_42 = tpu.memref_slice %arg7[%add3A_38, %dma_wait3A] : memref<20480x128xf32, #tpu.memory_space<hbm>> -> memref<128x128xf32, #tpu.memory_space<hbm>>
      %dma_wait3A_43 = arith.constant 0 : i32
      %dma_wait3A_44 = tpu.memref_slice %arg7[%add3A_38, %dma_wait3A_43] : memref<20480x128xf32, #tpu.memory_space<hbm>> -> memref<128x128xf32, #tpu.memory_space<hbm>>
      tpu.wait_dma2 semaphore(%run_scoped3A : memref<!tpu.dma_semaphore, #tpu.memory_space<semaphore_mem>>) src(%arg9 : memref<128x128xf32, #tpu.memory_space<vmem>>) dst(%dma_wait3A_44 : memref<128x128xf32, #tpu.memory_space<hbm>>)
      tpu.yield
    }) : () -> ()
    return
  }
}

#map = affine_map<(d0, d1) -> (0, 0)>
#map1 = affine_map<(d0, d1) -> (0)>
module attributes {stable_mosaic.version = 14 : i64} {
  func.func @body(%arg0: i32, %arg1: i32, %arg2: memref<10000x128xf32, #tpu.memory_space<hbm>>, %arg3: memref<323584xi32, #tpu.memory_space<hbm>>, %arg4: memref<323584xi32, #tpu.memory_space<hbm>>, %arg5: memref<128x128xf32, #tpu.memory_space<hbm>>, %arg6: memref<128x128xf32, #tpu.memory_space<hbm>>, %arg7: memref<20480x128xf32, #tpu.memory_space<hbm>>, %arg8: memref<128xi32, #tpu.memory_space<vmem>>, %arg9: memref<128x128xf32, #tpu.memory_space<vmem>>, %arg10: memref<10240x128xf32, #tpu.memory_space<vmem_shared>>, %arg11: memref<!tpu.dma_semaphore, #tpu.memory_space<semaphore_mem>>, %arg12: memref<128xi32, #tpu.memory_space<vmem>>) attributes {dimension_semantics = [#tpu.dimension_semantics<core_parallel>, #tpu.dimension_semantics<subcore_parallel>], iteration_bounds = array<i64: 2, 16>, scalar_prefetch = 0 : i64, scratch_operands = 5 : i64, tpu.core_type = #tpu.core_type<sc_vector_subcore>, window_params = [{transform_indices = #map}, {transform_indices = #map1}, {transform_indices = #map1}, {transform_indices = #map}, {transform_indices = #map}, {transform_indices = #map}]} {
    %mul3A = arith.constant 640 : i32
    %mul3A_0 = arith.muli %arg1, %mul3A : i32
    %mul3A_1 = arith.constant 10240 : i32
    %mul3A_2 = arith.muli %arg0, %mul3A_1 : i32
    %add3A = arith.addi %mul3A_2, %mul3A_0 : i32
    "tpu.region"() ({
      %run_scoped3A = tpu.sem_alloc : memref<!tpu.dma_semaphore, #tpu.memory_space<semaphore_mem>>
      tpu.enqueue_dma source(%arg5 : memref<128x128xf32, #tpu.memory_space<hbm>>) target(%arg9 : memref<128x128xf32, #tpu.memory_space<vmem>>) target_semaphore(%run_scoped3A : memref<!tpu.dma_semaphore, #tpu.memory_space<semaphore_mem>>)
      tpu.wait_dma2 semaphore(%run_scoped3A : memref<!tpu.dma_semaphore, #tpu.memory_space<semaphore_mem>>) src(%arg5 : memref<128x128xf32, #tpu.memory_space<hbm>>) dst(%arg9 : memref<128x128xf32, #tpu.memory_space<vmem>>)
      tpu.yield
    }) : () -> ()
    %add3A_3 = arith.constant 0 : i32
    %add3A_4 = arith.addi %mul3A_0, %add3A_3 : i32
    "tpu.region"() ({
      %run_scoped3A = tpu.sem_alloc : memref<!tpu.dma_semaphore, #tpu.memory_space<semaphore_mem>>
      %dma_start3A = arith.constant 0 : i32
      %dma_start3A_39 = tpu.memref_slice %arg10[%add3A_4, %dma_start3A] : memref<10240x128xf32, #tpu.memory_space<vmem_shared>> -> memref<128x128xf32, #tpu.memory_space<vmem_shared>>
      %dma_start3A_40 = arith.constant 0 : i32
      %dma_start3A_41 = tpu.memref_slice %arg10[%add3A_4, %dma_start3A_40] : memref<10240x128xf32, #tpu.memory_space<vmem_shared>> -> memref<128x128xf32, #tpu.memory_space<vmem_shared>>
      tpu.enqueue_dma source(%arg9 : memref<128x128xf32, #tpu.memory_space<vmem>>) target(%dma_start3A_41 : memref<128x128xf32, #tpu.memory_space<vmem_shared>>) target_semaphore(%run_scoped3A : memref<!tpu.dma_semaphore, #tpu.memory_space<semaphore_mem>>)
      %dma_wait3A = arith.constant 0 : i32
      %dma_wait3A_42 = tpu.memref_slice %arg10[%add3A_4, %dma_wait3A] : memref<10240x128xf32, #tpu.memory_space<vmem_shared>> -> memref<128x128xf32, #tpu.memory_space<vmem_shared>>
      %dma_wait3A_43 = arith.constant 0 : i32
      %dma_wait3A_44 = tpu.memref_slice %arg10[%add3A_4, %dma_wait3A_43] : memref<10240x128xf32, #tpu.memory_space<vmem_shared>> -> memref<128x128xf32, #tpu.memory_space<vmem_shared>>
      tpu.wait_dma2 semaphore(%run_scoped3A : memref<!tpu.dma_semaphore, #tpu.memory_space<semaphore_mem>>) src(%arg9 : memref<128x128xf32, #tpu.memory_space<vmem>>) dst(%dma_wait3A_44 : memref<128x128xf32, #tpu.memory_space<vmem_shared>>)
      tpu.yield
    }) : () -> ()
    %add3A_5 = arith.constant 128 : i32
    %add3A_6 = arith.addi %mul3A_0, %add3A_5 : i32
    "tpu.region"() ({
      %run_scoped3A = tpu.sem_alloc : memref<!tpu.dma_semaphore, #tpu.memory_space<semaphore_mem>>
      %dma_start3A = arith.constant 0 : i32
      %dma_start3A_39 = tpu.memref_slice %arg10[%add3A_6, %dma_start3A] : memref<10240x128xf32, #tpu.memory_space<vmem_shared>> -> memref<128x128xf32, #tpu.memory_space<vmem_shared>>
      %dma_start3A_40 = arith.constant 0 : i32
      %dma_start3A_41 = tpu.memref_slice %arg10[%add3A_6, %dma_start3A_40] : memref<10240x128xf32, #tpu.memory_space<vmem_shared>> -> memref<128x128xf32, #tpu.memory_space<vmem_shared>>
      tpu.enqueue_dma source(%arg9 : memref<128x128xf32, #tpu.memory_space<vmem>>) target(%dma_start3A_41 : memref<128x128xf32, #tpu.memory_space<vmem_shared>>) target_semaphore(%run_scoped3A : memref<!tpu.dma_semaphore, #tpu.memory_space<semaphore_mem>>)
      %dma_wait3A = arith.constant 0 : i32
      %dma_wait3A_42 = tpu.memref_slice %arg10[%add3A_6, %dma_wait3A] : memref<10240x128xf32, #tpu.memory_space<vmem_shared>> -> memref<128x128xf32, #tpu.memory_space<vmem_shared>>
      %dma_wait3A_43 = arith.constant 0 : i32
      %dma_wait3A_44 = tpu.memref_slice %arg10[%add3A_6, %dma_wait3A_43] : memref<10240x128xf32, #tpu.memory_space<vmem_shared>> -> memref<128x128xf32, #tpu.memory_space<vmem_shared>>
      tpu.wait_dma2 semaphore(%run_scoped3A : memref<!tpu.dma_semaphore, #tpu.memory_space<semaphore_mem>>) src(%arg9 : memref<128x128xf32, #tpu.memory_space<vmem>>) dst(%dma_wait3A_44 : memref<128x128xf32, #tpu.memory_space<vmem_shared>>)
      tpu.yield
    }) : () -> ()
    %add3A_7 = arith.constant 256 : i32
    %add3A_8 = arith.addi %mul3A_0, %add3A_7 : i32
    "tpu.region"() ({
      %run_scoped3A = tpu.sem_alloc : memref<!tpu.dma_semaphore, #tpu.memory_space<semaphore_mem>>
      %dma_start3A = arith.constant 0 : i32
      %dma_start3A_39 = tpu.memref_slice %arg10[%add3A_8, %dma_start3A] : memref<10240x128xf32, #tpu.memory_space<vmem_shared>> -> memref<128x128xf32, #tpu.memory_space<vmem_shared>>
      %dma_start3A_40 = arith.constant 0 : i32
      %dma_start3A_41 = tpu.memref_slice %arg10[%add3A_8, %dma_start3A_40] : memref<10240x128xf32, #tpu.memory_space<vmem_shared>> -> memref<128x128xf32, #tpu.memory_space<vmem_shared>>
      tpu.enqueue_dma source(%arg9 : memref<128x128xf32, #tpu.memory_space<vmem>>) target(%dma_start3A_41 : memref<128x128xf32, #tpu.memory_space<vmem_shared>>) target_semaphore(%run_scoped3A : memref<!tpu.dma_semaphore, #tpu.memory_space<semaphore_mem>>)
      %dma_wait3A = arith.constant 0 : i32
      %dma_wait3A_42 = tpu.memref_slice %arg10[%add3A_8, %dma_wait3A] : memref<10240x128xf32, #tpu.memory_space<vmem_shared>> -> memref<128x128xf32, #tpu.memory_space<vmem_shared>>
      %dma_wait3A_43 = arith.constant 0 : i32
      %dma_wait3A_44 = tpu.memref_slice %arg10[%add3A_8, %dma_wait3A_43] : memref<10240x128xf32, #tpu.memory_space<vmem_shared>> -> memref<128x128xf32, #tpu.memory_space<vmem_shared>>
      tpu.wait_dma2 semaphore(%run_scoped3A : memref<!tpu.dma_semaphore, #tpu.memory_space<semaphore_mem>>) src(%arg9 : memref<128x128xf32, #tpu.memory_space<vmem>>) dst(%dma_wait3A_44 : memref<128x128xf32, #tpu.memory_space<vmem_shared>>)
      tpu.yield
    }) : () -> ()
    %add3A_9 = arith.constant 384 : i32
    %add3A_10 = arith.addi %mul3A_0, %add3A_9 : i32
    "tpu.region"() ({
      %run_scoped3A = tpu.sem_alloc : memref<!tpu.dma_semaphore, #tpu.memory_space<semaphore_mem>>
      %dma_start3A = arith.constant 0 : i32
      %dma_start3A_39 = tpu.memref_slice %arg10[%add3A_10, %dma_start3A] : memref<10240x128xf32, #tpu.memory_space<vmem_shared>> -> memref<128x128xf32, #tpu.memory_space<vmem_shared>>
      %dma_start3A_40 = arith.constant 0 : i32
      %dma_start3A_41 = tpu.memref_slice %arg10[%add3A_10, %dma_start3A_40] : memref<10240x128xf32, #tpu.memory_space<vmem_shared>> -> memref<128x128xf32, #tpu.memory_space<vmem_shared>>
      tpu.enqueue_dma source(%arg9 : memref<128x128xf32, #tpu.memory_space<vmem>>) target(%dma_start3A_41 : memref<128x128xf32, #tpu.memory_space<vmem_shared>>) target_semaphore(%run_scoped3A : memref<!tpu.dma_semaphore, #tpu.memory_space<semaphore_mem>>)
      %dma_wait3A = arith.constant 0 : i32
      %dma_wait3A_42 = tpu.memref_slice %arg10[%add3A_10, %dma_wait3A] : memref<10240x128xf32, #tpu.memory_space<vmem_shared>> -> memref<128x128xf32, #tpu.memory_space<vmem_shared>>
      %dma_wait3A_43 = arith.constant 0 : i32
      %dma_wait3A_44 = tpu.memref_slice %arg10[%add3A_10, %dma_wait3A_43] : memref<10240x128xf32, #tpu.memory_space<vmem_shared>> -> memref<128x128xf32, #tpu.memory_space<vmem_shared>>
      tpu.wait_dma2 semaphore(%run_scoped3A : memref<!tpu.dma_semaphore, #tpu.memory_space<semaphore_mem>>) src(%arg9 : memref<128x128xf32, #tpu.memory_space<vmem>>) dst(%dma_wait3A_44 : memref<128x128xf32, #tpu.memory_space<vmem_shared>>)
      tpu.yield
    }) : () -> ()
    %add3A_11 = arith.constant 512 : i32
    %add3A_12 = arith.addi %mul3A_0, %add3A_11 : i32
    "tpu.region"() ({
      %run_scoped3A = tpu.sem_alloc : memref<!tpu.dma_semaphore, #tpu.memory_space<semaphore_mem>>
      %dma_start3A = arith.constant 0 : i32
      %dma_start3A_39 = tpu.memref_slice %arg10[%add3A_12, %dma_start3A] : memref<10240x128xf32, #tpu.memory_space<vmem_shared>> -> memref<128x128xf32, #tpu.memory_space<vmem_shared>>
      %dma_start3A_40 = arith.constant 0 : i32
      %dma_start3A_41 = tpu.memref_slice %arg10[%add3A_12, %dma_start3A_40] : memref<10240x128xf32, #tpu.memory_space<vmem_shared>> -> memref<128x128xf32, #tpu.memory_space<vmem_shared>>
      tpu.enqueue_dma source(%arg9 : memref<128x128xf32, #tpu.memory_space<vmem>>) target(%dma_start3A_41 : memref<128x128xf32, #tpu.memory_space<vmem_shared>>) target_semaphore(%run_scoped3A : memref<!tpu.dma_semaphore, #tpu.memory_space<semaphore_mem>>)
      %dma_wait3A = arith.constant 0 : i32
      %dma_wait3A_42 = tpu.memref_slice %arg10[%add3A_12, %dma_wait3A] : memref<10240x128xf32, #tpu.memory_space<vmem_shared>> -> memref<128x128xf32, #tpu.memory_space<vmem_shared>>
      %dma_wait3A_43 = arith.constant 0 : i32
      %dma_wait3A_44 = tpu.memref_slice %arg10[%add3A_12, %dma_wait3A_43] : memref<10240x128xf32, #tpu.memory_space<vmem_shared>> -> memref<128x128xf32, #tpu.memory_space<vmem_shared>>
      tpu.wait_dma2 semaphore(%run_scoped3A : memref<!tpu.dma_semaphore, #tpu.memory_space<semaphore_mem>>) src(%arg9 : memref<128x128xf32, #tpu.memory_space<vmem>>) dst(%dma_wait3A_44 : memref<128x128xf32, #tpu.memory_space<vmem_shared>>)
      tpu.yield
    }) : () -> ()
    %barrier3A = arith.constant 0 : index
    tpu.barrier barrier_id(%barrier3A)
    %scan3A = arith.constant 0 : i32
    %scan3A_13 = arith.constant 0 : i32
    %scan3A_14 = arith.constant 79 : i32
    %scan3A_15 = arith.addi %scan3A_13, %scan3A_14 : i32
    %scan3A_16 = arith.constant 1 : i32
    scf.for %scan3A_39 = %scan3A_13 to %scan3A_15 step %scan3A_16  : i32 {
      %mul3A_40 = arith.constant 1264 : i32
      %mul3A_41 = arith.muli %arg0, %mul3A_40 : i32
      %add3A_42 = arith.addi %mul3A_41, %arg1 : i32
      %mul3A_43 = arith.constant 16 : i32
      %mul3A_44 = arith.muli %scan3A_39, %mul3A_43 : i32
      %add3A_45 = arith.addi %add3A_42, %mul3A_44 : i32
      %mul3A_46 = arith.constant 128 : i32
      %mul3A_47 = arith.muli %add3A_45, %mul3A_46 : i32
      "tpu.region"() ({
        %run_scoped3A = tpu.sem_alloc : memref<!tpu.dma_semaphore, #tpu.memory_space<semaphore_mem>>
        %dma_start3A_52 = tpu.memref_slice %arg4[%mul3A_47] : memref<323584xi32, #tpu.memory_space<hbm>> -> memref<128xi32, #tpu.memory_space<hbm>>
        %dma_start3A_53 = tpu.memref_slice %arg4[%mul3A_47] : memref<323584xi32, #tpu.memory_space<hbm>> -> memref<128xi32, #tpu.memory_space<hbm>>
        tpu.enqueue_dma source(%dma_start3A_53 : memref<128xi32, #tpu.memory_space<hbm>>) target(%arg8 : memref<128xi32, #tpu.memory_space<vmem>>) target_semaphore(%run_scoped3A : memref<!tpu.dma_semaphore, #tpu.memory_space<semaphore_mem>>)
        %dma_wait3A_54 = tpu.memref_slice %arg4[%mul3A_47] : memref<323584xi32, #tpu.memory_space<hbm>> -> memref<128xi32, #tpu.memory_space<hbm>>
        %dma_wait3A_55 = tpu.memref_slice %arg4[%mul3A_47] : memref<323584xi32, #tpu.memory_space<hbm>> -> memref<128xi32, #tpu.memory_space<hbm>>
        tpu.wait_dma2 semaphore(%run_scoped3A : memref<!tpu.dma_semaphore, #tpu.memory_space<semaphore_mem>>) src(%dma_wait3A_55 : memref<128xi32, #tpu.memory_space<hbm>>) dst(%arg8 : memref<128xi32, #tpu.memory_space<vmem>>)
        tpu.yield
      }) : () -> ()
      "tpu.region"() ({
        %run_scoped3A = tpu.sem_alloc : memref<!tpu.dma_semaphore, #tpu.memory_space<semaphore_mem>>
        %dma_start3A_52 = tpu.memref_slice %arg3[%mul3A_47] : memref<323584xi32, #tpu.memory_space<hbm>> -> memref<128xi32, #tpu.memory_space<hbm>>
        %dma_start3A_53 = tpu.memref_slice %arg3[%mul3A_47] : memref<323584xi32, #tpu.memory_space<hbm>> -> memref<128xi32, #tpu.memory_space<hbm>>
        tpu.enqueue_dma source(%dma_start3A_53 : memref<128xi32, #tpu.memory_space<hbm>>) target(%arg12 : memref<128xi32, #tpu.memory_space<vmem>>) target_semaphore(%run_scoped3A : memref<!tpu.dma_semaphore, #tpu.memory_space<semaphore_mem>>)
        %dma_wait3A_54 = tpu.memref_slice %arg3[%mul3A_47] : memref<323584xi32, #tpu.memory_space<hbm>> -> memref<128xi32, #tpu.memory_space<hbm>>
        %dma_wait3A_55 = tpu.memref_slice %arg3[%mul3A_47] : memref<323584xi32, #tpu.memory_space<hbm>> -> memref<128xi32, #tpu.memory_space<hbm>>
        tpu.wait_dma2 semaphore(%run_scoped3A : memref<!tpu.dma_semaphore, #tpu.memory_space<semaphore_mem>>) src(%dma_wait3A_55 : memref<128xi32, #tpu.memory_space<hbm>>) dst(%arg12 : memref<128xi32, #tpu.memory_space<vmem>>)
        tpu.yield
      }) : () -> ()
      %dma_start3A = arith.constant 0 : i32
      %dma_start3A_48 = arith.constant 0 : i32
      %dma_start3A_49 = tpu.memref_slice %arg2[%dma_start3A, %dma_start3A_48] : memref<10000x128xf32, #tpu.memory_space<hbm>> -> memref<10000x128xf32, #tpu.memory_space<hbm>>
      tpu.enqueue_indirect_dma source(%dma_start3A_49 : memref<10000x128xf32, #tpu.memory_space<hbm>>) target(%arg9 : memref<128x128xf32, #tpu.memory_space<vmem>>) offsets(%arg12 : memref<128xi32, #tpu.memory_space<vmem>>) semaphore(%arg11 : memref<!tpu.dma_semaphore, #tpu.memory_space<semaphore_mem>>)
      %dma_wait3A = arith.constant 0 : i32
      %dma_wait3A_50 = arith.constant 0 : i32
      %dma_wait3A_51 = tpu.memref_slice %arg2[%dma_wait3A, %dma_wait3A_50] : memref<10000x128xf32, #tpu.memory_space<hbm>> -> memref<10000x128xf32, #tpu.memory_space<hbm>>
      tpu.wait_indirect_dma semaphore(%arg11 : memref<!tpu.dma_semaphore, #tpu.memory_space<semaphore_mem>>) src(%dma_wait3A_51 : memref<10000x128xf32, #tpu.memory_space<hbm>>) dst(%arg9 : memref<128x128xf32, #tpu.memory_space<vmem>>)
      "tpu.region"() ({
        %run_scoped3A = tpu.sem_alloc : memref<!tpu.dma_semaphore, #tpu.memory_space<semaphore_mem>>
        %dma_start3A_52 = arith.constant 0 : i32
        %dma_start3A_53 = arith.constant 0 : i32
        %dma_start3A_54 = tpu.memref_slice %arg10[%dma_start3A_52, %dma_start3A_53] : memref<10240x128xf32, #tpu.memory_space<vmem_shared>> -> memref<10240x128xf32, #tpu.memory_space<vmem_shared>>
        tpu.enqueue_indirect_dma source(%arg9 : memref<128x128xf32, #tpu.memory_space<vmem>>) target(%dma_start3A_54 : memref<10240x128xf32, #tpu.memory_space<vmem_shared>>) offsets(%arg8 : memref<128xi32, #tpu.memory_space<vmem>>) semaphore(%run_scoped3A : memref<!tpu.dma_semaphore, #tpu.memory_space<semaphore_mem>>) {add = true}
        %dma_wait3A_55 = arith.constant 0 : i32
        %dma_wait3A_56 = arith.constant 0 : i32
        %dma_wait3A_57 = tpu.memref_slice %arg10[%dma_wait3A_55, %dma_wait3A_56] : memref<10240x128xf32, #tpu.memory_space<vmem_shared>> -> memref<10240x128xf32, #tpu.memory_space<vmem_shared>>
        tpu.wait_indirect_dma semaphore(%run_scoped3A : memref<!tpu.dma_semaphore, #tpu.memory_space<semaphore_mem>>) src(%arg9 : memref<128x128xf32, #tpu.memory_space<vmem>>) dst(%dma_wait3A_57 : memref<10240x128xf32, #tpu.memory_space<vmem_shared>>)
        tpu.yield
      }) : () -> ()
    }
    %scan3A_17 = arith.constant 79 : i32
    %barrier3A_18 = arith.constant 0 : index
    tpu.barrier barrier_id(%barrier3A_18)
    %add3A_19 = arith.constant 0 : i32
    %add3A_20 = arith.addi %mul3A_0, %add3A_19 : i32
    "tpu.region"() ({
      %run_scoped3A = tpu.sem_alloc : memref<!tpu.dma_semaphore, #tpu.memory_space<semaphore_mem>>
      %dma_start3A = arith.constant 0 : i32
      %dma_start3A_39 = tpu.memref_slice %arg10[%add3A_20, %dma_start3A] : memref<10240x128xf32, #tpu.memory_space<vmem_shared>> -> memref<128x128xf32, #tpu.memory_space<vmem_shared>>
      %dma_start3A_40 = arith.constant 0 : i32
      %dma_start3A_41 = tpu.memref_slice %arg10[%add3A_20, %dma_start3A_40] : memref<10240x128xf32, #tpu.memory_space<vmem_shared>> -> memref<128x128xf32, #tpu.memory_space<vmem_shared>>
      tpu.enqueue_dma source(%dma_start3A_41 : memref<128x128xf32, #tpu.memory_space<vmem_shared>>) target(%arg9 : memref<128x128xf32, #tpu.memory_space<vmem>>) target_semaphore(%run_scoped3A : memref<!tpu.dma_semaphore, #tpu.memory_space<semaphore_mem>>)
      %dma_wait3A = arith.constant 0 : i32
      %dma_wait3A_42 = tpu.memref_slice %arg10[%add3A_20, %dma_wait3A] : memref<10240x128xf32, #tpu.memory_space<vmem_shared>> -> memref<128x128xf32, #tpu.memory_space<vmem_shared>>
      %dma_wait3A_43 = arith.constant 0 : i32
      %dma_wait3A_44 = tpu.memref_slice %arg10[%add3A_20, %dma_wait3A_43] : memref<10240x128xf32, #tpu.memory_space<vmem_shared>> -> memref<128x128xf32, #tpu.memory_space<vmem_shared>>
      tpu.wait_dma2 semaphore(%run_scoped3A : memref<!tpu.dma_semaphore, #tpu.memory_space<semaphore_mem>>) src(%dma_wait3A_44 : memref<128x128xf32, #tpu.memory_space<vmem_shared>>) dst(%arg9 : memref<128x128xf32, #tpu.memory_space<vmem>>)
      tpu.yield
    }) : () -> ()
    %add3A_21 = arith.constant 0 : i32
    %add3A_22 = arith.addi %add3A, %add3A_21 : i32
    "tpu.region"() ({
      %run_scoped3A = tpu.sem_alloc : memref<!tpu.dma_semaphore, #tpu.memory_space<semaphore_mem>>
      %dma_start3A = arith.constant 0 : i32
      %dma_start3A_39 = tpu.memref_slice %arg7[%add3A_22, %dma_start3A] : memref<20480x128xf32, #tpu.memory_space<hbm>> -> memref<128x128xf32, #tpu.memory_space<hbm>>
      %dma_start3A_40 = arith.constant 0 : i32
      %dma_start3A_41 = tpu.memref_slice %arg7[%add3A_22, %dma_start3A_40] : memref<20480x128xf32, #tpu.memory_space<hbm>> -> memref<128x128xf32, #tpu.memory_space<hbm>>
      tpu.enqueue_dma source(%arg9 : memref<128x128xf32, #tpu.memory_space<vmem>>) target(%dma_start3A_41 : memref<128x128xf32, #tpu.memory_space<hbm>>) target_semaphore(%run_scoped3A : memref<!tpu.dma_semaphore, #tpu.memory_space<semaphore_mem>>)
      %dma_wait3A = arith.constant 0 : i32
      %dma_wait3A_42 = tpu.memref_slice %arg7[%add3A_22, %dma_wait3A] : memref<20480x128xf32, #tpu.memory_space<hbm>> -> memref<128x128xf32, #tpu.memory_space<hbm>>
      %dma_wait3A_43 = arith.constant 0 : i32
      %dma_wait3A_44 = tpu.memref_slice %arg7[%add3A_22, %dma_wait3A_43] : memref<20480x128xf32, #tpu.memory_space<hbm>> -> memref<128x128xf32, #tpu.memory_space<hbm>>
      tpu.wait_dma2 semaphore(%run_scoped3A : memref<!tpu.dma_semaphore, #tpu.memory_space<semaphore_mem>>) src(%arg9 : memref<128x128xf32, #tpu.memory_space<vmem>>) dst(%dma_wait3A_44 : memref<128x128xf32, #tpu.memory_space<hbm>>)
      tpu.yield
    }) : () -> ()
    %add3A_23 = arith.constant 128 : i32
    %add3A_24 = arith.addi %mul3A_0, %add3A_23 : i32
    "tpu.region"() ({
      %run_scoped3A = tpu.sem_alloc : memref<!tpu.dma_semaphore, #tpu.memory_space<semaphore_mem>>
      %dma_start3A = arith.constant 0 : i32
      %dma_start3A_39 = tpu.memref_slice %arg10[%add3A_24, %dma_start3A] : memref<10240x128xf32, #tpu.memory_space<vmem_shared>> -> memref<128x128xf32, #tpu.memory_space<vmem_shared>>
      %dma_start3A_40 = arith.constant 0 : i32
      %dma_start3A_41 = tpu.memref_slice %arg10[%add3A_24, %dma_start3A_40] : memref<10240x128xf32, #tpu.memory_space<vmem_shared>> -> memref<128x128xf32, #tpu.memory_space<vmem_shared>>
      tpu.enqueue_dma source(%dma_start3A_41 : memref<128x128xf32, #tpu.memory_space<vmem_shared>>) target(%arg9 : memref<128x128xf32, #tpu.memory_space<vmem>>) target_semaphore(%run_scoped3A : memref<!tpu.dma_semaphore, #tpu.memory_space<semaphore_mem>>)
      %dma_wait3A = arith.constant 0 : i32
      %dma_wait3A_42 = tpu.memref_slice %arg10[%add3A_24, %dma_wait3A] : memref<10240x128xf32, #tpu.memory_space<vmem_shared>> -> memref<128x128xf32, #tpu.memory_space<vmem_shared>>
      %dma_wait3A_43 = arith.constant 0 : i32
      %dma_wait3A_44 = tpu.memref_slice %arg10[%add3A_24, %dma_wait3A_43] : memref<10240x128xf32, #tpu.memory_space<vmem_shared>> -> memref<128x128xf32, #tpu.memory_space<vmem_shared>>
      tpu.wait_dma2 semaphore(%run_scoped3A : memref<!tpu.dma_semaphore, #tpu.memory_space<semaphore_mem>>) src(%dma_wait3A_44 : memref<128x128xf32, #tpu.memory_space<vmem_shared>>) dst(%arg9 : memref<128x128xf32, #tpu.memory_space<vmem>>)
      tpu.yield
    }) : () -> ()
    %add3A_25 = arith.constant 128 : i32
    %add3A_26 = arith.addi %add3A, %add3A_25 : i32
    "tpu.region"() ({
      %run_scoped3A = tpu.sem_alloc : memref<!tpu.dma_semaphore, #tpu.memory_space<semaphore_mem>>
      %dma_start3A = arith.constant 0 : i32
      %dma_start3A_39 = tpu.memref_slice %arg7[%add3A_26, %dma_start3A] : memref<20480x128xf32, #tpu.memory_space<hbm>> -> memref<128x128xf32, #tpu.memory_space<hbm>>
      %dma_start3A_40 = arith.constant 0 : i32
      %dma_start3A_41 = tpu.memref_slice %arg7[%add3A_26, %dma_start3A_40] : memref<20480x128xf32, #tpu.memory_space<hbm>> -> memref<128x128xf32, #tpu.memory_space<hbm>>
      tpu.enqueue_dma source(%arg9 : memref<128x128xf32, #tpu.memory_space<vmem>>) target(%dma_start3A_41 : memref<128x128xf32, #tpu.memory_space<hbm>>) target_semaphore(%run_scoped3A : memref<!tpu.dma_semaphore, #tpu.memory_space<semaphore_mem>>)
      %dma_wait3A = arith.constant 0 : i32
      %dma_wait3A_42 = tpu.memref_slice %arg7[%add3A_26, %dma_wait3A] : memref<20480x128xf32, #tpu.memory_space<hbm>> -> memref<128x128xf32, #tpu.memory_space<hbm>>
      %dma_wait3A_43 = arith.constant 0 : i32
      %dma_wait3A_44 = tpu.memref_slice %arg7[%add3A_26, %dma_wait3A_43] : memref<20480x128xf32, #tpu.memory_space<hbm>> -> memref<128x128xf32, #tpu.memory_space<hbm>>
      tpu.wait_dma2 semaphore(%run_scoped3A : memref<!tpu.dma_semaphore, #tpu.memory_space<semaphore_mem>>) src(%arg9 : memref<128x128xf32, #tpu.memory_space<vmem>>) dst(%dma_wait3A_44 : memref<128x128xf32, #tpu.memory_space<hbm>>)
      tpu.yield
    }) : () -> ()
    %add3A_27 = arith.constant 256 : i32
    %add3A_28 = arith.addi %mul3A_0, %add3A_27 : i32
    "tpu.region"() ({
      %run_scoped3A = tpu.sem_alloc : memref<!tpu.dma_semaphore, #tpu.memory_space<semaphore_mem>>
      %dma_start3A = arith.constant 0 : i32
      %dma_start3A_39 = tpu.memref_slice %arg10[%add3A_28, %dma_start3A] : memref<10240x128xf32, #tpu.memory_space<vmem_shared>> -> memref<128x128xf32, #tpu.memory_space<vmem_shared>>
      %dma_start3A_40 = arith.constant 0 : i32
      %dma_start3A_41 = tpu.memref_slice %arg10[%add3A_28, %dma_start3A_40] : memref<10240x128xf32, #tpu.memory_space<vmem_shared>> -> memref<128x128xf32, #tpu.memory_space<vmem_shared>>
      tpu.enqueue_dma source(%dma_start3A_41 : memref<128x128xf32, #tpu.memory_space<vmem_shared>>) target(%arg9 : memref<128x128xf32, #tpu.memory_space<vmem>>) target_semaphore(%run_scoped3A : memref<!tpu.dma_semaphore, #tpu.memory_space<semaphore_mem>>)
      %dma_wait3A = arith.constant 0 : i32
      %dma_wait3A_42 = tpu.memref_slice %arg10[%add3A_28, %dma_wait3A] : memref<10240x128xf32, #tpu.memory_space<vmem_shared>> -> memref<128x128xf32, #tpu.memory_space<vmem_shared>>
      %dma_wait3A_43 = arith.constant 0 : i32
      %dma_wait3A_44 = tpu.memref_slice %arg10[%add3A_28, %dma_wait3A_43] : memref<10240x128xf32, #tpu.memory_space<vmem_shared>> -> memref<128x128xf32, #tpu.memory_space<vmem_shared>>
      tpu.wait_dma2 semaphore(%run_scoped3A : memref<!tpu.dma_semaphore, #tpu.memory_space<semaphore_mem>>) src(%dma_wait3A_44 : memref<128x128xf32, #tpu.memory_space<vmem_shared>>) dst(%arg9 : memref<128x128xf32, #tpu.memory_space<vmem>>)
      tpu.yield
    }) : () -> ()
    %add3A_29 = arith.constant 256 : i32
    %add3A_30 = arith.addi %add3A, %add3A_29 : i32
    "tpu.region"() ({
      %run_scoped3A = tpu.sem_alloc : memref<!tpu.dma_semaphore, #tpu.memory_space<semaphore_mem>>
      %dma_start3A = arith.constant 0 : i32
      %dma_start3A_39 = tpu.memref_slice %arg7[%add3A_30, %dma_start3A] : memref<20480x128xf32, #tpu.memory_space<hbm>> -> memref<128x128xf32, #tpu.memory_space<hbm>>
      %dma_start3A_40 = arith.constant 0 : i32
      %dma_start3A_41 = tpu.memref_slice %arg7[%add3A_30, %dma_start3A_40] : memref<20480x128xf32, #tpu.memory_space<hbm>> -> memref<128x128xf32, #tpu.memory_space<hbm>>
      tpu.enqueue_dma source(%arg9 : memref<128x128xf32, #tpu.memory_space<vmem>>) target(%dma_start3A_41 : memref<128x128xf32, #tpu.memory_space<hbm>>) target_semaphore(%run_scoped3A : memref<!tpu.dma_semaphore, #tpu.memory_space<semaphore_mem>>)
      %dma_wait3A = arith.constant 0 : i32
      %dma_wait3A_42 = tpu.memref_slice %arg7[%add3A_30, %dma_wait3A] : memref<20480x128xf32, #tpu.memory_space<hbm>> -> memref<128x128xf32, #tpu.memory_space<hbm>>
      %dma_wait3A_43 = arith.constant 0 : i32
      %dma_wait3A_44 = tpu.memref_slice %arg7[%add3A_30, %dma_wait3A_43] : memref<20480x128xf32, #tpu.memory_space<hbm>> -> memref<128x128xf32, #tpu.memory_space<hbm>>
      tpu.wait_dma2 semaphore(%run_scoped3A : memref<!tpu.dma_semaphore, #tpu.memory_space<semaphore_mem>>) src(%arg9 : memref<128x128xf32, #tpu.memory_space<vmem>>) dst(%dma_wait3A_44 : memref<128x128xf32, #tpu.memory_space<hbm>>)
      tpu.yield
    }) : () -> ()
    %add3A_31 = arith.constant 384 : i32
    %add3A_32 = arith.addi %mul3A_0, %add3A_31 : i32
    "tpu.region"() ({
      %run_scoped3A = tpu.sem_alloc : memref<!tpu.dma_semaphore, #tpu.memory_space<semaphore_mem>>
      %dma_start3A = arith.constant 0 : i32
      %dma_start3A_39 = tpu.memref_slice %arg10[%add3A_32, %dma_start3A] : memref<10240x128xf32, #tpu.memory_space<vmem_shared>> -> memref<128x128xf32, #tpu.memory_space<vmem_shared>>
      %dma_start3A_40 = arith.constant 0 : i32
      %dma_start3A_41 = tpu.memref_slice %arg10[%add3A_32, %dma_start3A_40] : memref<10240x128xf32, #tpu.memory_space<vmem_shared>> -> memref<128x128xf32, #tpu.memory_space<vmem_shared>>
      tpu.enqueue_dma source(%dma_start3A_41 : memref<128x128xf32, #tpu.memory_space<vmem_shared>>) target(%arg9 : memref<128x128xf32, #tpu.memory_space<vmem>>) target_semaphore(%run_scoped3A : memref<!tpu.dma_semaphore, #tpu.memory_space<semaphore_mem>>)
      %dma_wait3A = arith.constant 0 : i32
      %dma_wait3A_42 = tpu.memref_slice %arg10[%add3A_32, %dma_wait3A] : memref<10240x128xf32, #tpu.memory_space<vmem_shared>> -> memref<128x128xf32, #tpu.memory_space<vmem_shared>>
      %dma_wait3A_43 = arith.constant 0 : i32
      %dma_wait3A_44 = tpu.memref_slice %arg10[%add3A_32, %dma_wait3A_43] : memref<10240x128xf32, #tpu.memory_space<vmem_shared>> -> memref<128x128xf32, #tpu.memory_space<vmem_shared>>
      tpu.wait_dma2 semaphore(%run_scoped3A : memref<!tpu.dma_semaphore, #tpu.memory_space<semaphore_mem>>) src(%dma_wait3A_44 : memref<128x128xf32, #tpu.memory_space<vmem_shared>>) dst(%arg9 : memref<128x128xf32, #tpu.memory_space<vmem>>)
      tpu.yield
    }) : () -> ()
    %add3A_33 = arith.constant 384 : i32
    %add3A_34 = arith.addi %add3A, %add3A_33 : i32
    "tpu.region"() ({
      %run_scoped3A = tpu.sem_alloc : memref<!tpu.dma_semaphore, #tpu.memory_space<semaphore_mem>>
      %dma_start3A = arith.constant 0 : i32
      %dma_start3A_39 = tpu.memref_slice %arg7[%add3A_34, %dma_start3A] : memref<20480x128xf32, #tpu.memory_space<hbm>> -> memref<128x128xf32, #tpu.memory_space<hbm>>
      %dma_start3A_40 = arith.constant 0 : i32
      %dma_start3A_41 = tpu.memref_slice %arg7[%add3A_34, %dma_start3A_40] : memref<20480x128xf32, #tpu.memory_space<hbm>> -> memref<128x128xf32, #tpu.memory_space<hbm>>
      tpu.enqueue_dma source(%arg9 : memref<128x128xf32, #tpu.memory_space<vmem>>) target(%dma_start3A_41 : memref<128x128xf32, #tpu.memory_space<hbm>>) target_semaphore(%run_scoped3A : memref<!tpu.dma_semaphore, #tpu.memory_space<semaphore_mem>>)
      %dma_wait3A = arith.constant 0 : i32
      %dma_wait3A_42 = tpu.memref_slice %arg7[%add3A_34, %dma_wait3A] : memref<20480x128xf32, #tpu.memory_space<hbm>> -> memref<128x128xf32, #tpu.memory_space<hbm>>
      %dma_wait3A_43 = arith.constant 0 : i32
      %dma_wait3A_44 = tpu.memref_slice %arg7[%add3A_34, %dma_wait3A_43] : memref<20480x128xf32, #tpu.memory_space<hbm>> -> memref<128x128xf32, #tpu.memory_space<hbm>>
      tpu.wait_dma2 semaphore(%run_scoped3A : memref<!tpu.dma_semaphore, #tpu.memory_space<semaphore_mem>>) src(%arg9 : memref<128x128xf32, #tpu.memory_space<vmem>>) dst(%dma_wait3A_44 : memref<128x128xf32, #tpu.memory_space<hbm>>)
      tpu.yield
    }) : () -> ()
    %add3A_35 = arith.constant 512 : i32
    %add3A_36 = arith.addi %mul3A_0, %add3A_35 : i32
    "tpu.region"() ({
      %run_scoped3A = tpu.sem_alloc : memref<!tpu.dma_semaphore, #tpu.memory_space<semaphore_mem>>
      %dma_start3A = arith.constant 0 : i32
      %dma_start3A_39 = tpu.memref_slice %arg10[%add3A_36, %dma_start3A] : memref<10240x128xf32, #tpu.memory_space<vmem_shared>> -> memref<128x128xf32, #tpu.memory_space<vmem_shared>>
      %dma_start3A_40 = arith.constant 0 : i32
      %dma_start3A_41 = tpu.memref_slice %arg10[%add3A_36, %dma_start3A_40] : memref<10240x128xf32, #tpu.memory_space<vmem_shared>> -> memref<128x128xf32, #tpu.memory_space<vmem_shared>>
      tpu.enqueue_dma source(%dma_start3A_41 : memref<128x128xf32, #tpu.memory_space<vmem_shared>>) target(%arg9 : memref<128x128xf32, #tpu.memory_space<vmem>>) target_semaphore(%run_scoped3A : memref<!tpu.dma_semaphore, #tpu.memory_space<semaphore_mem>>)
      %dma_wait3A = arith.constant 0 : i32
      %dma_wait3A_42 = tpu.memref_slice %arg10[%add3A_36, %dma_wait3A] : memref<10240x128xf32, #tpu.memory_space<vmem_shared>> -> memref<128x128xf32, #tpu.memory_space<vmem_shared>>
      %dma_wait3A_43 = arith.constant 0 : i32
      %dma_wait3A_44 = tpu.memref_slice %arg10[%add3A_36, %dma_wait3A_43] : memref<10240x128xf32, #tpu.memory_space<vmem_shared>> -> memref<128x128xf32, #tpu.memory_space<vmem_shared>>
      tpu.wait_dma2 semaphore(%run_scoped3A : memref<!tpu.dma_semaphore, #tpu.memory_space<semaphore_mem>>) src(%dma_wait3A_44 : memref<128x128xf32, #tpu.memory_space<vmem_shared>>) dst(%arg9 : memref<128x128xf32, #tpu.memory_space<vmem>>)
      tpu.yield
    }) : () -> ()
    %add3A_37 = arith.constant 512 : i32
    %add3A_38 = arith.addi %add3A, %add3A_37 : i32
    "tpu.region"() ({
      %run_scoped3A = tpu.sem_alloc : memref<!tpu.dma_semaphore, #tpu.memory_space<semaphore_mem>>
      %dma_start3A = arith.constant 0 : i32
      %dma_start3A_39 = tpu.memref_slice %arg7[%add3A_38, %dma_start3A] : memref<20480x128xf32, #tpu.memory_space<hbm>> -> memref<128x128xf32, #tpu.memory_space<hbm>>
      %dma_start3A_40 = arith.constant 0 : i32
      %dma_start3A_41 = tpu.memref_slice %arg7[%add3A_38, %dma_start3A_40] : memref<20480x128xf32, #tpu.memory_space<hbm>> -> memref<128x128xf32, #tpu.memory_space<hbm>>
      tpu.enqueue_dma source(%arg9 : memref<128x128xf32, #tpu.memory_space<vmem>>) target(%dma_start3A_41 : memref<128x128xf32, #tpu.memory_space<hbm>>) target_semaphore(%run_scoped3A : memref<!tpu.dma_semaphore, #tpu.memory_space<semaphore_mem>>)
      %dma_wait3A = arith.constant 0 : i32
      %dma_wait3A_42 = tpu.memref_slice %arg7[%add3A_38, %dma_wait3A] : memref<20480x128xf32, #tpu.memory_space<hbm>> -> memref<128x128xf32, #tpu.memory_space<hbm>>
      %dma_wait3A_43 = arith.constant 0 : i32
      %dma_wait3A_44 = tpu.memref_slice %arg7[%add3A_38, %dma_wait3A_43] : memref<20480x128xf32, #tpu.memory_space<hbm>> -> memref<128x128xf32, #tpu.memory_space<hbm>>
      tpu.wait_dma2 semaphore(%run_scoped3A : memref<!tpu.dma_semaphore, #tpu.memory_space<semaphore_mem>>) src(%arg9 : memref<128x128xf32, #tpu.memory_space<vmem>>) dst(%dma_wait3A_44 : memref<128x128xf32, #tpu.memory_space<hbm>>)
      tpu.yield
    }) : () -> ()
    return
  }
}

#map = affine_map<(d0, d1) -> (0, 0)>
#map1 = affine_map<(d0, d1) -> (0)>
module attributes {stable_mosaic.version = 14 : i64} {
  func.func @body(%arg0: i32, %arg1: i32, %arg2: memref<10000x128xf32, #tpu.memory_space<hbm>>, %arg3: memref<323584xi32, #tpu.memory_space<hbm>>, %arg4: memref<323584xi32, #tpu.memory_space<hbm>>, %arg5: memref<128x128xf32, #tpu.memory_space<hbm>>, %arg6: memref<128x128xf32, #tpu.memory_space<hbm>>, %arg7: memref<20480x128xf32, #tpu.memory_space<hbm>>, %arg8: memref<128xi32, #tpu.memory_space<vmem>>, %arg9: memref<128x128xf32, #tpu.memory_space<vmem>>, %arg10: memref<10240x128xf32, #tpu.memory_space<vmem_shared>>, %arg11: memref<!tpu.dma_semaphore, #tpu.memory_space<semaphore_mem>>, %arg12: memref<128xi32, #tpu.memory_space<vmem>>) attributes {dimension_semantics = [#tpu.dimension_semantics<core_parallel>, #tpu.dimension_semantics<subcore_parallel>], iteration_bounds = array<i64: 2, 16>, scalar_prefetch = 0 : i64, scratch_operands = 5 : i64, tpu.core_type = #tpu.core_type<sc_vector_subcore>, window_params = [{transform_indices = #map}, {transform_indices = #map1}, {transform_indices = #map1}, {transform_indices = #map}, {transform_indices = #map}, {transform_indices = #map}]} {
    %mul3A = arith.constant 640 : i32
    %mul3A_0 = arith.muli %arg1, %mul3A : i32
    %mul3A_1 = arith.constant 10240 : i32
    %mul3A_2 = arith.muli %arg0, %mul3A_1 : i32
    %add3A = arith.addi %mul3A_2, %mul3A_0 : i32
    "tpu.region"() ({
      %run_scoped3A = tpu.sem_alloc : memref<!tpu.dma_semaphore, #tpu.memory_space<semaphore_mem>>
      tpu.enqueue_dma source(%arg5 : memref<128x128xf32, #tpu.memory_space<hbm>>) target(%arg9 : memref<128x128xf32, #tpu.memory_space<vmem>>) target_semaphore(%run_scoped3A : memref<!tpu.dma_semaphore, #tpu.memory_space<semaphore_mem>>)
      tpu.wait_dma2 semaphore(%run_scoped3A : memref<!tpu.dma_semaphore, #tpu.memory_space<semaphore_mem>>) src(%arg5 : memref<128x128xf32, #tpu.memory_space<hbm>>) dst(%arg9 : memref<128x128xf32, #tpu.memory_space<vmem>>)
      tpu.yield
    }) : () -> ()
    %add3A_3 = arith.constant 0 : i32
    %add3A_4 = arith.addi %mul3A_0, %add3A_3 : i32
    "tpu.region"() ({
      %run_scoped3A = tpu.sem_alloc : memref<!tpu.dma_semaphore, #tpu.memory_space<semaphore_mem>>
      %dma_start3A = arith.constant 0 : i32
      %dma_start3A_39 = tpu.memref_slice %arg10[%add3A_4, %dma_start3A] : memref<10240x128xf32, #tpu.memory_space<vmem_shared>> -> memref<128x128xf32, #tpu.memory_space<vmem_shared>>
      %dma_start3A_40 = arith.constant 0 : i32
      %dma_start3A_41 = tpu.memref_slice %arg10[%add3A_4, %dma_start3A_40] : memref<10240x128xf32, #tpu.memory_space<vmem_shared>> -> memref<128x128xf32, #tpu.memory_space<vmem_shared>>
      tpu.enqueue_dma source(%arg9 : memref<128x128xf32, #tpu.memory_space<vmem>>) target(%dma_start3A_41 : memref<128x128xf32, #tpu.memory_space<vmem_shared>>) target_semaphore(%run_scoped3A : memref<!tpu.dma_semaphore, #tpu.memory_space<semaphore_mem>>)
      %dma_wait3A = arith.constant 0 : i32
      %dma_wait3A_42 = tpu.memref_slice %arg10[%add3A_4, %dma_wait3A] : memref<10240x128xf32, #tpu.memory_space<vmem_shared>> -> memref<128x128xf32, #tpu.memory_space<vmem_shared>>
      %dma_wait3A_43 = arith.constant 0 : i32
      %dma_wait3A_44 = tpu.memref_slice %arg10[%add3A_4, %dma_wait3A_43] : memref<10240x128xf32, #tpu.memory_space<vmem_shared>> -> memref<128x128xf32, #tpu.memory_space<vmem_shared>>
      tpu.wait_dma2 semaphore(%run_scoped3A : memref<!tpu.dma_semaphore, #tpu.memory_space<semaphore_mem>>) src(%arg9 : memref<128x128xf32, #tpu.memory_space<vmem>>) dst(%dma_wait3A_44 : memref<128x128xf32, #tpu.memory_space<vmem_shared>>)
      tpu.yield
    }) : () -> ()
    %add3A_5 = arith.constant 128 : i32
    %add3A_6 = arith.addi %mul3A_0, %add3A_5 : i32
    "tpu.region"() ({
      %run_scoped3A = tpu.sem_alloc : memref<!tpu.dma_semaphore, #tpu.memory_space<semaphore_mem>>
      %dma_start3A = arith.constant 0 : i32
      %dma_start3A_39 = tpu.memref_slice %arg10[%add3A_6, %dma_start3A] : memref<10240x128xf32, #tpu.memory_space<vmem_shared>> -> memref<128x128xf32, #tpu.memory_space<vmem_shared>>
      %dma_start3A_40 = arith.constant 0 : i32
      %dma_start3A_41 = tpu.memref_slice %arg10[%add3A_6, %dma_start3A_40] : memref<10240x128xf32, #tpu.memory_space<vmem_shared>> -> memref<128x128xf32, #tpu.memory_space<vmem_shared>>
      tpu.enqueue_dma source(%arg9 : memref<128x128xf32, #tpu.memory_space<vmem>>) target(%dma_start3A_41 : memref<128x128xf32, #tpu.memory_space<vmem_shared>>) target_semaphore(%run_scoped3A : memref<!tpu.dma_semaphore, #tpu.memory_space<semaphore_mem>>)
      %dma_wait3A = arith.constant 0 : i32
      %dma_wait3A_42 = tpu.memref_slice %arg10[%add3A_6, %dma_wait3A] : memref<10240x128xf32, #tpu.memory_space<vmem_shared>> -> memref<128x128xf32, #tpu.memory_space<vmem_shared>>
      %dma_wait3A_43 = arith.constant 0 : i32
      %dma_wait3A_44 = tpu.memref_slice %arg10[%add3A_6, %dma_wait3A_43] : memref<10240x128xf32, #tpu.memory_space<vmem_shared>> -> memref<128x128xf32, #tpu.memory_space<vmem_shared>>
      tpu.wait_dma2 semaphore(%run_scoped3A : memref<!tpu.dma_semaphore, #tpu.memory_space<semaphore_mem>>) src(%arg9 : memref<128x128xf32, #tpu.memory_space<vmem>>) dst(%dma_wait3A_44 : memref<128x128xf32, #tpu.memory_space<vmem_shared>>)
      tpu.yield
    }) : () -> ()
    %add3A_7 = arith.constant 256 : i32
    %add3A_8 = arith.addi %mul3A_0, %add3A_7 : i32
    "tpu.region"() ({
      %run_scoped3A = tpu.sem_alloc : memref<!tpu.dma_semaphore, #tpu.memory_space<semaphore_mem>>
      %dma_start3A = arith.constant 0 : i32
      %dma_start3A_39 = tpu.memref_slice %arg10[%add3A_8, %dma_start3A] : memref<10240x128xf32, #tpu.memory_space<vmem_shared>> -> memref<128x128xf32, #tpu.memory_space<vmem_shared>>
      %dma_start3A_40 = arith.constant 0 : i32
      %dma_start3A_41 = tpu.memref_slice %arg10[%add3A_8, %dma_start3A_40] : memref<10240x128xf32, #tpu.memory_space<vmem_shared>> -> memref<128x128xf32, #tpu.memory_space<vmem_shared>>
      tpu.enqueue_dma source(%arg9 : memref<128x128xf32, #tpu.memory_space<vmem>>) target(%dma_start3A_41 : memref<128x128xf32, #tpu.memory_space<vmem_shared>>) target_semaphore(%run_scoped3A : memref<!tpu.dma_semaphore, #tpu.memory_space<semaphore_mem>>)
      %dma_wait3A = arith.constant 0 : i32
      %dma_wait3A_42 = tpu.memref_slice %arg10[%add3A_8, %dma_wait3A] : memref<10240x128xf32, #tpu.memory_space<vmem_shared>> -> memref<128x128xf32, #tpu.memory_space<vmem_shared>>
      %dma_wait3A_43 = arith.constant 0 : i32
      %dma_wait3A_44 = tpu.memref_slice %arg10[%add3A_8, %dma_wait3A_43] : memref<10240x128xf32, #tpu.memory_space<vmem_shared>> -> memref<128x128xf32, #tpu.memory_space<vmem_shared>>
      tpu.wait_dma2 semaphore(%run_scoped3A : memref<!tpu.dma_semaphore, #tpu.memory_space<semaphore_mem>>) src(%arg9 : memref<128x128xf32, #tpu.memory_space<vmem>>) dst(%dma_wait3A_44 : memref<128x128xf32, #tpu.memory_space<vmem_shared>>)
      tpu.yield
    }) : () -> ()
    %add3A_9 = arith.constant 384 : i32
    %add3A_10 = arith.addi %mul3A_0, %add3A_9 : i32
    "tpu.region"() ({
      %run_scoped3A = tpu.sem_alloc : memref<!tpu.dma_semaphore, #tpu.memory_space<semaphore_mem>>
      %dma_start3A = arith.constant 0 : i32
      %dma_start3A_39 = tpu.memref_slice %arg10[%add3A_10, %dma_start3A] : memref<10240x128xf32, #tpu.memory_space<vmem_shared>> -> memref<128x128xf32, #tpu.memory_space<vmem_shared>>
      %dma_start3A_40 = arith.constant 0 : i32
      %dma_start3A_41 = tpu.memref_slice %arg10[%add3A_10, %dma_start3A_40] : memref<10240x128xf32, #tpu.memory_space<vmem_shared>> -> memref<128x128xf32, #tpu.memory_space<vmem_shared>>
      tpu.enqueue_dma source(%arg9 : memref<128x128xf32, #tpu.memory_space<vmem>>) target(%dma_start3A_41 : memref<128x128xf32, #tpu.memory_space<vmem_shared>>) target_semaphore(%run_scoped3A : memref<!tpu.dma_semaphore, #tpu.memory_space<semaphore_mem>>)
      %dma_wait3A = arith.constant 0 : i32
      %dma_wait3A_42 = tpu.memref_slice %arg10[%add3A_10, %dma_wait3A] : memref<10240x128xf32, #tpu.memory_space<vmem_shared>> -> memref<128x128xf32, #tpu.memory_space<vmem_shared>>
      %dma_wait3A_43 = arith.constant 0 : i32
      %dma_wait3A_44 = tpu.memref_slice %arg10[%add3A_10, %dma_wait3A_43] : memref<10240x128xf32, #tpu.memory_space<vmem_shared>> -> memref<128x128xf32, #tpu.memory_space<vmem_shared>>
      tpu.wait_dma2 semaphore(%run_scoped3A : memref<!tpu.dma_semaphore, #tpu.memory_space<semaphore_mem>>) src(%arg9 : memref<128x128xf32, #tpu.memory_space<vmem>>) dst(%dma_wait3A_44 : memref<128x128xf32, #tpu.memory_space<vmem_shared>>)
      tpu.yield
    }) : () -> ()
    %add3A_11 = arith.constant 512 : i32
    %add3A_12 = arith.addi %mul3A_0, %add3A_11 : i32
    "tpu.region"() ({
      %run_scoped3A = tpu.sem_alloc : memref<!tpu.dma_semaphore, #tpu.memory_space<semaphore_mem>>
      %dma_start3A = arith.constant 0 : i32
      %dma_start3A_39 = tpu.memref_slice %arg10[%add3A_12, %dma_start3A] : memref<10240x128xf32, #tpu.memory_space<vmem_shared>> -> memref<128x128xf32, #tpu.memory_space<vmem_shared>>
      %dma_start3A_40 = arith.constant 0 : i32
      %dma_start3A_41 = tpu.memref_slice %arg10[%add3A_12, %dma_start3A_40] : memref<10240x128xf32, #tpu.memory_space<vmem_shared>> -> memref<128x128xf32, #tpu.memory_space<vmem_shared>>
      tpu.enqueue_dma source(%arg9 : memref<128x128xf32, #tpu.memory_space<vmem>>) target(%dma_start3A_41 : memref<128x128xf32, #tpu.memory_space<vmem_shared>>) target_semaphore(%run_scoped3A : memref<!tpu.dma_semaphore, #tpu.memory_space<semaphore_mem>>)
      %dma_wait3A = arith.constant 0 : i32
      %dma_wait3A_42 = tpu.memref_slice %arg10[%add3A_12, %dma_wait3A] : memref<10240x128xf32, #tpu.memory_space<vmem_shared>> -> memref<128x128xf32, #tpu.memory_space<vmem_shared>>
      %dma_wait3A_43 = arith.constant 0 : i32
      %dma_wait3A_44 = tpu.memref_slice %arg10[%add3A_12, %dma_wait3A_43] : memref<10240x128xf32, #tpu.memory_space<vmem_shared>> -> memref<128x128xf32, #tpu.memory_space<vmem_shared>>
      tpu.wait_dma2 semaphore(%run_scoped3A : memref<!tpu.dma_semaphore, #tpu.memory_space<semaphore_mem>>) src(%arg9 : memref<128x128xf32, #tpu.memory_space<vmem>>) dst(%dma_wait3A_44 : memref<128x128xf32, #tpu.memory_space<vmem_shared>>)
      tpu.yield
    }) : () -> ()
    %barrier3A = arith.constant 0 : index
    tpu.barrier barrier_id(%barrier3A)
    %scan3A = arith.constant 0 : i32
    %scan3A_13 = arith.constant 0 : i32
    %scan3A_14 = arith.constant 79 : i32
    %scan3A_15 = arith.addi %scan3A_13, %scan3A_14 : i32
    %scan3A_16 = arith.constant 1 : i32
    scf.for %scan3A_39 = %scan3A_13 to %scan3A_15 step %scan3A_16  : i32 {
      %mul3A_40 = arith.constant 1264 : i32
      %mul3A_41 = arith.muli %arg0, %mul3A_40 : i32
      %add3A_42 = arith.addi %mul3A_41, %arg1 : i32
      %mul3A_43 = arith.constant 16 : i32
      %mul3A_44 = arith.muli %scan3A_39, %mul3A_43 : i32
      %add3A_45 = arith.addi %add3A_42, %mul3A_44 : i32
      %mul3A_46 = arith.constant 128 : i32
      %mul3A_47 = arith.muli %add3A_45, %mul3A_46 : i32
      "tpu.region"() ({
        %run_scoped3A = tpu.sem_alloc : memref<!tpu.dma_semaphore, #tpu.memory_space<semaphore_mem>>
        %dma_start3A_52 = tpu.memref_slice %arg4[%mul3A_47] : memref<323584xi32, #tpu.memory_space<hbm>> -> memref<128xi32, #tpu.memory_space<hbm>>
        %dma_start3A_53 = tpu.memref_slice %arg4[%mul3A_47] : memref<323584xi32, #tpu.memory_space<hbm>> -> memref<128xi32, #tpu.memory_space<hbm>>
        tpu.enqueue_dma source(%dma_start3A_53 : memref<128xi32, #tpu.memory_space<hbm>>) target(%arg8 : memref<128xi32, #tpu.memory_space<vmem>>) target_semaphore(%run_scoped3A : memref<!tpu.dma_semaphore, #tpu.memory_space<semaphore_mem>>)
        %dma_wait3A_54 = tpu.memref_slice %arg4[%mul3A_47] : memref<323584xi32, #tpu.memory_space<hbm>> -> memref<128xi32, #tpu.memory_space<hbm>>
        %dma_wait3A_55 = tpu.memref_slice %arg4[%mul3A_47] : memref<323584xi32, #tpu.memory_space<hbm>> -> memref<128xi32, #tpu.memory_space<hbm>>
        tpu.wait_dma2 semaphore(%run_scoped3A : memref<!tpu.dma_semaphore, #tpu.memory_space<semaphore_mem>>) src(%dma_wait3A_55 : memref<128xi32, #tpu.memory_space<hbm>>) dst(%arg8 : memref<128xi32, #tpu.memory_space<vmem>>)
        tpu.yield
      }) : () -> ()
      "tpu.region"() ({
        %run_scoped3A = tpu.sem_alloc : memref<!tpu.dma_semaphore, #tpu.memory_space<semaphore_mem>>
        %dma_start3A_52 = tpu.memref_slice %arg3[%mul3A_47] : memref<323584xi32, #tpu.memory_space<hbm>> -> memref<128xi32, #tpu.memory_space<hbm>>
        %dma_start3A_53 = tpu.memref_slice %arg3[%mul3A_47] : memref<323584xi32, #tpu.memory_space<hbm>> -> memref<128xi32, #tpu.memory_space<hbm>>
        tpu.enqueue_dma source(%dma_start3A_53 : memref<128xi32, #tpu.memory_space<hbm>>) target(%arg12 : memref<128xi32, #tpu.memory_space<vmem>>) target_semaphore(%run_scoped3A : memref<!tpu.dma_semaphore, #tpu.memory_space<semaphore_mem>>)
        %dma_wait3A_54 = tpu.memref_slice %arg3[%mul3A_47] : memref<323584xi32, #tpu.memory_space<hbm>> -> memref<128xi32, #tpu.memory_space<hbm>>
        %dma_wait3A_55 = tpu.memref_slice %arg3[%mul3A_47] : memref<323584xi32, #tpu.memory_space<hbm>> -> memref<128xi32, #tpu.memory_space<hbm>>
        tpu.wait_dma2 semaphore(%run_scoped3A : memref<!tpu.dma_semaphore, #tpu.memory_space<semaphore_mem>>) src(%dma_wait3A_55 : memref<128xi32, #tpu.memory_space<hbm>>) dst(%arg12 : memref<128xi32, #tpu.memory_space<vmem>>)
        tpu.yield
      }) : () -> ()
      %dma_start3A = arith.constant 0 : i32
      %dma_start3A_48 = arith.constant 0 : i32
      %dma_start3A_49 = tpu.memref_slice %arg2[%dma_start3A, %dma_start3A_48] : memref<10000x128xf32, #tpu.memory_space<hbm>> -> memref<10000x128xf32, #tpu.memory_space<hbm>>
      tpu.enqueue_indirect_dma source(%dma_start3A_49 : memref<10000x128xf32, #tpu.memory_space<hbm>>) target(%arg9 : memref<128x128xf32, #tpu.memory_space<vmem>>) offsets(%arg12 : memref<128xi32, #tpu.memory_space<vmem>>) semaphore(%arg11 : memref<!tpu.dma_semaphore, #tpu.memory_space<semaphore_mem>>)
      %dma_wait3A = arith.constant 0 : i32
      %dma_wait3A_50 = arith.constant 0 : i32
      %dma_wait3A_51 = tpu.memref_slice %arg2[%dma_wait3A, %dma_wait3A_50] : memref<10000x128xf32, #tpu.memory_space<hbm>> -> memref<10000x128xf32, #tpu.memory_space<hbm>>
      tpu.wait_indirect_dma semaphore(%arg11 : memref<!tpu.dma_semaphore, #tpu.memory_space<semaphore_mem>>) src(%dma_wait3A_51 : memref<10000x128xf32, #tpu.memory_space<hbm>>) dst(%arg9 : memref<128x128xf32, #tpu.memory_space<vmem>>)
      "tpu.region"() ({
        %run_scoped3A = tpu.sem_alloc : memref<!tpu.dma_semaphore, #tpu.memory_space<semaphore_mem>>
        %dma_start3A_52 = arith.constant 0 : i32
        %dma_start3A_53 = arith.constant 0 : i32
        %dma_start3A_54 = tpu.memref_slice %arg10[%dma_start3A_52, %dma_start3A_53] : memref<10240x128xf32, #tpu.memory_space<vmem_shared>> -> memref<10240x128xf32, #tpu.memory_space<vmem_shared>>
        tpu.enqueue_indirect_dma source(%arg9 : memref<128x128xf32, #tpu.memory_space<vmem>>) target(%dma_start3A_54 : memref<10240x128xf32, #tpu.memory_space<vmem_shared>>) offsets(%arg8 : memref<128xi32, #tpu.memory_space<vmem>>) semaphore(%run_scoped3A : memref<!tpu.dma_semaphore, #tpu.memory_space<semaphore_mem>>) {add = true}
        %dma_wait3A_55 = arith.constant 0 : i32
        %dma_wait3A_56 = arith.constant 0 : i32
        %dma_wait3A_57 = tpu.memref_slice %arg10[%dma_wait3A_55, %dma_wait3A_56] : memref<10240x128xf32, #tpu.memory_space<vmem_shared>> -> memref<10240x128xf32, #tpu.memory_space<vmem_shared>>
        tpu.wait_indirect_dma semaphore(%run_scoped3A : memref<!tpu.dma_semaphore, #tpu.memory_space<semaphore_mem>>) src(%arg9 : memref<128x128xf32, #tpu.memory_space<vmem>>) dst(%dma_wait3A_57 : memref<10240x128xf32, #tpu.memory_space<vmem_shared>>)
        tpu.yield
      }) : () -> ()
    }
    %scan3A_17 = arith.constant 79 : i32
    %barrier3A_18 = arith.constant 0 : index
    tpu.barrier barrier_id(%barrier3A_18)
    %add3A_19 = arith.constant 0 : i32
    %add3A_20 = arith.addi %mul3A_0, %add3A_19 : i32
    "tpu.region"() ({
      %run_scoped3A = tpu.sem_alloc : memref<!tpu.dma_semaphore, #tpu.memory_space<semaphore_mem>>
      %dma_start3A = arith.constant 0 : i32
      %dma_start3A_39 = tpu.memref_slice %arg10[%add3A_20, %dma_start3A] : memref<10240x128xf32, #tpu.memory_space<vmem_shared>> -> memref<128x128xf32, #tpu.memory_space<vmem_shared>>
      %dma_start3A_40 = arith.constant 0 : i32
      %dma_start3A_41 = tpu.memref_slice %arg10[%add3A_20, %dma_start3A_40] : memref<10240x128xf32, #tpu.memory_space<vmem_shared>> -> memref<128x128xf32, #tpu.memory_space<vmem_shared>>
      tpu.enqueue_dma source(%dma_start3A_41 : memref<128x128xf32, #tpu.memory_space<vmem_shared>>) target(%arg9 : memref<128x128xf32, #tpu.memory_space<vmem>>) target_semaphore(%run_scoped3A : memref<!tpu.dma_semaphore, #tpu.memory_space<semaphore_mem>>)
      %dma_wait3A = arith.constant 0 : i32
      %dma_wait3A_42 = tpu.memref_slice %arg10[%add3A_20, %dma_wait3A] : memref<10240x128xf32, #tpu.memory_space<vmem_shared>> -> memref<128x128xf32, #tpu.memory_space<vmem_shared>>
      %dma_wait3A_43 = arith.constant 0 : i32
      %dma_wait3A_44 = tpu.memref_slice %arg10[%add3A_20, %dma_wait3A_43] : memref<10240x128xf32, #tpu.memory_space<vmem_shared>> -> memref<128x128xf32, #tpu.memory_space<vmem_shared>>
      tpu.wait_dma2 semaphore(%run_scoped3A : memref<!tpu.dma_semaphore, #tpu.memory_space<semaphore_mem>>) src(%dma_wait3A_44 : memref<128x128xf32, #tpu.memory_space<vmem_shared>>) dst(%arg9 : memref<128x128xf32, #tpu.memory_space<vmem>>)
      tpu.yield
    }) : () -> ()
    %add3A_21 = arith.constant 0 : i32
    %add3A_22 = arith.addi %add3A, %add3A_21 : i32
    "tpu.region"() ({
      %run_scoped3A = tpu.sem_alloc : memref<!tpu.dma_semaphore, #tpu.memory_space<semaphore_mem>>
      %dma_start3A = arith.constant 0 : i32
      %dma_start3A_39 = tpu.memref_slice %arg7[%add3A_22, %dma_start3A] : memref<20480x128xf32, #tpu.memory_space<hbm>> -> memref<128x128xf32, #tpu.memory_space<hbm>>
      %dma_start3A_40 = arith.constant 0 : i32
      %dma_start3A_41 = tpu.memref_slice %arg7[%add3A_22, %dma_start3A_40] : memref<20480x128xf32, #tpu.memory_space<hbm>> -> memref<128x128xf32, #tpu.memory_space<hbm>>
      tpu.enqueue_dma source(%arg9 : memref<128x128xf32, #tpu.memory_space<vmem>>) target(%dma_start3A_41 : memref<128x128xf32, #tpu.memory_space<hbm>>) target_semaphore(%run_scoped3A : memref<!tpu.dma_semaphore, #tpu.memory_space<semaphore_mem>>)
      %dma_wait3A = arith.constant 0 : i32
      %dma_wait3A_42 = tpu.memref_slice %arg7[%add3A_22, %dma_wait3A] : memref<20480x128xf32, #tpu.memory_space<hbm>> -> memref<128x128xf32, #tpu.memory_space<hbm>>
      %dma_wait3A_43 = arith.constant 0 : i32
      %dma_wait3A_44 = tpu.memref_slice %arg7[%add3A_22, %dma_wait3A_43] : memref<20480x128xf32, #tpu.memory_space<hbm>> -> memref<128x128xf32, #tpu.memory_space<hbm>>
      tpu.wait_dma2 semaphore(%run_scoped3A : memref<!tpu.dma_semaphore, #tpu.memory_space<semaphore_mem>>) src(%arg9 : memref<128x128xf32, #tpu.memory_space<vmem>>) dst(%dma_wait3A_44 : memref<128x128xf32, #tpu.memory_space<hbm>>)
      tpu.yield
    }) : () -> ()
    %add3A_23 = arith.constant 128 : i32
    %add3A_24 = arith.addi %mul3A_0, %add3A_23 : i32
    "tpu.region"() ({
      %run_scoped3A = tpu.sem_alloc : memref<!tpu.dma_semaphore, #tpu.memory_space<semaphore_mem>>
      %dma_start3A = arith.constant 0 : i32
      %dma_start3A_39 = tpu.memref_slice %arg10[%add3A_24, %dma_start3A] : memref<10240x128xf32, #tpu.memory_space<vmem_shared>> -> memref<128x128xf32, #tpu.memory_space<vmem_shared>>
      %dma_start3A_40 = arith.constant 0 : i32
      %dma_start3A_41 = tpu.memref_slice %arg10[%add3A_24, %dma_start3A_40] : memref<10240x128xf32, #tpu.memory_space<vmem_shared>> -> memref<128x128xf32, #tpu.memory_space<vmem_shared>>
      tpu.enqueue_dma source(%dma_start3A_41 : memref<128x128xf32, #tpu.memory_space<vmem_shared>>) target(%arg9 : memref<128x128xf32, #tpu.memory_space<vmem>>) target_semaphore(%run_scoped3A : memref<!tpu.dma_semaphore, #tpu.memory_space<semaphore_mem>>)
      %dma_wait3A = arith.constant 0 : i32
      %dma_wait3A_42 = tpu.memref_slice %arg10[%add3A_24, %dma_wait3A] : memref<10240x128xf32, #tpu.memory_space<vmem_shared>> -> memref<128x128xf32, #tpu.memory_space<vmem_shared>>
      %dma_wait3A_43 = arith.constant 0 : i32
      %dma_wait3A_44 = tpu.memref_slice %arg10[%add3A_24, %dma_wait3A_43] : memref<10240x128xf32, #tpu.memory_space<vmem_shared>> -> memref<128x128xf32, #tpu.memory_space<vmem_shared>>
      tpu.wait_dma2 semaphore(%run_scoped3A : memref<!tpu.dma_semaphore, #tpu.memory_space<semaphore_mem>>) src(%dma_wait3A_44 : memref<128x128xf32, #tpu.memory_space<vmem_shared>>) dst(%arg9 : memref<128x128xf32, #tpu.memory_space<vmem>>)
      tpu.yield
    }) : () -> ()
    %add3A_25 = arith.constant 128 : i32
    %add3A_26 = arith.addi %add3A, %add3A_25 : i32
    "tpu.region"() ({
      %run_scoped3A = tpu.sem_alloc : memref<!tpu.dma_semaphore, #tpu.memory_space<semaphore_mem>>
      %dma_start3A = arith.constant 0 : i32
      %dma_start3A_39 = tpu.memref_slice %arg7[%add3A_26, %dma_start3A] : memref<20480x128xf32, #tpu.memory_space<hbm>> -> memref<128x128xf32, #tpu.memory_space<hbm>>
      %dma_start3A_40 = arith.constant 0 : i32
      %dma_start3A_41 = tpu.memref_slice %arg7[%add3A_26, %dma_start3A_40] : memref<20480x128xf32, #tpu.memory_space<hbm>> -> memref<128x128xf32, #tpu.memory_space<hbm>>
      tpu.enqueue_dma source(%arg9 : memref<128x128xf32, #tpu.memory_space<vmem>>) target(%dma_start3A_41 : memref<128x128xf32, #tpu.memory_space<hbm>>) target_semaphore(%run_scoped3A : memref<!tpu.dma_semaphore, #tpu.memory_space<semaphore_mem>>)
      %dma_wait3A = arith.constant 0 : i32
      %dma_wait3A_42 = tpu.memref_slice %arg7[%add3A_26, %dma_wait3A] : memref<20480x128xf32, #tpu.memory_space<hbm>> -> memref<128x128xf32, #tpu.memory_space<hbm>>
      %dma_wait3A_43 = arith.constant 0 : i32
      %dma_wait3A_44 = tpu.memref_slice %arg7[%add3A_26, %dma_wait3A_43] : memref<20480x128xf32, #tpu.memory_space<hbm>> -> memref<128x128xf32, #tpu.memory_space<hbm>>
      tpu.wait_dma2 semaphore(%run_scoped3A : memref<!tpu.dma_semaphore, #tpu.memory_space<semaphore_mem>>) src(%arg9 : memref<128x128xf32, #tpu.memory_space<vmem>>) dst(%dma_wait3A_44 : memref<128x128xf32, #tpu.memory_space<hbm>>)
      tpu.yield
    }) : () -> ()
    %add3A_27 = arith.constant 256 : i32
    %add3A_28 = arith.addi %mul3A_0, %add3A_27 : i32
    "tpu.region"() ({
      %run_scoped3A = tpu.sem_alloc : memref<!tpu.dma_semaphore, #tpu.memory_space<semaphore_mem>>
      %dma_start3A = arith.constant 0 : i32
      %dma_start3A_39 = tpu.memref_slice %arg10[%add3A_28, %dma_start3A] : memref<10240x128xf32, #tpu.memory_space<vmem_shared>> -> memref<128x128xf32, #tpu.memory_space<vmem_shared>>
      %dma_start3A_40 = arith.constant 0 : i32
      %dma_start3A_41 = tpu.memref_slice %arg10[%add3A_28, %dma_start3A_40] : memref<10240x128xf32, #tpu.memory_space<vmem_shared>> -> memref<128x128xf32, #tpu.memory_space<vmem_shared>>
      tpu.enqueue_dma source(%dma_start3A_41 : memref<128x128xf32, #tpu.memory_space<vmem_shared>>) target(%arg9 : memref<128x128xf32, #tpu.memory_space<vmem>>) target_semaphore(%run_scoped3A : memref<!tpu.dma_semaphore, #tpu.memory_space<semaphore_mem>>)
      %dma_wait3A = arith.constant 0 : i32
      %dma_wait3A_42 = tpu.memref_slice %arg10[%add3A_28, %dma_wait3A] : memref<10240x128xf32, #tpu.memory_space<vmem_shared>> -> memref<128x128xf32, #tpu.memory_space<vmem_shared>>
      %dma_wait3A_43 = arith.constant 0 : i32
      %dma_wait3A_44 = tpu.memref_slice %arg10[%add3A_28, %dma_wait3A_43] : memref<10240x128xf32, #tpu.memory_space<vmem_shared>> -> memref<128x128xf32, #tpu.memory_space<vmem_shared>>
      tpu.wait_dma2 semaphore(%run_scoped3A : memref<!tpu.dma_semaphore, #tpu.memory_space<semaphore_mem>>) src(%dma_wait3A_44 : memref<128x128xf32, #tpu.memory_space<vmem_shared>>) dst(%arg9 : memref<128x128xf32, #tpu.memory_space<vmem>>)
      tpu.yield
    }) : () -> ()
    %add3A_29 = arith.constant 256 : i32
    %add3A_30 = arith.addi %add3A, %add3A_29 : i32
    "tpu.region"() ({
      %run_scoped3A = tpu.sem_alloc : memref<!tpu.dma_semaphore, #tpu.memory_space<semaphore_mem>>
      %dma_start3A = arith.constant 0 : i32
      %dma_start3A_39 = tpu.memref_slice %arg7[%add3A_30, %dma_start3A] : memref<20480x128xf32, #tpu.memory_space<hbm>> -> memref<128x128xf32, #tpu.memory_space<hbm>>
      %dma_start3A_40 = arith.constant 0 : i32
      %dma_start3A_41 = tpu.memref_slice %arg7[%add3A_30, %dma_start3A_40] : memref<20480x128xf32, #tpu.memory_space<hbm>> -> memref<128x128xf32, #tpu.memory_space<hbm>>
      tpu.enqueue_dma source(%arg9 : memref<128x128xf32, #tpu.memory_space<vmem>>) target(%dma_start3A_41 : memref<128x128xf32, #tpu.memory_space<hbm>>) target_semaphore(%run_scoped3A : memref<!tpu.dma_semaphore, #tpu.memory_space<semaphore_mem>>)
      %dma_wait3A = arith.constant 0 : i32
      %dma_wait3A_42 = tpu.memref_slice %arg7[%add3A_30, %dma_wait3A] : memref<20480x128xf32, #tpu.memory_space<hbm>> -> memref<128x128xf32, #tpu.memory_space<hbm>>
      %dma_wait3A_43 = arith.constant 0 : i32
      %dma_wait3A_44 = tpu.memref_slice %arg7[%add3A_30, %dma_wait3A_43] : memref<20480x128xf32, #tpu.memory_space<hbm>> -> memref<128x128xf32, #tpu.memory_space<hbm>>
      tpu.wait_dma2 semaphore(%run_scoped3A : memref<!tpu.dma_semaphore, #tpu.memory_space<semaphore_mem>>) src(%arg9 : memref<128x128xf32, #tpu.memory_space<vmem>>) dst(%dma_wait3A_44 : memref<128x128xf32, #tpu.memory_space<hbm>>)
      tpu.yield
    }) : () -> ()
    %add3A_31 = arith.constant 384 : i32
    %add3A_32 = arith.addi %mul3A_0, %add3A_31 : i32
    "tpu.region"() ({
      %run_scoped3A = tpu.sem_alloc : memref<!tpu.dma_semaphore, #tpu.memory_space<semaphore_mem>>
      %dma_start3A = arith.constant 0 : i32
      %dma_start3A_39 = tpu.memref_slice %arg10[%add3A_32, %dma_start3A] : memref<10240x128xf32, #tpu.memory_space<vmem_shared>> -> memref<128x128xf32, #tpu.memory_space<vmem_shared>>
      %dma_start3A_40 = arith.constant 0 : i32
      %dma_start3A_41 = tpu.memref_slice %arg10[%add3A_32, %dma_start3A_40] : memref<10240x128xf32, #tpu.memory_space<vmem_shared>> -> memref<128x128xf32, #tpu.memory_space<vmem_shared>>
      tpu.enqueue_dma source(%dma_start3A_41 : memref<128x128xf32, #tpu.memory_space<vmem_shared>>) target(%arg9 : memref<128x128xf32, #tpu.memory_space<vmem>>) target_semaphore(%run_scoped3A : memref<!tpu.dma_semaphore, #tpu.memory_space<semaphore_mem>>)
      %dma_wait3A = arith.constant 0 : i32
      %dma_wait3A_42 = tpu.memref_slice %arg10[%add3A_32, %dma_wait3A] : memref<10240x128xf32, #tpu.memory_space<vmem_shared>> -> memref<128x128xf32, #tpu.memory_space<vmem_shared>>
      %dma_wait3A_43 = arith.constant 0 : i32
      %dma_wait3A_44 = tpu.memref_slice %arg10[%add3A_32, %dma_wait3A_43] : memref<10240x128xf32, #tpu.memory_space<vmem_shared>> -> memref<128x128xf32, #tpu.memory_space<vmem_shared>>
      tpu.wait_dma2 semaphore(%run_scoped3A : memref<!tpu.dma_semaphore, #tpu.memory_space<semaphore_mem>>) src(%dma_wait3A_44 : memref<128x128xf32, #tpu.memory_space<vmem_shared>>) dst(%arg9 : memref<128x128xf32, #tpu.memory_space<vmem>>)
      tpu.yield
    }) : () -> ()
    %add3A_33 = arith.constant 384 : i32
    %add3A_34 = arith.addi %add3A, %add3A_33 : i32
    "tpu.region"() ({
      %run_scoped3A = tpu.sem_alloc : memref<!tpu.dma_semaphore, #tpu.memory_space<semaphore_mem>>
      %dma_start3A = arith.constant 0 : i32
      %dma_start3A_39 = tpu.memref_slice %arg7[%add3A_34, %dma_start3A] : memref<20480x128xf32, #tpu.memory_space<hbm>> -> memref<128x128xf32, #tpu.memory_space<hbm>>
      %dma_start3A_40 = arith.constant 0 : i32
      %dma_start3A_41 = tpu.memref_slice %arg7[%add3A_34, %dma_start3A_40] : memref<20480x128xf32, #tpu.memory_space<hbm>> -> memref<128x128xf32, #tpu.memory_space<hbm>>
      tpu.enqueue_dma source(%arg9 : memref<128x128xf32, #tpu.memory_space<vmem>>) target(%dma_start3A_41 : memref<128x128xf32, #tpu.memory_space<hbm>>) target_semaphore(%run_scoped3A : memref<!tpu.dma_semaphore, #tpu.memory_space<semaphore_mem>>)
      %dma_wait3A = arith.constant 0 : i32
      %dma_wait3A_42 = tpu.memref_slice %arg7[%add3A_34, %dma_wait3A] : memref<20480x128xf32, #tpu.memory_space<hbm>> -> memref<128x128xf32, #tpu.memory_space<hbm>>
      %dma_wait3A_43 = arith.constant 0 : i32
      %dma_wait3A_44 = tpu.memref_slice %arg7[%add3A_34, %dma_wait3A_43] : memref<20480x128xf32, #tpu.memory_space<hbm>> -> memref<128x128xf32, #tpu.memory_space<hbm>>
      tpu.wait_dma2 semaphore(%run_scoped3A : memref<!tpu.dma_semaphore, #tpu.memory_space<semaphore_mem>>) src(%arg9 : memref<128x128xf32, #tpu.memory_space<vmem>>) dst(%dma_wait3A_44 : memref<128x128xf32, #tpu.memory_space<hbm>>)
      tpu.yield
    }) : () -> ()
    %add3A_35 = arith.constant 512 : i32
    %add3A_36 = arith.addi %mul3A_0, %add3A_35 : i32
    "tpu.region"() ({
      %run_scoped3A = tpu.sem_alloc : memref<!tpu.dma_semaphore, #tpu.memory_space<semaphore_mem>>
      %dma_start3A = arith.constant 0 : i32
      %dma_start3A_39 = tpu.memref_slice %arg10[%add3A_36, %dma_start3A] : memref<10240x128xf32, #tpu.memory_space<vmem_shared>> -> memref<128x128xf32, #tpu.memory_space<vmem_shared>>
      %dma_start3A_40 = arith.constant 0 : i32
      %dma_start3A_41 = tpu.memref_slice %arg10[%add3A_36, %dma_start3A_40] : memref<10240x128xf32, #tpu.memory_space<vmem_shared>> -> memref<128x128xf32, #tpu.memory_space<vmem_shared>>
      tpu.enqueue_dma source(%dma_start3A_41 : memref<128x128xf32, #tpu.memory_space<vmem_shared>>) target(%arg9 : memref<128x128xf32, #tpu.memory_space<vmem>>) target_semaphore(%run_scoped3A : memref<!tpu.dma_semaphore, #tpu.memory_space<semaphore_mem>>)
      %dma_wait3A = arith.constant 0 : i32
      %dma_wait3A_42 = tpu.memref_slice %arg10[%add3A_36, %dma_wait3A] : memref<10240x128xf32, #tpu.memory_space<vmem_shared>> -> memref<128x128xf32, #tpu.memory_space<vmem_shared>>
      %dma_wait3A_43 = arith.constant 0 : i32
      %dma_wait3A_44 = tpu.memref_slice %arg10[%add3A_36, %dma_wait3A_43] : memref<10240x128xf32, #tpu.memory_space<vmem_shared>> -> memref<128x128xf32, #tpu.memory_space<vmem_shared>>
      tpu.wait_dma2 semaphore(%run_scoped3A : memref<!tpu.dma_semaphore, #tpu.memory_space<semaphore_mem>>) src(%dma_wait3A_44 : memref<128x128xf32, #tpu.memory_space<vmem_shared>>) dst(%arg9 : memref<128x128xf32, #tpu.memory_space<vmem>>)
      tpu.yield
    }) : () -> ()
    %add3A_37 = arith.constant 512 : i32
    %add3A_38 = arith.addi %add3A, %add3A_37 : i32
    "tpu.region"() ({
      %run_scoped3A = tpu.sem_alloc : memref<!tpu.dma_semaphore, #tpu.memory_space<semaphore_mem>>
      %dma_start3A = arith.constant 0 : i32
      %dma_start3A_39 = tpu.memref_slice %arg7[%add3A_38, %dma_start3A] : memref<20480x128xf32, #tpu.memory_space<hbm>> -> memref<128x128xf32, #tpu.memory_space<hbm>>
      %dma_start3A_40 = arith.constant 0 : i32
      %dma_start3A_41 = tpu.memref_slice %arg7[%add3A_38, %dma_start3A_40] : memref<20480x128xf32, #tpu.memory_space<hbm>> -> memref<128x128xf32, #tpu.memory_space<hbm>>
      tpu.enqueue_dma source(%arg9 : memref<128x128xf32, #tpu.memory_space<vmem>>) target(%dma_start3A_41 : memref<128x128xf32, #tpu.memory_space<hbm>>) target_semaphore(%run_scoped3A : memref<!tpu.dma_semaphore, #tpu.memory_space<semaphore_mem>>)
      %dma_wait3A = arith.constant 0 : i32
      %dma_wait3A_42 = tpu.memref_slice %arg7[%add3A_38, %dma_wait3A] : memref<20480x128xf32, #tpu.memory_space<hbm>> -> memref<128x128xf32, #tpu.memory_space<hbm>>
      %dma_wait3A_43 = arith.constant 0 : i32
      %dma_wait3A_44 = tpu.memref_slice %arg7[%add3A_38, %dma_wait3A_43] : memref<20480x128xf32, #tpu.memory_space<hbm>> -> memref<128x128xf32, #tpu.memory_space<hbm>>
      tpu.wait_dma2 semaphore(%run_scoped3A : memref<!tpu.dma_semaphore, #tpu.memory_space<semaphore_mem>>) src(%arg9 : memref<128x128xf32, #tpu.memory_space<vmem>>) dst(%dma_wait3A_44 : memref<128x128xf32, #tpu.memory_space<hbm>>)
      tpu.yield
    }) : () -> ()
    return
  }
}

#map = affine_map<(d0, d1) -> (0, 0)>
#map1 = affine_map<(d0, d1) -> (0)>
module attributes {stable_mosaic.version = 14 : i64} {
  func.func @body(%arg0: i32, %arg1: i32, %arg2: memref<10000x128xf32, #tpu.memory_space<hbm>>, %arg3: memref<323584xi32, #tpu.memory_space<hbm>>, %arg4: memref<323584xi32, #tpu.memory_space<hbm>>, %arg5: memref<128x128xf32, #tpu.memory_space<hbm>>, %arg6: memref<128x128xf32, #tpu.memory_space<hbm>>, %arg7: memref<20480x128xf32, #tpu.memory_space<hbm>>, %arg8: memref<128xi32, #tpu.memory_space<vmem>>, %arg9: memref<128x128xf32, #tpu.memory_space<vmem>>, %arg10: memref<10240x128xf32, #tpu.memory_space<vmem_shared>>, %arg11: memref<!tpu.dma_semaphore, #tpu.memory_space<semaphore_mem>>, %arg12: memref<128xi32, #tpu.memory_space<vmem>>) attributes {dimension_semantics = [#tpu.dimension_semantics<core_parallel>, #tpu.dimension_semantics<subcore_parallel>], iteration_bounds = array<i64: 2, 16>, scalar_prefetch = 0 : i64, scratch_operands = 5 : i64, tpu.core_type = #tpu.core_type<sc_vector_subcore>, window_params = [{transform_indices = #map}, {transform_indices = #map1}, {transform_indices = #map1}, {transform_indices = #map}, {transform_indices = #map}, {transform_indices = #map}]} {
    %mul3A = arith.constant 640 : i32
    %mul3A_0 = arith.muli %arg1, %mul3A : i32
    %mul3A_1 = arith.constant 10240 : i32
    %mul3A_2 = arith.muli %arg0, %mul3A_1 : i32
    %add3A = arith.addi %mul3A_2, %mul3A_0 : i32
    "tpu.region"() ({
      %run_scoped3A = tpu.sem_alloc : memref<!tpu.dma_semaphore, #tpu.memory_space<semaphore_mem>>
      tpu.enqueue_dma source(%arg5 : memref<128x128xf32, #tpu.memory_space<hbm>>) target(%arg9 : memref<128x128xf32, #tpu.memory_space<vmem>>) target_semaphore(%run_scoped3A : memref<!tpu.dma_semaphore, #tpu.memory_space<semaphore_mem>>)
      tpu.wait_dma2 semaphore(%run_scoped3A : memref<!tpu.dma_semaphore, #tpu.memory_space<semaphore_mem>>) src(%arg5 : memref<128x128xf32, #tpu.memory_space<hbm>>) dst(%arg9 : memref<128x128xf32, #tpu.memory_space<vmem>>)
      tpu.yield
    }) : () -> ()
    %add3A_3 = arith.constant 0 : i32
    %add3A_4 = arith.addi %mul3A_0, %add3A_3 : i32
    "tpu.region"() ({
      %run_scoped3A = tpu.sem_alloc : memref<!tpu.dma_semaphore, #tpu.memory_space<semaphore_mem>>
      %dma_start3A = arith.constant 0 : i32
      %dma_start3A_39 = tpu.memref_slice %arg10[%add3A_4, %dma_start3A] : memref<10240x128xf32, #tpu.memory_space<vmem_shared>> -> memref<128x128xf32, #tpu.memory_space<vmem_shared>>
      %dma_start3A_40 = arith.constant 0 : i32
      %dma_start3A_41 = tpu.memref_slice %arg10[%add3A_4, %dma_start3A_40] : memref<10240x128xf32, #tpu.memory_space<vmem_shared>> -> memref<128x128xf32, #tpu.memory_space<vmem_shared>>
      tpu.enqueue_dma source(%arg9 : memref<128x128xf32, #tpu.memory_space<vmem>>) target(%dma_start3A_41 : memref<128x128xf32, #tpu.memory_space<vmem_shared>>) target_semaphore(%run_scoped3A : memref<!tpu.dma_semaphore, #tpu.memory_space<semaphore_mem>>)
      %dma_wait3A = arith.constant 0 : i32
      %dma_wait3A_42 = tpu.memref_slice %arg10[%add3A_4, %dma_wait3A] : memref<10240x128xf32, #tpu.memory_space<vmem_shared>> -> memref<128x128xf32, #tpu.memory_space<vmem_shared>>
      %dma_wait3A_43 = arith.constant 0 : i32
      %dma_wait3A_44 = tpu.memref_slice %arg10[%add3A_4, %dma_wait3A_43] : memref<10240x128xf32, #tpu.memory_space<vmem_shared>> -> memref<128x128xf32, #tpu.memory_space<vmem_shared>>
      tpu.wait_dma2 semaphore(%run_scoped3A : memref<!tpu.dma_semaphore, #tpu.memory_space<semaphore_mem>>) src(%arg9 : memref<128x128xf32, #tpu.memory_space<vmem>>) dst(%dma_wait3A_44 : memref<128x128xf32, #tpu.memory_space<vmem_shared>>)
      tpu.yield
    }) : () -> ()
    %add3A_5 = arith.constant 128 : i32
    %add3A_6 = arith.addi %mul3A_0, %add3A_5 : i32
    "tpu.region"() ({
      %run_scoped3A = tpu.sem_alloc : memref<!tpu.dma_semaphore, #tpu.memory_space<semaphore_mem>>
      %dma_start3A = arith.constant 0 : i32
      %dma_start3A_39 = tpu.memref_slice %arg10[%add3A_6, %dma_start3A] : memref<10240x128xf32, #tpu.memory_space<vmem_shared>> -> memref<128x128xf32, #tpu.memory_space<vmem_shared>>
      %dma_start3A_40 = arith.constant 0 : i32
      %dma_start3A_41 = tpu.memref_slice %arg10[%add3A_6, %dma_start3A_40] : memref<10240x128xf32, #tpu.memory_space<vmem_shared>> -> memref<128x128xf32, #tpu.memory_space<vmem_shared>>
      tpu.enqueue_dma source(%arg9 : memref<128x128xf32, #tpu.memory_space<vmem>>) target(%dma_start3A_41 : memref<128x128xf32, #tpu.memory_space<vmem_shared>>) target_semaphore(%run_scoped3A : memref<!tpu.dma_semaphore, #tpu.memory_space<semaphore_mem>>)
      %dma_wait3A = arith.constant 0 : i32
      %dma_wait3A_42 = tpu.memref_slice %arg10[%add3A_6, %dma_wait3A] : memref<10240x128xf32, #tpu.memory_space<vmem_shared>> -> memref<128x128xf32, #tpu.memory_space<vmem_shared>>
      %dma_wait3A_43 = arith.constant 0 : i32
      %dma_wait3A_44 = tpu.memref_slice %arg10[%add3A_6, %dma_wait3A_43] : memref<10240x128xf32, #tpu.memory_space<vmem_shared>> -> memref<128x128xf32, #tpu.memory_space<vmem_shared>>
      tpu.wait_dma2 semaphore(%run_scoped3A : memref<!tpu.dma_semaphore, #tpu.memory_space<semaphore_mem>>) src(%arg9 : memref<128x128xf32, #tpu.memory_space<vmem>>) dst(%dma_wait3A_44 : memref<128x128xf32, #tpu.memory_space<vmem_shared>>)
      tpu.yield
    }) : () -> ()
    %add3A_7 = arith.constant 256 : i32
    %add3A_8 = arith.addi %mul3A_0, %add3A_7 : i32
    "tpu.region"() ({
      %run_scoped3A = tpu.sem_alloc : memref<!tpu.dma_semaphore, #tpu.memory_space<semaphore_mem>>
      %dma_start3A = arith.constant 0 : i32
      %dma_start3A_39 = tpu.memref_slice %arg10[%add3A_8, %dma_start3A] : memref<10240x128xf32, #tpu.memory_space<vmem_shared>> -> memref<128x128xf32, #tpu.memory_space<vmem_shared>>
      %dma_start3A_40 = arith.constant 0 : i32
      %dma_start3A_41 = tpu.memref_slice %arg10[%add3A_8, %dma_start3A_40] : memref<10240x128xf32, #tpu.memory_space<vmem_shared>> -> memref<128x128xf32, #tpu.memory_space<vmem_shared>>
      tpu.enqueue_dma source(%arg9 : memref<128x128xf32, #tpu.memory_space<vmem>>) target(%dma_start3A_41 : memref<128x128xf32, #tpu.memory_space<vmem_shared>>) target_semaphore(%run_scoped3A : memref<!tpu.dma_semaphore, #tpu.memory_space<semaphore_mem>>)
      %dma_wait3A = arith.constant 0 : i32
      %dma_wait3A_42 = tpu.memref_slice %arg10[%add3A_8, %dma_wait3A] : memref<10240x128xf32, #tpu.memory_space<vmem_shared>> -> memref<128x128xf32, #tpu.memory_space<vmem_shared>>
      %dma_wait3A_43 = arith.constant 0 : i32
      %dma_wait3A_44 = tpu.memref_slice %arg10[%add3A_8, %dma_wait3A_43] : memref<10240x128xf32, #tpu.memory_space<vmem_shared>> -> memref<128x128xf32, #tpu.memory_space<vmem_shared>>
      tpu.wait_dma2 semaphore(%run_scoped3A : memref<!tpu.dma_semaphore, #tpu.memory_space<semaphore_mem>>) src(%arg9 : memref<128x128xf32, #tpu.memory_space<vmem>>) dst(%dma_wait3A_44 : memref<128x128xf32, #tpu.memory_space<vmem_shared>>)
      tpu.yield
    }) : () -> ()
    %add3A_9 = arith.constant 384 : i32
    %add3A_10 = arith.addi %mul3A_0, %add3A_9 : i32
    "tpu.region"() ({
      %run_scoped3A = tpu.sem_alloc : memref<!tpu.dma_semaphore, #tpu.memory_space<semaphore_mem>>
      %dma_start3A = arith.constant 0 : i32
      %dma_start3A_39 = tpu.memref_slice %arg10[%add3A_10, %dma_start3A] : memref<10240x128xf32, #tpu.memory_space<vmem_shared>> -> memref<128x128xf32, #tpu.memory_space<vmem_shared>>
      %dma_start3A_40 = arith.constant 0 : i32
      %dma_start3A_41 = tpu.memref_slice %arg10[%add3A_10, %dma_start3A_40] : memref<10240x128xf32, #tpu.memory_space<vmem_shared>> -> memref<128x128xf32, #tpu.memory_space<vmem_shared>>
      tpu.enqueue_dma source(%arg9 : memref<128x128xf32, #tpu.memory_space<vmem>>) target(%dma_start3A_41 : memref<128x128xf32, #tpu.memory_space<vmem_shared>>) target_semaphore(%run_scoped3A : memref<!tpu.dma_semaphore, #tpu.memory_space<semaphore_mem>>)
      %dma_wait3A = arith.constant 0 : i32
      %dma_wait3A_42 = tpu.memref_slice %arg10[%add3A_10, %dma_wait3A] : memref<10240x128xf32, #tpu.memory_space<vmem_shared>> -> memref<128x128xf32, #tpu.memory_space<vmem_shared>>
      %dma_wait3A_43 = arith.constant 0 : i32
      %dma_wait3A_44 = tpu.memref_slice %arg10[%add3A_10, %dma_wait3A_43] : memref<10240x128xf32, #tpu.memory_space<vmem_shared>> -> memref<128x128xf32, #tpu.memory_space<vmem_shared>>
      tpu.wait_dma2 semaphore(%run_scoped3A : memref<!tpu.dma_semaphore, #tpu.memory_space<semaphore_mem>>) src(%arg9 : memref<128x128xf32, #tpu.memory_space<vmem>>) dst(%dma_wait3A_44 : memref<128x128xf32, #tpu.memory_space<vmem_shared>>)
      tpu.yield
    }) : () -> ()
    %add3A_11 = arith.constant 512 : i32
    %add3A_12 = arith.addi %mul3A_0, %add3A_11 : i32
    "tpu.region"() ({
      %run_scoped3A = tpu.sem_alloc : memref<!tpu.dma_semaphore, #tpu.memory_space<semaphore_mem>>
      %dma_start3A = arith.constant 0 : i32
      %dma_start3A_39 = tpu.memref_slice %arg10[%add3A_12, %dma_start3A] : memref<10240x128xf32, #tpu.memory_space<vmem_shared>> -> memref<128x128xf32, #tpu.memory_space<vmem_shared>>
      %dma_start3A_40 = arith.constant 0 : i32
      %dma_start3A_41 = tpu.memref_slice %arg10[%add3A_12, %dma_start3A_40] : memref<10240x128xf32, #tpu.memory_space<vmem_shared>> -> memref<128x128xf32, #tpu.memory_space<vmem_shared>>
      tpu.enqueue_dma source(%arg9 : memref<128x128xf32, #tpu.memory_space<vmem>>) target(%dma_start3A_41 : memref<128x128xf32, #tpu.memory_space<vmem_shared>>) target_semaphore(%run_scoped3A : memref<!tpu.dma_semaphore, #tpu.memory_space<semaphore_mem>>)
      %dma_wait3A = arith.constant 0 : i32
      %dma_wait3A_42 = tpu.memref_slice %arg10[%add3A_12, %dma_wait3A] : memref<10240x128xf32, #tpu.memory_space<vmem_shared>> -> memref<128x128xf32, #tpu.memory_space<vmem_shared>>
      %dma_wait3A_43 = arith.constant 0 : i32
      %dma_wait3A_44 = tpu.memref_slice %arg10[%add3A_12, %dma_wait3A_43] : memref<10240x128xf32, #tpu.memory_space<vmem_shared>> -> memref<128x128xf32, #tpu.memory_space<vmem_shared>>
      tpu.wait_dma2 semaphore(%run_scoped3A : memref<!tpu.dma_semaphore, #tpu.memory_space<semaphore_mem>>) src(%arg9 : memref<128x128xf32, #tpu.memory_space<vmem>>) dst(%dma_wait3A_44 : memref<128x128xf32, #tpu.memory_space<vmem_shared>>)
      tpu.yield
    }) : () -> ()
    %barrier3A = arith.constant 0 : index
    tpu.barrier barrier_id(%barrier3A)
    %scan3A = arith.constant 0 : i32
    %scan3A_13 = arith.constant 0 : i32
    %scan3A_14 = arith.constant 79 : i32
    %scan3A_15 = arith.addi %scan3A_13, %scan3A_14 : i32
    %scan3A_16 = arith.constant 1 : i32
    scf.for %scan3A_39 = %scan3A_13 to %scan3A_15 step %scan3A_16  : i32 {
      %mul3A_40 = arith.constant 1264 : i32
      %mul3A_41 = arith.muli %arg0, %mul3A_40 : i32
      %add3A_42 = arith.addi %mul3A_41, %arg1 : i32
      %mul3A_43 = arith.constant 16 : i32
      %mul3A_44 = arith.muli %scan3A_39, %mul3A_43 : i32
      %add3A_45 = arith.addi %add3A_42, %mul3A_44 : i32
      %mul3A_46 = arith.constant 128 : i32
      %mul3A_47 = arith.muli %add3A_45, %mul3A_46 : i32
      "tpu.region"() ({
        %run_scoped3A = tpu.sem_alloc : memref<!tpu.dma_semaphore, #tpu.memory_space<semaphore_mem>>
        %dma_start3A_52 = tpu.memref_slice %arg4[%mul3A_47] : memref<323584xi32, #tpu.memory_space<hbm>> -> memref<128xi32, #tpu.memory_space<hbm>>
        %dma_start3A_53 = tpu.memref_slice %arg4[%mul3A_47] : memref<323584xi32, #tpu.memory_space<hbm>> -> memref<128xi32, #tpu.memory_space<hbm>>
        tpu.enqueue_dma source(%dma_start3A_53 : memref<128xi32, #tpu.memory_space<hbm>>) target(%arg8 : memref<128xi32, #tpu.memory_space<vmem>>) target_semaphore(%run_scoped3A : memref<!tpu.dma_semaphore, #tpu.memory_space<semaphore_mem>>)
        %dma_wait3A_54 = tpu.memref_slice %arg4[%mul3A_47] : memref<323584xi32, #tpu.memory_space<hbm>> -> memref<128xi32, #tpu.memory_space<hbm>>
        %dma_wait3A_55 = tpu.memref_slice %arg4[%mul3A_47] : memref<323584xi32, #tpu.memory_space<hbm>> -> memref<128xi32, #tpu.memory_space<hbm>>
        tpu.wait_dma2 semaphore(%run_scoped3A : memref<!tpu.dma_semaphore, #tpu.memory_space<semaphore_mem>>) src(%dma_wait3A_55 : memref<128xi32, #tpu.memory_space<hbm>>) dst(%arg8 : memref<128xi32, #tpu.memory_space<vmem>>)
        tpu.yield
      }) : () -> ()
      "tpu.region"() ({
        %run_scoped3A = tpu.sem_alloc : memref<!tpu.dma_semaphore, #tpu.memory_space<semaphore_mem>>
        %dma_start3A_52 = tpu.memref_slice %arg3[%mul3A_47] : memref<323584xi32, #tpu.memory_space<hbm>> -> memref<128xi32, #tpu.memory_space<hbm>>
        %dma_start3A_53 = tpu.memref_slice %arg3[%mul3A_47] : memref<323584xi32, #tpu.memory_space<hbm>> -> memref<128xi32, #tpu.memory_space<hbm>>
        tpu.enqueue_dma source(%dma_start3A_53 : memref<128xi32, #tpu.memory_space<hbm>>) target(%arg12 : memref<128xi32, #tpu.memory_space<vmem>>) target_semaphore(%run_scoped3A : memref<!tpu.dma_semaphore, #tpu.memory_space<semaphore_mem>>)
        %dma_wait3A_54 = tpu.memref_slice %arg3[%mul3A_47] : memref<323584xi32, #tpu.memory_space<hbm>> -> memref<128xi32, #tpu.memory_space<hbm>>
        %dma_wait3A_55 = tpu.memref_slice %arg3[%mul3A_47] : memref<323584xi32, #tpu.memory_space<hbm>> -> memref<128xi32, #tpu.memory_space<hbm>>
        tpu.wait_dma2 semaphore(%run_scoped3A : memref<!tpu.dma_semaphore, #tpu.memory_space<semaphore_mem>>) src(%dma_wait3A_55 : memref<128xi32, #tpu.memory_space<hbm>>) dst(%arg12 : memref<128xi32, #tpu.memory_space<vmem>>)
        tpu.yield
      }) : () -> ()
      %dma_start3A = arith.constant 0 : i32
      %dma_start3A_48 = arith.constant 0 : i32
      %dma_start3A_49 = tpu.memref_slice %arg2[%dma_start3A, %dma_start3A_48] : memref<10000x128xf32, #tpu.memory_space<hbm>> -> memref<10000x128xf32, #tpu.memory_space<hbm>>
      tpu.enqueue_indirect_dma source(%dma_start3A_49 : memref<10000x128xf32, #tpu.memory_space<hbm>>) target(%arg9 : memref<128x128xf32, #tpu.memory_space<vmem>>) offsets(%arg12 : memref<128xi32, #tpu.memory_space<vmem>>) semaphore(%arg11 : memref<!tpu.dma_semaphore, #tpu.memory_space<semaphore_mem>>)
      %dma_wait3A = arith.constant 0 : i32
      %dma_wait3A_50 = arith.constant 0 : i32
      %dma_wait3A_51 = tpu.memref_slice %arg2[%dma_wait3A, %dma_wait3A_50] : memref<10000x128xf32, #tpu.memory_space<hbm>> -> memref<10000x128xf32, #tpu.memory_space<hbm>>
      tpu.wait_indirect_dma semaphore(%arg11 : memref<!tpu.dma_semaphore, #tpu.memory_space<semaphore_mem>>) src(%dma_wait3A_51 : memref<10000x128xf32, #tpu.memory_space<hbm>>) dst(%arg9 : memref<128x128xf32, #tpu.memory_space<vmem>>)
      "tpu.region"() ({
        %run_scoped3A = tpu.sem_alloc : memref<!tpu.dma_semaphore, #tpu.memory_space<semaphore_mem>>
        %dma_start3A_52 = arith.constant 0 : i32
        %dma_start3A_53 = arith.constant 0 : i32
        %dma_start3A_54 = tpu.memref_slice %arg10[%dma_start3A_52, %dma_start3A_53] : memref<10240x128xf32, #tpu.memory_space<vmem_shared>> -> memref<10240x128xf32, #tpu.memory_space<vmem_shared>>
        tpu.enqueue_indirect_dma source(%arg9 : memref<128x128xf32, #tpu.memory_space<vmem>>) target(%dma_start3A_54 : memref<10240x128xf32, #tpu.memory_space<vmem_shared>>) offsets(%arg8 : memref<128xi32, #tpu.memory_space<vmem>>) semaphore(%run_scoped3A : memref<!tpu.dma_semaphore, #tpu.memory_space<semaphore_mem>>) {add = true}
        %dma_wait3A_55 = arith.constant 0 : i32
        %dma_wait3A_56 = arith.constant 0 : i32
        %dma_wait3A_57 = tpu.memref_slice %arg10[%dma_wait3A_55, %dma_wait3A_56] : memref<10240x128xf32, #tpu.memory_space<vmem_shared>> -> memref<10240x128xf32, #tpu.memory_space<vmem_shared>>
        tpu.wait_indirect_dma semaphore(%run_scoped3A : memref<!tpu.dma_semaphore, #tpu.memory_space<semaphore_mem>>) src(%arg9 : memref<128x128xf32, #tpu.memory_space<vmem>>) dst(%dma_wait3A_57 : memref<10240x128xf32, #tpu.memory_space<vmem_shared>>)
        tpu.yield
      }) : () -> ()
    }
    %scan3A_17 = arith.constant 79 : i32
    %barrier3A_18 = arith.constant 0 : index
    tpu.barrier barrier_id(%barrier3A_18)
    %add3A_19 = arith.constant 0 : i32
    %add3A_20 = arith.addi %mul3A_0, %add3A_19 : i32
    "tpu.region"() ({
      %run_scoped3A = tpu.sem_alloc : memref<!tpu.dma_semaphore, #tpu.memory_space<semaphore_mem>>
      %dma_start3A = arith.constant 0 : i32
      %dma_start3A_39 = tpu.memref_slice %arg10[%add3A_20, %dma_start3A] : memref<10240x128xf32, #tpu.memory_space<vmem_shared>> -> memref<128x128xf32, #tpu.memory_space<vmem_shared>>
      %dma_start3A_40 = arith.constant 0 : i32
      %dma_start3A_41 = tpu.memref_slice %arg10[%add3A_20, %dma_start3A_40] : memref<10240x128xf32, #tpu.memory_space<vmem_shared>> -> memref<128x128xf32, #tpu.memory_space<vmem_shared>>
      tpu.enqueue_dma source(%dma_start3A_41 : memref<128x128xf32, #tpu.memory_space<vmem_shared>>) target(%arg9 : memref<128x128xf32, #tpu.memory_space<vmem>>) target_semaphore(%run_scoped3A : memref<!tpu.dma_semaphore, #tpu.memory_space<semaphore_mem>>)
      %dma_wait3A = arith.constant 0 : i32
      %dma_wait3A_42 = tpu.memref_slice %arg10[%add3A_20, %dma_wait3A] : memref<10240x128xf32, #tpu.memory_space<vmem_shared>> -> memref<128x128xf32, #tpu.memory_space<vmem_shared>>
      %dma_wait3A_43 = arith.constant 0 : i32
      %dma_wait3A_44 = tpu.memref_slice %arg10[%add3A_20, %dma_wait3A_43] : memref<10240x128xf32, #tpu.memory_space<vmem_shared>> -> memref<128x128xf32, #tpu.memory_space<vmem_shared>>
      tpu.wait_dma2 semaphore(%run_scoped3A : memref<!tpu.dma_semaphore, #tpu.memory_space<semaphore_mem>>) src(%dma_wait3A_44 : memref<128x128xf32, #tpu.memory_space<vmem_shared>>) dst(%arg9 : memref<128x128xf32, #tpu.memory_space<vmem>>)
      tpu.yield
    }) : () -> ()
    %add3A_21 = arith.constant 0 : i32
    %add3A_22 = arith.addi %add3A, %add3A_21 : i32
    "tpu.region"() ({
      %run_scoped3A = tpu.sem_alloc : memref<!tpu.dma_semaphore, #tpu.memory_space<semaphore_mem>>
      %dma_start3A = arith.constant 0 : i32
      %dma_start3A_39 = tpu.memref_slice %arg7[%add3A_22, %dma_start3A] : memref<20480x128xf32, #tpu.memory_space<hbm>> -> memref<128x128xf32, #tpu.memory_space<hbm>>
      %dma_start3A_40 = arith.constant 0 : i32
      %dma_start3A_41 = tpu.memref_slice %arg7[%add3A_22, %dma_start3A_40] : memref<20480x128xf32, #tpu.memory_space<hbm>> -> memref<128x128xf32, #tpu.memory_space<hbm>>
      tpu.enqueue_dma source(%arg9 : memref<128x128xf32, #tpu.memory_space<vmem>>) target(%dma_start3A_41 : memref<128x128xf32, #tpu.memory_space<hbm>>) target_semaphore(%run_scoped3A : memref<!tpu.dma_semaphore, #tpu.memory_space<semaphore_mem>>)
      %dma_wait3A = arith.constant 0 : i32
      %dma_wait3A_42 = tpu.memref_slice %arg7[%add3A_22, %dma_wait3A] : memref<20480x128xf32, #tpu.memory_space<hbm>> -> memref<128x128xf32, #tpu.memory_space<hbm>>
      %dma_wait3A_43 = arith.constant 0 : i32
      %dma_wait3A_44 = tpu.memref_slice %arg7[%add3A_22, %dma_wait3A_43] : memref<20480x128xf32, #tpu.memory_space<hbm>> -> memref<128x128xf32, #tpu.memory_space<hbm>>
      tpu.wait_dma2 semaphore(%run_scoped3A : memref<!tpu.dma_semaphore, #tpu.memory_space<semaphore_mem>>) src(%arg9 : memref<128x128xf32, #tpu.memory_space<vmem>>) dst(%dma_wait3A_44 : memref<128x128xf32, #tpu.memory_space<hbm>>)
      tpu.yield
    }) : () -> ()
    %add3A_23 = arith.constant 128 : i32
    %add3A_24 = arith.addi %mul3A_0, %add3A_23 : i32
    "tpu.region"() ({
      %run_scoped3A = tpu.sem_alloc : memref<!tpu.dma_semaphore, #tpu.memory_space<semaphore_mem>>
      %dma_start3A = arith.constant 0 : i32
      %dma_start3A_39 = tpu.memref_slice %arg10[%add3A_24, %dma_start3A] : memref<10240x128xf32, #tpu.memory_space<vmem_shared>> -> memref<128x128xf32, #tpu.memory_space<vmem_shared>>
      %dma_start3A_40 = arith.constant 0 : i32
      %dma_start3A_41 = tpu.memref_slice %arg10[%add3A_24, %dma_start3A_40] : memref<10240x128xf32, #tpu.memory_space<vmem_shared>> -> memref<128x128xf32, #tpu.memory_space<vmem_shared>>
      tpu.enqueue_dma source(%dma_start3A_41 : memref<128x128xf32, #tpu.memory_space<vmem_shared>>) target(%arg9 : memref<128x128xf32, #tpu.memory_space<vmem>>) target_semaphore(%run_scoped3A : memref<!tpu.dma_semaphore, #tpu.memory_space<semaphore_mem>>)
      %dma_wait3A = arith.constant 0 : i32
      %dma_wait3A_42 = tpu.memref_slice %arg10[%add3A_24, %dma_wait3A] : memref<10240x128xf32, #tpu.memory_space<vmem_shared>> -> memref<128x128xf32, #tpu.memory_space<vmem_shared>>
      %dma_wait3A_43 = arith.constant 0 : i32
      %dma_wait3A_44 = tpu.memref_slice %arg10[%add3A_24, %dma_wait3A_43] : memref<10240x128xf32, #tpu.memory_space<vmem_shared>> -> memref<128x128xf32, #tpu.memory_space<vmem_shared>>
      tpu.wait_dma2 semaphore(%run_scoped3A : memref<!tpu.dma_semaphore, #tpu.memory_space<semaphore_mem>>) src(%dma_wait3A_44 : memref<128x128xf32, #tpu.memory_space<vmem_shared>>) dst(%arg9 : memref<128x128xf32, #tpu.memory_space<vmem>>)
      tpu.yield
    }) : () -> ()
    %add3A_25 = arith.constant 128 : i32
    %add3A_26 = arith.addi %add3A, %add3A_25 : i32
    "tpu.region"() ({
      %run_scoped3A = tpu.sem_alloc : memref<!tpu.dma_semaphore, #tpu.memory_space<semaphore_mem>>
      %dma_start3A = arith.constant 0 : i32
      %dma_start3A_39 = tpu.memref_slice %arg7[%add3A_26, %dma_start3A] : memref<20480x128xf32, #tpu.memory_space<hbm>> -> memref<128x128xf32, #tpu.memory_space<hbm>>
      %dma_start3A_40 = arith.constant 0 : i32
      %dma_start3A_41 = tpu.memref_slice %arg7[%add3A_26, %dma_start3A_40] : memref<20480x128xf32, #tpu.memory_space<hbm>> -> memref<128x128xf32, #tpu.memory_space<hbm>>
      tpu.enqueue_dma source(%arg9 : memref<128x128xf32, #tpu.memory_space<vmem>>) target(%dma_start3A_41 : memref<128x128xf32, #tpu.memory_space<hbm>>) target_semaphore(%run_scoped3A : memref<!tpu.dma_semaphore, #tpu.memory_space<semaphore_mem>>)
      %dma_wait3A = arith.constant 0 : i32
      %dma_wait3A_42 = tpu.memref_slice %arg7[%add3A_26, %dma_wait3A] : memref<20480x128xf32, #tpu.memory_space<hbm>> -> memref<128x128xf32, #tpu.memory_space<hbm>>
      %dma_wait3A_43 = arith.constant 0 : i32
      %dma_wait3A_44 = tpu.memref_slice %arg7[%add3A_26, %dma_wait3A_43] : memref<20480x128xf32, #tpu.memory_space<hbm>> -> memref<128x128xf32, #tpu.memory_space<hbm>>
      tpu.wait_dma2 semaphore(%run_scoped3A : memref<!tpu.dma_semaphore, #tpu.memory_space<semaphore_mem>>) src(%arg9 : memref<128x128xf32, #tpu.memory_space<vmem>>) dst(%dma_wait3A_44 : memref<128x128xf32, #tpu.memory_space<hbm>>)
      tpu.yield
    }) : () -> ()
    %add3A_27 = arith.constant 256 : i32
    %add3A_28 = arith.addi %mul3A_0, %add3A_27 : i32
    "tpu.region"() ({
      %run_scoped3A = tpu.sem_alloc : memref<!tpu.dma_semaphore, #tpu.memory_space<semaphore_mem>>
      %dma_start3A = arith.constant 0 : i32
      %dma_start3A_39 = tpu.memref_slice %arg10[%add3A_28, %dma_start3A] : memref<10240x128xf32, #tpu.memory_space<vmem_shared>> -> memref<128x128xf32, #tpu.memory_space<vmem_shared>>
      %dma_start3A_40 = arith.constant 0 : i32
      %dma_start3A_41 = tpu.memref_slice %arg10[%add3A_28, %dma_start3A_40] : memref<10240x128xf32, #tpu.memory_space<vmem_shared>> -> memref<128x128xf32, #tpu.memory_space<vmem_shared>>
      tpu.enqueue_dma source(%dma_start3A_41 : memref<128x128xf32, #tpu.memory_space<vmem_shared>>) target(%arg9 : memref<128x128xf32, #tpu.memory_space<vmem>>) target_semaphore(%run_scoped3A : memref<!tpu.dma_semaphore, #tpu.memory_space<semaphore_mem>>)
      %dma_wait3A = arith.constant 0 : i32
      %dma_wait3A_42 = tpu.memref_slice %arg10[%add3A_28, %dma_wait3A] : memref<10240x128xf32, #tpu.memory_space<vmem_shared>> -> memref<128x128xf32, #tpu.memory_space<vmem_shared>>
      %dma_wait3A_43 = arith.constant 0 : i32
      %dma_wait3A_44 = tpu.memref_slice %arg10[%add3A_28, %dma_wait3A_43] : memref<10240x128xf32, #tpu.memory_space<vmem_shared>> -> memref<128x128xf32, #tpu.memory_space<vmem_shared>>
      tpu.wait_dma2 semaphore(%run_scoped3A : memref<!tpu.dma_semaphore, #tpu.memory_space<semaphore_mem>>) src(%dma_wait3A_44 : memref<128x128xf32, #tpu.memory_space<vmem_shared>>) dst(%arg9 : memref<128x128xf32, #tpu.memory_space<vmem>>)
      tpu.yield
    }) : () -> ()
    %add3A_29 = arith.constant 256 : i32
    %add3A_30 = arith.addi %add3A, %add3A_29 : i32
    "tpu.region"() ({
      %run_scoped3A = tpu.sem_alloc : memref<!tpu.dma_semaphore, #tpu.memory_space<semaphore_mem>>
      %dma_start3A = arith.constant 0 : i32
      %dma_start3A_39 = tpu.memref_slice %arg7[%add3A_30, %dma_start3A] : memref<20480x128xf32, #tpu.memory_space<hbm>> -> memref<128x128xf32, #tpu.memory_space<hbm>>
      %dma_start3A_40 = arith.constant 0 : i32
      %dma_start3A_41 = tpu.memref_slice %arg7[%add3A_30, %dma_start3A_40] : memref<20480x128xf32, #tpu.memory_space<hbm>> -> memref<128x128xf32, #tpu.memory_space<hbm>>
      tpu.enqueue_dma source(%arg9 : memref<128x128xf32, #tpu.memory_space<vmem>>) target(%dma_start3A_41 : memref<128x128xf32, #tpu.memory_space<hbm>>) target_semaphore(%run_scoped3A : memref<!tpu.dma_semaphore, #tpu.memory_space<semaphore_mem>>)
      %dma_wait3A = arith.constant 0 : i32
      %dma_wait3A_42 = tpu.memref_slice %arg7[%add3A_30, %dma_wait3A] : memref<20480x128xf32, #tpu.memory_space<hbm>> -> memref<128x128xf32, #tpu.memory_space<hbm>>
      %dma_wait3A_43 = arith.constant 0 : i32
      %dma_wait3A_44 = tpu.memref_slice %arg7[%add3A_30, %dma_wait3A_43] : memref<20480x128xf32, #tpu.memory_space<hbm>> -> memref<128x128xf32, #tpu.memory_space<hbm>>
      tpu.wait_dma2 semaphore(%run_scoped3A : memref<!tpu.dma_semaphore, #tpu.memory_space<semaphore_mem>>) src(%arg9 : memref<128x128xf32, #tpu.memory_space<vmem>>) dst(%dma_wait3A_44 : memref<128x128xf32, #tpu.memory_space<hbm>>)
      tpu.yield
    }) : () -> ()
    %add3A_31 = arith.constant 384 : i32
    %add3A_32 = arith.addi %mul3A_0, %add3A_31 : i32
    "tpu.region"() ({
      %run_scoped3A = tpu.sem_alloc : memref<!tpu.dma_semaphore, #tpu.memory_space<semaphore_mem>>
      %dma_start3A = arith.constant 0 : i32
      %dma_start3A_39 = tpu.memref_slice %arg10[%add3A_32, %dma_start3A] : memref<10240x128xf32, #tpu.memory_space<vmem_shared>> -> memref<128x128xf32, #tpu.memory_space<vmem_shared>>
      %dma_start3A_40 = arith.constant 0 : i32
      %dma_start3A_41 = tpu.memref_slice %arg10[%add3A_32, %dma_start3A_40] : memref<10240x128xf32, #tpu.memory_space<vmem_shared>> -> memref<128x128xf32, #tpu.memory_space<vmem_shared>>
      tpu.enqueue_dma source(%dma_start3A_41 : memref<128x128xf32, #tpu.memory_space<vmem_shared>>) target(%arg9 : memref<128x128xf32, #tpu.memory_space<vmem>>) target_semaphore(%run_scoped3A : memref<!tpu.dma_semaphore, #tpu.memory_space<semaphore_mem>>)
      %dma_wait3A = arith.constant 0 : i32
      %dma_wait3A_42 = tpu.memref_slice %arg10[%add3A_32, %dma_wait3A] : memref<10240x128xf32, #tpu.memory_space<vmem_shared>> -> memref<128x128xf32, #tpu.memory_space<vmem_shared>>
      %dma_wait3A_43 = arith.constant 0 : i32
      %dma_wait3A_44 = tpu.memref_slice %arg10[%add3A_32, %dma_wait3A_43] : memref<10240x128xf32, #tpu.memory_space<vmem_shared>> -> memref<128x128xf32, #tpu.memory_space<vmem_shared>>
      tpu.wait_dma2 semaphore(%run_scoped3A : memref<!tpu.dma_semaphore, #tpu.memory_space<semaphore_mem>>) src(%dma_wait3A_44 : memref<128x128xf32, #tpu.memory_space<vmem_shared>>) dst(%arg9 : memref<128x128xf32, #tpu.memory_space<vmem>>)
      tpu.yield
    }) : () -> ()
    %add3A_33 = arith.constant 384 : i32
    %add3A_34 = arith.addi %add3A, %add3A_33 : i32
    "tpu.region"() ({
      %run_scoped3A = tpu.sem_alloc : memref<!tpu.dma_semaphore, #tpu.memory_space<semaphore_mem>>
      %dma_start3A = arith.constant 0 : i32
      %dma_start3A_39 = tpu.memref_slice %arg7[%add3A_34, %dma_start3A] : memref<20480x128xf32, #tpu.memory_space<hbm>> -> memref<128x128xf32, #tpu.memory_space<hbm>>
      %dma_start3A_40 = arith.constant 0 : i32
      %dma_start3A_41 = tpu.memref_slice %arg7[%add3A_34, %dma_start3A_40] : memref<20480x128xf32, #tpu.memory_space<hbm>> -> memref<128x128xf32, #tpu.memory_space<hbm>>
      tpu.enqueue_dma source(%arg9 : memref<128x128xf32, #tpu.memory_space<vmem>>) target(%dma_start3A_41 : memref<128x128xf32, #tpu.memory_space<hbm>>) target_semaphore(%run_scoped3A : memref<!tpu.dma_semaphore, #tpu.memory_space<semaphore_mem>>)
      %dma_wait3A = arith.constant 0 : i32
      %dma_wait3A_42 = tpu.memref_slice %arg7[%add3A_34, %dma_wait3A] : memref<20480x128xf32, #tpu.memory_space<hbm>> -> memref<128x128xf32, #tpu.memory_space<hbm>>
      %dma_wait3A_43 = arith.constant 0 : i32
      %dma_wait3A_44 = tpu.memref_slice %arg7[%add3A_34, %dma_wait3A_43] : memref<20480x128xf32, #tpu.memory_space<hbm>> -> memref<128x128xf32, #tpu.memory_space<hbm>>
      tpu.wait_dma2 semaphore(%run_scoped3A : memref<!tpu.dma_semaphore, #tpu.memory_space<semaphore_mem>>) src(%arg9 : memref<128x128xf32, #tpu.memory_space<vmem>>) dst(%dma_wait3A_44 : memref<128x128xf32, #tpu.memory_space<hbm>>)
      tpu.yield
    }) : () -> ()
    %add3A_35 = arith.constant 512 : i32
    %add3A_36 = arith.addi %mul3A_0, %add3A_35 : i32
    "tpu.region"() ({
      %run_scoped3A = tpu.sem_alloc : memref<!tpu.dma_semaphore, #tpu.memory_space<semaphore_mem>>
      %dma_start3A = arith.constant 0 : i32
      %dma_start3A_39 = tpu.memref_slice %arg10[%add3A_36, %dma_start3A] : memref<10240x128xf32, #tpu.memory_space<vmem_shared>> -> memref<128x128xf32, #tpu.memory_space<vmem_shared>>
      %dma_start3A_40 = arith.constant 0 : i32
      %dma_start3A_41 = tpu.memref_slice %arg10[%add3A_36, %dma_start3A_40] : memref<10240x128xf32, #tpu.memory_space<vmem_shared>> -> memref<128x128xf32, #tpu.memory_space<vmem_shared>>
      tpu.enqueue_dma source(%dma_start3A_41 : memref<128x128xf32, #tpu.memory_space<vmem_shared>>) target(%arg9 : memref<128x128xf32, #tpu.memory_space<vmem>>) target_semaphore(%run_scoped3A : memref<!tpu.dma_semaphore, #tpu.memory_space<semaphore_mem>>)
      %dma_wait3A = arith.constant 0 : i32
      %dma_wait3A_42 = tpu.memref_slice %arg10[%add3A_36, %dma_wait3A] : memref<10240x128xf32, #tpu.memory_space<vmem_shared>> -> memref<128x128xf32, #tpu.memory_space<vmem_shared>>
      %dma_wait3A_43 = arith.constant 0 : i32
      %dma_wait3A_44 = tpu.memref_slice %arg10[%add3A_36, %dma_wait3A_43] : memref<10240x128xf32, #tpu.memory_space<vmem_shared>> -> memref<128x128xf32, #tpu.memory_space<vmem_shared>>
      tpu.wait_dma2 semaphore(%run_scoped3A : memref<!tpu.dma_semaphore, #tpu.memory_space<semaphore_mem>>) src(%dma_wait3A_44 : memref<128x128xf32, #tpu.memory_space<vmem_shared>>) dst(%arg9 : memref<128x128xf32, #tpu.memory_space<vmem>>)
      tpu.yield
    }) : () -> ()
    %add3A_37 = arith.constant 512 : i32
    %add3A_38 = arith.addi %add3A, %add3A_37 : i32
    "tpu.region"() ({
      %run_scoped3A = tpu.sem_alloc : memref<!tpu.dma_semaphore, #tpu.memory_space<semaphore_mem>>
      %dma_start3A = arith.constant 0 : i32
      %dma_start3A_39 = tpu.memref_slice %arg7[%add3A_38, %dma_start3A] : memref<20480x128xf32, #tpu.memory_space<hbm>> -> memref<128x128xf32, #tpu.memory_space<hbm>>
      %dma_start3A_40 = arith.constant 0 : i32
      %dma_start3A_41 = tpu.memref_slice %arg7[%add3A_38, %dma_start3A_40] : memref<20480x128xf32, #tpu.memory_space<hbm>> -> memref<128x128xf32, #tpu.memory_space<hbm>>
      tpu.enqueue_dma source(%arg9 : memref<128x128xf32, #tpu.memory_space<vmem>>) target(%dma_start3A_41 : memref<128x128xf32, #tpu.memory_space<hbm>>) target_semaphore(%run_scoped3A : memref<!tpu.dma_semaphore, #tpu.memory_space<semaphore_mem>>)
      %dma_wait3A = arith.constant 0 : i32
      %dma_wait3A_42 = tpu.memref_slice %arg7[%add3A_38, %dma_wait3A] : memref<20480x128xf32, #tpu.memory_space<hbm>> -> memref<128x128xf32, #tpu.memory_space<hbm>>
      %dma_wait3A_43 = arith.constant 0 : i32
      %dma_wait3A_44 = tpu.memref_slice %arg7[%add3A_38, %dma_wait3A_43] : memref<20480x128xf32, #tpu.memory_space<hbm>> -> memref<128x128xf32, #tpu.memory_space<hbm>>
      tpu.wait_dma2 semaphore(%run_scoped3A : memref<!tpu.dma_semaphore, #tpu.memory_space<semaphore_mem>>) src(%arg9 : memref<128x128xf32, #tpu.memory_space<vmem>>) dst(%dma_wait3A_44 : memref<128x128xf32, #tpu.memory_space<hbm>>)
      tpu.yield
    }) : () -> ()
    return
  }
}

module attributes {stable_mosaic.version = 14 : i64} {
  func.func @body(%arg0: i32, %arg1: memref<2x2000x128xf32, #tpu.memory_space<vmem>>, %arg2: memref<2x2000x128xf32, #tpu.memory_space<vmem>>, %arg3: memref<128x128xf32, #tpu.memory_space<vmem>>, %arg4: memref<1x128xf32, #tpu.memory_space<vmem>>, %arg5: memref<2000x128xf32, #tpu.memory_space<vmem>>) attributes {dimension_semantics = [#tpu.dimension_semantics<arbitrary>], iteration_bounds = array<i64: 5>, scalar_prefetch = 0 : i64, scratch_operands = 0 : i64, tpu.core_type = #tpu.core_type<tc>, window_params = [{transform_indices = @transform_0, window_bounds = array<i64: 2, 2000, 128>}, {transform_indices = @transform_1, window_bounds = array<i64: 2, 2000, 128>}, {pipeline_mode = #tpu.pipeline_mode<synchronous>, transform_indices = @transform_2, window_bounds = array<i64: 128, 128>}, {pipeline_mode = #tpu.pipeline_mode<synchronous>, transform_indices = @transform_3, window_bounds = array<i64: 1, 128>}, {transform_indices = @transform_4, window_bounds = array<i64: 2000, 128>}]} {
    %get3A = arith.constant 0 : index
    %get3A_0 = arith.constant 0 : index
    %get3A_1 = arith.constant 0 : index
    %get3A_2 = vector.load %arg1[%get3A, %get3A_0, %get3A_1] : memref<2x2000x128xf32, #tpu.memory_space<vmem>>, vector<1x2000x128xf32>
    %get3A_3 = vector.shape_cast %get3A_2 : vector<1x2000x128xf32> to vector<2000x128xf32>
    %get3A_4 = arith.constant 1 : index
    %get3A_5 = arith.constant 0 : index
    %get3A_6 = arith.constant 0 : index
    %get3A_7 = vector.load %arg1[%get3A_4, %get3A_5, %get3A_6] : memref<2x2000x128xf32, #tpu.memory_space<vmem>>, vector<1x2000x128xf32>
    %get3A_8 = vector.shape_cast %get3A_7 : vector<1x2000x128xf32> to vector<2000x128xf32>
    %add3A = arith.addf %get3A_3, %get3A_8 : vector<2000x128xf32>
    %get3A_9 = arith.constant 0 : index
    %get3A_10 = arith.constant 0 : index
    %get3A_11 = arith.constant 0 : index
    %get3A_12 = vector.load %arg2[%get3A_9, %get3A_10, %get3A_11] : memref<2x2000x128xf32, #tpu.memory_space<vmem>>, vector<1x2000x1xf32>
    %get3A_13 = vector.shape_cast %get3A_12 : vector<1x2000x1xf32> to vector<2000x1xf32>
    %get3A_14 = arith.constant 1 : index
    %get3A_15 = arith.constant 0 : index
    %get3A_16 = arith.constant 0 : index
    %get3A_17 = vector.load %arg2[%get3A_14, %get3A_15, %get3A_16] : memref<2x2000x128xf32, #tpu.memory_space<vmem>>, vector<1x2000x1xf32>
    %get3A_18 = vector.shape_cast %get3A_17 : vector<1x2000x1xf32> to vector<2000x1xf32>
    %add3A_19 = arith.addf %get3A_13, %get3A_18 : vector<2000x1xf32>
    %max3A = arith.constant 1.000000e+00 : f32
    %max3A_20 = vector.broadcast %max3A : f32 to vector<2000x1xf32>
    %max3A_21 = arith.maximumf %add3A_19, %max3A_20 : vector<2000x1xf32>
    %div3A = vector.broadcast %max3A_21 : vector<2000x1xf32> to vector<2000x128xf32>
    %div3A_22 = arith.divf %add3A, %div3A : vector<2000x128xf32>
    %get3A_23 = arith.constant 0 : index
    %get3A_24 = arith.constant 0 : index
    %get3A_25 = vector.load %arg3[%get3A_23, %get3A_24] : memref<128x128xf32, #tpu.memory_space<vmem>>, vector<128x128xf32>
    %dot_general3A = arith.constant dense<0.000000e+00> : vector<2000x128xf32>
    %dot_general3A_26 = tpu.matmul %div3A_22, %get3A_25, %dot_general3A {dimension_numbers = #tpu.dot_dimension_numbers<[1], [0], [0], [1], [0, 0, 1, 1], [], []>, transpose_lhs_hint = false} : vector<2000x128xf32>, vector<128x128xf32>, vector<2000x128xf32> -> vector<2000x128xf32>
    %get3A_27 = arith.constant 0 : index
    %get3A_28 = arith.constant 0 : index
    %get3A_29 = vector.load %arg4[%get3A_27, %get3A_28] : memref<1x128xf32, #tpu.memory_space<vmem>>, vector<1x128xf32>
    %add3A_30 = vector.broadcast %get3A_29 : vector<1x128xf32> to vector<2000x128xf32>
    %add3A_31 = arith.addf %dot_general3A_26, %add3A_30 : vector<2000x128xf32>
    %gt3A = arith.constant 0.000000e+00 : f32
    %gt3A_32 = vector.broadcast %gt3A : f32 to vector<2000x128xf32>
    %gt3A_33 = arith.cmpf ogt, %add3A_31, %gt3A_32 : vector<2000x128xf32>
    %exp3A = math.exp %add3A_31 : vector<2000x128xf32>
    %sub3A = arith.constant 1.000000e+00 : f32
    %sub3A_34 = vector.broadcast %sub3A : f32 to vector<2000x128xf32>
    %sub3A_35 = arith.subf %exp3A, %sub3A_34 : vector<2000x128xf32>
    %select_n3A = arith.select %gt3A_33, %add3A_31, %sub3A_35 : vector<2000x128xi1>, vector<2000x128xf32>
    %swap3A = arith.constant 0 : index
    %swap3A_36 = arith.constant 0 : index
    %swap3A_37 = vector.load %arg5[%swap3A, %swap3A_36] : memref<2000x128xf32, #tpu.memory_space<vmem>>, vector<2000x128xf32>
    tpu.vector_store %arg5[%swap3A, %swap3A_36], %select_n3A {strides = array<i32>} : memref<2000x128xf32, #tpu.memory_space<vmem>>, vector<2000x128xf32>,
    return
  }
  func.func @transform_0(%arg0: i32) -> (i32, i32, i32) {
    %c0_i32 = arith.constant 0 : i32
    %c0_i32_0 = arith.constant 0 : i32
    %c0_i32_1 = arith.constant 0 : i32
    return %c0_i32, %arg0, %c0_i32_0 : i32, i32, i32
  }
  func.func @transform_1(%arg0: i32) -> (i32, i32, i32) {
    %c0_i32 = arith.constant 0 : i32
    %c0_i32_0 = arith.constant 0 : i32
    %c0_i32_1 = arith.constant 0 : i32
    return %c0_i32, %arg0, %c0_i32_0 : i32, i32, i32
  }
  func.func @transform_2(%arg0: i32) -> (i32, i32) {
    %c0_i32 = arith.constant 0 : i32
    %c0_i32_0 = arith.constant 0 : i32
    %c0_i32_1 = arith.constant 0 : i32
    return %c0_i32, %c0_i32_0 : i32, i32
  }
  func.func @transform_3(%arg0: i32) -> (i32, i32) {
    %c0_i32 = arith.constant 0 : i32
    %c0_i32_0 = arith.constant 0 : i32
    %c0_i32_1 = arith.constant 0 : i32
    return %c0_i32, %c0_i32_0 : i32, i32
  }
  func.func @transform_4(%arg0: i32) -> (i32, i32) {
    %c0_i32 = arith.constant 0 : i32
    %c0_i32_0 = arith.constant 0 : i32
    return %arg0, %c0_i32 : i32, i32
  }
}

module attributes {stable_mosaic.version = 14 : i64} {
  func.func @body(%arg0: i32, %arg1: memref<2x2000x128xf32, #tpu.memory_space<vmem>>, %arg2: memref<2x2000x128xf32, #tpu.memory_space<vmem>>, %arg3: memref<128x128xf32, #tpu.memory_space<vmem>>, %arg4: memref<1x128xf32, #tpu.memory_space<vmem>>, %arg5: memref<2000x128xf32, #tpu.memory_space<vmem>>) attributes {dimension_semantics = [#tpu.dimension_semantics<arbitrary>], iteration_bounds = array<i64: 5>, scalar_prefetch = 0 : i64, scratch_operands = 0 : i64, tpu.core_type = #tpu.core_type<tc>, window_params = [{transform_indices = @transform_0, window_bounds = array<i64: 2, 2000, 128>}, {transform_indices = @transform_1, window_bounds = array<i64: 2, 2000, 128>}, {pipeline_mode = #tpu.pipeline_mode<synchronous>, transform_indices = @transform_2, window_bounds = array<i64: 128, 128>}, {pipeline_mode = #tpu.pipeline_mode<synchronous>, transform_indices = @transform_3, window_bounds = array<i64: 1, 128>}, {transform_indices = @transform_4, window_bounds = array<i64: 2000, 128>}]} {
    %get3A = arith.constant 0 : index
    %get3A_0 = arith.constant 0 : index
    %get3A_1 = arith.constant 0 : index
    %get3A_2 = vector.load %arg1[%get3A, %get3A_0, %get3A_1] : memref<2x2000x128xf32, #tpu.memory_space<vmem>>, vector<1x2000x128xf32>
    %get3A_3 = vector.shape_cast %get3A_2 : vector<1x2000x128xf32> to vector<2000x128xf32>
    %get3A_4 = arith.constant 1 : index
    %get3A_5 = arith.constant 0 : index
    %get3A_6 = arith.constant 0 : index
    %get3A_7 = vector.load %arg1[%get3A_4, %get3A_5, %get3A_6] : memref<2x2000x128xf32, #tpu.memory_space<vmem>>, vector<1x2000x128xf32>
    %get3A_8 = vector.shape_cast %get3A_7 : vector<1x2000x128xf32> to vector<2000x128xf32>
    %add3A = arith.addf %get3A_3, %get3A_8 : vector<2000x128xf32>
    %get3A_9 = arith.constant 0 : index
    %get3A_10 = arith.constant 0 : index
    %get3A_11 = arith.constant 0 : index
    %get3A_12 = vector.load %arg2[%get3A_9, %get3A_10, %get3A_11] : memref<2x2000x128xf32, #tpu.memory_space<vmem>>, vector<1x2000x1xf32>
    %get3A_13 = vector.shape_cast %get3A_12 : vector<1x2000x1xf32> to vector<2000x1xf32>
    %get3A_14 = arith.constant 1 : index
    %get3A_15 = arith.constant 0 : index
    %get3A_16 = arith.constant 0 : index
    %get3A_17 = vector.load %arg2[%get3A_14, %get3A_15, %get3A_16] : memref<2x2000x128xf32, #tpu.memory_space<vmem>>, vector<1x2000x1xf32>
    %get3A_18 = vector.shape_cast %get3A_17 : vector<1x2000x1xf32> to vector<2000x1xf32>
    %add3A_19 = arith.addf %get3A_13, %get3A_18 : vector<2000x1xf32>
    %max3A = arith.constant 1.000000e+00 : f32
    %max3A_20 = vector.broadcast %max3A : f32 to vector<2000x1xf32>
    %max3A_21 = arith.maximumf %add3A_19, %max3A_20 : vector<2000x1xf32>
    %div3A = vector.broadcast %max3A_21 : vector<2000x1xf32> to vector<2000x128xf32>
    %div3A_22 = arith.divf %add3A, %div3A : vector<2000x128xf32>
    %get3A_23 = arith.constant 0 : index
    %get3A_24 = arith.constant 0 : index
    %get3A_25 = vector.load %arg3[%get3A_23, %get3A_24] : memref<128x128xf32, #tpu.memory_space<vmem>>, vector<128x128xf32>
    %dot_general3A = arith.constant dense<0.000000e+00> : vector<2000x128xf32>
    %dot_general3A_26 = tpu.matmul %div3A_22, %get3A_25, %dot_general3A {dimension_numbers = #tpu.dot_dimension_numbers<[1], [0], [0], [1], [0, 0, 1, 1], [], []>, transpose_lhs_hint = false} : vector<2000x128xf32>, vector<128x128xf32>, vector<2000x128xf32> -> vector<2000x128xf32>
    %get3A_27 = arith.constant 0 : index
    %get3A_28 = arith.constant 0 : index
    %get3A_29 = vector.load %arg4[%get3A_27, %get3A_28] : memref<1x128xf32, #tpu.memory_space<vmem>>, vector<1x128xf32>
    %add3A_30 = vector.broadcast %get3A_29 : vector<1x128xf32> to vector<2000x128xf32>
    %add3A_31 = arith.addf %dot_general3A_26, %add3A_30 : vector<2000x128xf32>
    %max3A_32 = arith.constant 0.000000e+00 : f32
    %max3A_33 = vector.broadcast %max3A_32 : f32 to vector<2000x128xf32>
    %max3A_34 = arith.maximumf %add3A_31, %max3A_33 : vector<2000x128xf32>
    %swap3A = arith.constant 0 : index
    %swap3A_35 = arith.constant 0 : index
    %swap3A_36 = vector.load %arg5[%swap3A, %swap3A_35] : memref<2000x128xf32, #tpu.memory_space<vmem>>, vector<2000x128xf32>
    tpu.vector_store %arg5[%swap3A, %swap3A_35], %max3A_34 {strides = array<i32>} : memref<2000x128xf32, #tpu.memory_space<vmem>>, vector<2000x128xf32>,
    return
  }
  func.func @transform_0(%arg0: i32) -> (i32, i32, i32) {
    %c0_i32 = arith.constant 0 : i32
    %c0_i32_0 = arith.constant 0 : i32
    %c0_i32_1 = arith.constant 0 : i32
    return %c0_i32, %arg0, %c0_i32_0 : i32, i32, i32
  }
  func.func @transform_1(%arg0: i32) -> (i32, i32, i32) {
    %c0_i32 = arith.constant 0 : i32
    %c0_i32_0 = arith.constant 0 : i32
    %c0_i32_1 = arith.constant 0 : i32
    return %c0_i32, %arg0, %c0_i32_0 : i32, i32, i32
  }
  func.func @transform_2(%arg0: i32) -> (i32, i32) {
    %c0_i32 = arith.constant 0 : i32
    %c0_i32_0 = arith.constant 0 : i32
    %c0_i32_1 = arith.constant 0 : i32
    return %c0_i32, %c0_i32_0 : i32, i32
  }
  func.func @transform_3(%arg0: i32) -> (i32, i32) {
    %c0_i32 = arith.constant 0 : i32
    %c0_i32_0 = arith.constant 0 : i32
    %c0_i32_1 = arith.constant 0 : i32
    return %c0_i32, %c0_i32_0 : i32, i32
  }
  func.func @transform_4(%arg0: i32) -> (i32, i32) {
    %c0_i32 = arith.constant 0 : i32
    %c0_i32_0 = arith.constant 0 : i32
    return %arg0, %c0_i32 : i32, i32
  }
}

module attributes {stable_mosaic.version = 14 : i64} {
  func.func @body(%arg0: i32, %arg1: memref<2x2000x128xf32, #tpu.memory_space<vmem>>, %arg2: memref<2x2000x128xf32, #tpu.memory_space<vmem>>, %arg3: memref<128x128xf32, #tpu.memory_space<vmem>>, %arg4: memref<1x128xf32, #tpu.memory_space<vmem>>, %arg5: memref<2000x128xf32, #tpu.memory_space<vmem>>, %arg6: memref<8x128xf32, #tpu.memory_space<vmem>>) attributes {dimension_semantics = [#tpu.dimension_semantics<arbitrary>], iteration_bounds = array<i64: 5>, scalar_prefetch = 0 : i64, scratch_operands = 0 : i64, tpu.core_type = #tpu.core_type<tc>, window_params = [{transform_indices = @transform_0, window_bounds = array<i64: 2, 2000, 128>}, {transform_indices = @transform_1, window_bounds = array<i64: 2, 2000, 128>}, {pipeline_mode = #tpu.pipeline_mode<synchronous>, transform_indices = @transform_2, window_bounds = array<i64: 128, 128>}, {pipeline_mode = #tpu.pipeline_mode<synchronous>, transform_indices = @transform_3, window_bounds = array<i64: 1, 128>}, {transform_indices = @transform_4, window_bounds = array<i64: 2000, 128>}, {pipeline_mode = #tpu.pipeline_mode<synchronous>, transform_indices = @transform_5, window_bounds = array<i64: 8, 128>}]} {
    %get3A = arith.constant 0 : index
    %get3A_0 = arith.constant 0 : index
    %get3A_1 = arith.constant 0 : index
    %get3A_2 = vector.load %arg1[%get3A, %get3A_0, %get3A_1] : memref<2x2000x128xf32, #tpu.memory_space<vmem>>, vector<1x2000x128xf32>
    %get3A_3 = vector.shape_cast %get3A_2 : vector<1x2000x128xf32> to vector<2000x128xf32>
    %get3A_4 = arith.constant 1 : index
    %get3A_5 = arith.constant 0 : index
    %get3A_6 = arith.constant 0 : index
    %get3A_7 = vector.load %arg1[%get3A_4, %get3A_5, %get3A_6] : memref<2x2000x128xf32, #tpu.memory_space<vmem>>, vector<1x2000x128xf32>
    %get3A_8 = vector.shape_cast %get3A_7 : vector<1x2000x128xf32> to vector<2000x128xf32>
    %add3A = arith.addf %get3A_3, %get3A_8 : vector<2000x128xf32>
    %get3A_9 = arith.constant 0 : index
    %get3A_10 = arith.constant 0 : index
    %get3A_11 = arith.constant 0 : index
    %get3A_12 = vector.load %arg2[%get3A_9, %get3A_10, %get3A_11] : memref<2x2000x128xf32, #tpu.memory_space<vmem>>, vector<1x2000x1xf32>
    %get3A_13 = vector.shape_cast %get3A_12 : vector<1x2000x1xf32> to vector<2000x1xf32>
    %get3A_14 = arith.constant 1 : index
    %get3A_15 = arith.constant 0 : index
    %get3A_16 = arith.constant 0 : index
    %get3A_17 = vector.load %arg2[%get3A_14, %get3A_15, %get3A_16] : memref<2x2000x128xf32, #tpu.memory_space<vmem>>, vector<1x2000x1xf32>
    %get3A_18 = vector.shape_cast %get3A_17 : vector<1x2000x1xf32> to vector<2000x1xf32>
    %add3A_19 = arith.addf %get3A_13, %get3A_18 : vector<2000x1xf32>
    %max3A = arith.constant 1.000000e+00 : f32
    %max3A_20 = vector.broadcast %max3A : f32 to vector<2000x1xf32>
    %max3A_21 = arith.maximumf %add3A_19, %max3A_20 : vector<2000x1xf32>
    %div3A = vector.broadcast %max3A_21 : vector<2000x1xf32> to vector<2000x128xf32>
    %div3A_22 = arith.divf %add3A, %div3A : vector<2000x128xf32>
    %get3A_23 = arith.constant 0 : index
    %get3A_24 = arith.constant 0 : index
    %get3A_25 = vector.load %arg3[%get3A_23, %get3A_24] : memref<128x128xf32, #tpu.memory_space<vmem>>, vector<128x128xf32>
    %dot_general3A = arith.constant dense<0.000000e+00> : vector<2000x128xf32>
    %dot_general3A_26 = tpu.matmul %div3A_22, %get3A_25, %dot_general3A {dimension_numbers = #tpu.dot_dimension_numbers<[1], [0], [0], [1], [0, 0, 1, 1], [], []>, transpose_lhs_hint = false} : vector<2000x128xf32>, vector<128x128xf32>, vector<2000x128xf32> -> vector<2000x128xf32>
    %get3A_27 = arith.constant 0 : index
    %get3A_28 = arith.constant 0 : index
    %get3A_29 = vector.load %arg4[%get3A_27, %get3A_28] : memref<1x128xf32, #tpu.memory_space<vmem>>, vector<1x128xf32>
    %add3A_30 = vector.broadcast %get3A_29 : vector<1x128xf32> to vector<2000x128xf32>
    %add3A_31 = arith.addf %dot_general3A_26, %add3A_30 : vector<2000x128xf32>
    %max3A_32 = arith.constant 0.000000e+00 : f32
    %max3A_33 = vector.broadcast %max3A_32 : f32 to vector<2000x128xf32>
    %max3A_34 = arith.maximumf %add3A_31, %max3A_33 : vector<2000x128xf32>
    %swap3A = arith.constant 0 : index
    %swap3A_35 = arith.constant 0 : index
    %swap3A_36 = vector.load %arg5[%swap3A, %swap3A_35] : memref<2000x128xf32, #tpu.memory_space<vmem>>, vector<2000x128xf32>
    tpu.vector_store %arg5[%swap3A, %swap3A_35], %max3A_34 {strides = array<i32>} : memref<2000x128xf32, #tpu.memory_space<vmem>>, vector<2000x128xf32>,
    %reshape3A = vector.shape_cast %max3A_34 : vector<2000x128xf32> to vector<250x8x128xf32>
    %reduce_sum3A = arith.constant dense<0.000000e+00> : vector<8x128xf32>
    %reduce_sum3A_37 = vector.multi_reduction <add>, %reshape3A, %reduce_sum3A [0] : vector<250x8x128xf32> to vector<8x128xf32>
    %eq3A = arith.constant 0 : i32
    %eq3A_38 = arith.cmpi eq, %arg0, %eq3A : i32
    %convert_element_type3A = arith.extui %eq3A_38 : i1 to i32
    %cond3A = arith.constant 0 : i32
    %cond3A_39 = arith.cmpi ne, %convert_element_type3A, %cond3A : i32
    scf.if %cond3A_39 {
      %swap3A_44 = arith.constant 0 : index
      %swap3A_45 = arith.constant 0 : index
      %swap3A_46 = vector.load %arg6[%swap3A_44, %swap3A_45] : memref<8x128xf32, #tpu.memory_space<vmem>>, vector<8x128xf32>
      tpu.vector_store %arg6[%swap3A_44, %swap3A_45], %reduce_sum3A_37 {strides = array<i32>} : memref<8x128xf32, #tpu.memory_space<vmem>>, vector<8x128xf32>,
    } else {
    }
    %ne3A = arith.constant 0 : i32
    %ne3A_40 = arith.cmpi ne, %arg0, %ne3A : i32
    %convert_element_type3A_41 = arith.extui %ne3A_40 : i1 to i32
    %cond3A_42 = arith.constant 0 : i32
    %cond3A_43 = arith.cmpi ne, %convert_element_type3A_41, %cond3A_42 : i32
    scf.if %cond3A_43 {
      %get3A_44 = arith.constant 0 : index
      %get3A_45 = arith.constant 0 : index
      %get3A_46 = vector.load %arg6[%get3A_44, %get3A_45] : memref<8x128xf32, #tpu.memory_space<vmem>>, vector<8x128xf32>
      %add3A_47 = arith.addf %get3A_46, %reduce_sum3A_37 : vector<8x128xf32>
      %swap3A_48 = arith.constant 0 : index
      %swap3A_49 = arith.constant 0 : index
      %swap3A_50 = vector.load %arg6[%swap3A_48, %swap3A_49] : memref<8x128xf32, #tpu.memory_space<vmem>>, vector<8x128xf32>
      tpu.vector_store %arg6[%swap3A_48, %swap3A_49], %add3A_47 {strides = array<i32>} : memref<8x128xf32, #tpu.memory_space<vmem>>, vector<8x128xf32>,
    } else {
    }
    return
  }
  func.func @transform_0(%arg0: i32) -> (i32, i32, i32) {
    %c0_i32 = arith.constant 0 : i32
    %c0_i32_0 = arith.constant 0 : i32
    %c0_i32_1 = arith.constant 0 : i32
    return %c0_i32, %arg0, %c0_i32_0 : i32, i32, i32
  }
  func.func @transform_1(%arg0: i32) -> (i32, i32, i32) {
    %c0_i32 = arith.constant 0 : i32
    %c0_i32_0 = arith.constant 0 : i32
    %c0_i32_1 = arith.constant 0 : i32
    return %c0_i32, %arg0, %c0_i32_0 : i32, i32, i32
  }
  func.func @transform_2(%arg0: i32) -> (i32, i32) {
    %c0_i32 = arith.constant 0 : i32
    %c0_i32_0 = arith.constant 0 : i32
    %c0_i32_1 = arith.constant 0 : i32
    return %c0_i32, %c0_i32_0 : i32, i32
  }
  func.func @transform_3(%arg0: i32) -> (i32, i32) {
    %c0_i32 = arith.constant 0 : i32
    %c0_i32_0 = arith.constant 0 : i32
    %c0_i32_1 = arith.constant 0 : i32
    return %c0_i32, %c0_i32_0 : i32, i32
  }
  func.func @transform_4(%arg0: i32) -> (i32, i32) {
    %c0_i32 = arith.constant 0 : i32
    %c0_i32_0 = arith.constant 0 : i32
    return %arg0, %c0_i32 : i32, i32
  }
  func.func @transform_5(%arg0: i32) -> (i32, i32) {
    %c0_i32 = arith.constant 0 : i32
    %c0_i32_0 = arith.constant 0 : i32
    %c0_i32_1 = arith.constant 0 : i32
    return %c0_i32, %c0_i32_0 : i32, i32
  }
}

module attributes {stable_mosaic.version = 14 : i64} {
  func.func @body(%arg0: memref<1024x128xf32, #tpu.memory_space<vmem>>, %arg1: memref<128x128xf32, #tpu.memory_space<vmem>>, %arg2: memref<1x128xf32, #tpu.memory_space<vmem>>, %arg3: memref<256x1xf32, #tpu.memory_space<vmem>>, %arg4: memref<1x1xf32, #tpu.memory_space<vmem>>, %arg5: memref<8x128xf32, #tpu.memory_space<vmem>>, %arg6: memref<1024x1xf32, #tpu.memory_space<vmem>>) attributes {dimension_semantics = [], scalar_prefetch = 0 : i64, scratch_operands = 0 : i64, tpu.core_type = #tpu.core_type<tc>} {
    %get3A = arith.constant 0 : index
    %get3A_0 = arith.constant 0 : index
    %get3A_1 = vector.load %arg0[%get3A, %get3A_0] : memref<1024x128xf32, #tpu.memory_space<vmem>>, vector<1024x128xf32>
    %get3A_2 = arith.constant 0 : index
    %get3A_3 = arith.constant 0 : index
    %get3A_4 = vector.load %arg1[%get3A_2, %get3A_3] : memref<128x128xf32, #tpu.memory_space<vmem>>, vector<128x128xf32>
    %dot_general3A = arith.constant dense<0.000000e+00> : vector<1024x128xf32>
    %dot_general3A_5 = tpu.matmul %get3A_1, %get3A_4, %dot_general3A {dimension_numbers = #tpu.dot_dimension_numbers<[1], [0], [0], [1], [0, 0, 1, 1], [], []>, transpose_lhs_hint = false} : vector<1024x128xf32>, vector<128x128xf32>, vector<1024x128xf32> -> vector<1024x128xf32>
    %get3A_6 = arith.constant 0 : index
    %get3A_7 = arith.constant 0 : index
    %get3A_8 = vector.load %arg2[%get3A_6, %get3A_7] : memref<1x128xf32, #tpu.memory_space<vmem>>, vector<1x128xf32>
    %add3A = vector.broadcast %get3A_8 : vector<1x128xf32> to vector<1024x128xf32>
    %add3A_9 = arith.addf %dot_general3A_5, %add3A : vector<1024x128xf32>
    %get3A_10 = arith.constant 0 : index
    %get3A_11 = arith.constant 0 : index
    %get3A_12 = vector.load %arg5[%get3A_10, %get3A_11] : memref<8x128xf32, #tpu.memory_space<vmem>>, vector<8x128xf32>
    %reduce_sum3A = arith.constant dense<0.000000e+00> : vector<128xf32>
    %reduce_sum3A_13 = vector.multi_reduction <add>, %get3A_12, %reduce_sum3A [0] : vector<8x128xf32> to vector<128xf32>
    %broadcast_in_dim3A = vector.shape_cast %reduce_sum3A_13 : vector<128xf32> to vector<1x128xf32>
    %mul3A = arith.constant 9.99999974E-5 : f32
    %mul3A_14 = vector.broadcast %mul3A : f32 to vector<1x128xf32>
    %mul3A_15 = arith.mulf %broadcast_in_dim3A, %mul3A_14 : vector<1x128xf32>
    %get3A_16 = arith.constant 128 : index
    %get3A_17 = arith.constant 0 : index
    %get3A_18 = vector.load %arg3[%get3A_16, %get3A_17] : memref<256x1xf32, #tpu.memory_space<vmem>>, vector<128x1xf32>
    %dot_general3A_19 = arith.constant dense<0.000000e+00> : vector<1x1xf32>
    %dot_general3A_20 = tpu.matmul %mul3A_15, %get3A_18, %dot_general3A_19 {dimension_numbers = #tpu.dot_dimension_numbers<[1], [0], [0], [1], [0, 0, 1, 1], [], []>, transpose_lhs_hint = false} : vector<1x128xf32>, vector<128x1xf32>, vector<1x1xf32> -> vector<1x1xf32>
    %get3A_21 = arith.constant 0 : index
    %get3A_22 = arith.constant 0 : index
    %get3A_23 = vector.load %arg4[%get3A_21, %get3A_22] : memref<1x1xf32, #tpu.memory_space<vmem>>, vector<1x1xf32>
    %add3A_24 = arith.addf %dot_general3A_20, %get3A_23 : vector<1x1xf32>
    %get3A_25 = arith.constant 0 : index
    %get3A_26 = arith.constant 0 : index
    %get3A_27 = vector.load %arg3[%get3A_25, %get3A_26] : memref<256x1xf32, #tpu.memory_space<vmem>>, vector<128x1xf32>
    %dot_general3A_28 = arith.constant dense<0.000000e+00> : vector<1024x1xf32>
    %dot_general3A_29 = tpu.matmul %add3A_9, %get3A_27, %dot_general3A_28 {dimension_numbers = #tpu.dot_dimension_numbers<[1], [0], [0], [1], [0, 0, 1, 1], [], []>, transpose_lhs_hint = false} : vector<1024x128xf32>, vector<128x1xf32>, vector<1024x1xf32> -> vector<1024x1xf32>
    %add3A_30 = vector.broadcast %add3A_24 : vector<1x1xf32> to vector<1024x1xf32>
    %add3A_31 = arith.addf %dot_general3A_29, %add3A_30 : vector<1024x1xf32>
    %swap3A = arith.constant 0 : index
    %swap3A_32 = arith.constant 0 : index
    %swap3A_33 = vector.load %arg6[%swap3A, %swap3A_32] : memref<1024x1xf32, #tpu.memory_space<vmem>>, vector<1024x1xf32>
    tpu.vector_store %arg6[%swap3A, %swap3A_32], %add3A_31 {strides = array<i32>} : memref<1024x1xf32, #tpu.memory_space<vmem>>, vector<1024x1xf32>,
    return
  }
}

</mosaic_0001>

<sc_bundles>
// kernel: kernel.10.cloned.1.call-start
scs
__scs_entry_jumppad:
0x0: {  	(pc) =	sbr.rel $0x88, $3  }
0x1: {  	(tag) =	ssettag $0x0;
	lr =	simm.s32 $0x1  }
0x2: {  	[smem:$0x3F94] =	sst lr;
	_ =	strace $0xD0000000  }
0x3: {  	_ = 	snop  }
0x4: {  	_ = 	snop  }
0x5: {  	_ = 	snop  }
0x6: {  	_ = 	snop  }
0x7: {  	_ = 	snop  }
__scs_overlays_trampoline_lowered:
0x8: {  	[smem:$0x3FA3] =	sst s0  }
0x9: {  	[smem:$0x3FA4] =	sst s1  }
0xa: {  	[smem:$0x3FA5] =	sst s2  }
0xb: {  	[smem:$0x3FA6] =	sst s3  }
0xc: {  	[smem:$0x3FA7] =	sst s4  }
0xd: {  	[smem:$0x3FA8] =	sst s5  }
0xe: {  	[smem:$0x3FA9] =	sst s6  }
0xf: {  	[smem:$0x3FAA] =	sst s7  }
0x10: {  	[smem:$0x3FAB] =	sst s8  }
0x11: {  	[smem:$0x3FAC] =	sst s9;
	s0 =	simm.s32 @!p0 $0x0  }
0x12: {  	s1 =	sld [smem:$0x3F92];
	s0 =	simm.s32 @p0 $0x1  }
0x13: {  	[smem:$0x3FAD] =	sst s0;
	s0 =	simm.s32 @!p1 $0x0  }
0x14: {  	s2 =	sld [smem:$0x3F91];
	s0 =	simm.s32 @p1 $0x1  }
0x15: {  	[smem:$0x3FAE] =	sst s0;
	s0 =	simm.s32 @!p2 $0x0  }
0x16: {  	s3 =	sld [smem:$0x3FDB];
	s0 =	simm.s32 @p2 $0x1  }
0x17: {  	s4 =	simm.s32 $0x1BF5;
	[smem:$0x3FB0] =	sst s0  }
0x18: {  	s0 =	sld [smem:$0x3F93];
	_ =	swait.ge [sflag:s4], $0x0  }
0x19: {  	s7 =	sld [smem:$0x3F94]  }
0x1a: {  	s8 =	sadd.s32 $0xFFFFE003, lr  }
0x1b: {  	s9 =	sadd.s32 $0xFFFFFEF7, lr;
	s5 =	simm.s32 $0xFFFFFFFF;
	p2 =	slt.u32 s8, $0xFFFFF086  }
0x1c: {  	p1 =	slt.u32 s9, $0xF7A;
	s5 =	simm.s32 @!p2 $0x0  }
0x1d: {  	s5 =	simm.s32 @p1 $0x1;
	p0 =	seq.s32 s7, s2  }
0x1e: {  	s7 =	smul.u32 @!p0 $0xF7A, s2;
	p2 =	seq.s32 @!p0 s5, $0x0  }
0x1f: {  	s9 =	smul.u32 $0xF7A, s1;
	s8 =	simm.s32 @!p0 $0x1BF5;
	p2 =	por !p2, p0  }
0x20: {  	[sflag:s8] =	ssyncset.s32 @!p0 $0xFFFFF086;
	s6 =	sadd.s32 @!p0 s3, s7;
	s7 =	simm.s32 @!p0 $0x108  }
0x21: {  	s3 =	sadd.s32 s3, s9;
	s6 =	sadd.s32 @!p0 $0x88, s6;
	s7 =	simm.s32 @p2 $0x1082  }
0x22: {  	[simem:s7], [sflag:s8] =	dma.local @!p0 [hbm:s6], $0xF7A  }
0x23: {  	s9 =	sor.u32 $0xD0000000, s2;
	s6 =	simm.s32 $0x108;
	_ =	swait.ge @!p0 [sflag:s8], $0x0  }
0x24: {  	s3 =	sadd.s32 $0x88, s3;
	s6 =	simm.s32 @!p1 $0x1082;
	[sflag:s4] =	ssyncset.s32 $0xFFFFF086  }
0x25: {  	[simem:s6], [sflag:s4] =	dma.local [hbm:s3], $0xF7A  }
0x26: {  	[smem:$0x3F94] =	sst s1;
	(tag) =	ssettag s2;
	_ =	strace s9  }
0x27: {  	s1 =	sld [smem:$0x3FA4]  }
0x28: {  	s2 =	sld [smem:$0x3FA5]  }
0x29: {  	s4 =	sld [smem:$0x3FA7]  }
0x2a: {  	p0 =	seq.s32 s5, $0x0;
	s5 =	sld [smem:$0x3FA8]  }
0x2b: {  	s6 =	sld [smem:$0x3FA9]  }
0x2c: {  	s7 =	sld [smem:$0x3FAA]  }
0x2d: {  	s3 =	simm.s32 $0x108;
	s8 =	sld [smem:$0x3FAB]  }
0x2e: {  	s3 =	simm.s32 @!p0 $0x1082;
	s9 =	sld [smem:$0x3FAC]  }
0x2f: {  	lr =	sadd.s32 s0, s3;
	s0 =	sld [smem:$0x3FA3]  }
0x30: {  	s3 =	sld [smem:$0x3FA6]  }
0x31: {  	[smem:$0x3FAF] =	sst s10  }
0x32: {  	s10 =	sld [smem:$0x3FAD];
	_ =	sdelay $0x3  }
0x33: {  	p0 =	seq.s32 s10, $0x1;
	s10 =	sld [smem:$0x3FAF];
	_ =	sdelay $0x3  }
0x34: {  	[smem:$0x3FAF] =	sst s10  }
0x35: {  	s10 =	sld [smem:$0x3FAE];
	_ =	sdelay $0x3  }
0x36: {  	p1 =	seq.s32 s10, $0x1;
	s10 =	sld [smem:$0x3FAF];
	_ =	sdelay $0x3  }
0x37: {  	[smem:$0x3FAF] =	sst s10  }
0x38: {  	s10 =	sld [smem:$0x3FB0]  }
0x39: {  	_ = 	snop;
	(pc) =	sbr.ind lr, $3  }
0x3a: {  	_ = 	snop  }
0x3b: {  	_ = 	snop  }
0x3c: {  	p2 =	seq.s32 s10, $0x1;
	s10 =	sld [smem:$0x3FAF]  }
0x3d: {  	_ =	shalt  }
0x3e: {  	_ =	shalt  }
0x3f: {  	_ =	shalt  }
0x40: {  	_ =	shalt  }
0x41: {  	_ =	shalt  }
0x42: {  	_ =	shalt  }
0x43: {  	_ =	shalt  }
0x44: {  	_ =	shalt  }
0x45: {  	_ =	shalt  }
0x46: {  	_ =	shalt  }
0x47: {  	_ =	shalt  }
0x48: {  	_ =	shalt  }
0x49: {  	_ =	shalt  }
0x4a: {  	_ =	shalt  }
0x4b: {  	_ =	shalt  }
0x4c: {  	_ =	shalt  }
0x4d: {  	_ =	shalt  }
0x4e: {  	_ =	shalt  }
0x4f: {  	_ =	shalt  }
0x50: {  	_ =	shalt  }
0x51: {  	_ =	shalt  }
0x52: {  	_ =	shalt  }
0x53: {  	_ =	shalt  }
0x54: {  	_ =	shalt  }
0x55: {  	_ =	shalt  }
0x56: {  	_ =	shalt  }
0x57: {  	_ =	shalt  }
0x58: {  	_ =	shalt  }
0x59: {  	_ =	shalt  }
0x5a: {  	_ =	shalt  }
0x5b: {  	_ =	shalt  }
0x5c: {  	_ =	shalt  }
0x5d: {  	_ =	shalt  }
0x5e: {  	_ =	shalt  }
0x5f: {  	_ =	shalt  }
0x60: {  	_ =	shalt  }
0x61: {  	_ =	shalt  }
0x62: {  	_ =	shalt  }
0x63: {  	_ =	shalt  }
0x64: {  	_ =	shalt  }
0x65: {  	_ =	shalt  }
0x66: {  	_ =	shalt  }
0x67: {  	_ =	shalt  }
0x68: {  	_ =	shalt  }
0x69: {  	_ =	shalt  }
0x6a: {  	_ =	shalt  }
0x6b: {  	_ =	shalt  }
0x6c: {  	_ =	shalt  }
0x6d: {  	_ =	shalt  }
0x6e: {  	_ =	shalt  }
0x6f: {  	_ =	shalt  }
0x70: {  	_ =	shalt  }
0x71: {  	_ =	shalt  }
0x72: {  	_ =	shalt  }
0x73: {  	_ =	shalt  }
0x74: {  	_ =	shalt  }
0x75: {  	_ =	shalt  }
0x76: {  	_ =	shalt  }
0x77: {  	_ =	shalt  }
0x78: {  	_ =	shalt  }
0x79: {  	_ =	shalt  }
0x7a: {  	_ =	shalt  }
0x7b: {  	_ =	shalt  }
0x7c: {  	_ =	shalt  }
0x7d: {  	_ =	shalt  }
0x7e: {  	_ =	shalt  }
0x7f: {  	_ =	shalt  }
0x80: {  	_ =	shalt  }
0x81: {  	_ =	shalt  }
0x82: {  	_ =	shalt  }
0x83: {  	_ =	shalt  }
0x84: {  	_ =	shalt  }
0x85: {  	_ =	shalt  }
0x86: {  	_ =	shalt  }
0x87: {  	_ =	shalt  }
.Lfunc_end0:
.L_simem_size_0:
called_computation_lowered:
.L_overlay_start_0:
0x88: {  	s2 =	sld [smem:$0x3FD9]  }
0x89: {  	s3 =	sld [smem:$0x3FFE];
	_ =	sdelay $0x1  }
0x8a: {  	s1 =	srdreg.scid  }
0x8b: {  	s0 =	sand.u32 $0x1, s1  }
0x8c: {  	s16 =	sshll.u32 s0, $0xA;
	s2 =	sadd.s32 s3, s2  }
0x8d: {  	s2 =	sadd.s32 s2, s16  }
0x8e: {  	[smem:$0x3FBB] =	sst s2  }
0x8f: {  	_ = 	snop  }
0x90: {  	(tm) =	ssettm $0x1  }
0x91: {  	s17 =	sld [smem:$0x3FFB];
	_ =	sdelay $0x3  }
0x92: {  	_ =	strace s17  }
0x93: {  	s2 =	sld [smem:$0x3FFC];
	_ =	sdelay $0x3  }
0x94: {  	_ =	strace s2  }
0x95: {  	s2 =	sld [smem:$0x3FFD];
	_ =	sdelay $0x3  }
0x96: {  	_ =	strace s2  }
0x97: {  	_ =	strace $0x8FFFFFFF  }
0x98: {  	s18 =	sld [smem:$0x3FDB];
	_ =	sdelay $0x1  }
0x99: {  	s19 =	simm.s32 $_scs_section_size  }
0x9a: {  	s4 =	simm.s32 $_size__tile_overlayer_lowered;
	s5 =	simm.s32 $_tile_overlayer_lowered  }
0x9b: {  	s22 =	simm.s32 $0x1BFF;
	s21 =	sshll.u32 s5, $0x1;
	s2 =	sadd.s32 s19, s18  }
0x9c: {  	s6 =	simm.s32 $0x0;
	s20 =	sshll.u32 s4, $0x1;
	s4 =	sadd.s32 s21, s2  }
0x9d: {  	[timem:s6], [sflag:s22] =	dma.local [hbm:s4], s20  }
0x9e: {  	_ =	swait.ge [sflag:s22], s20  }
0x9f: {  	s3 =	ssub.s32 $0x0, s20;
	[sflag:s22] =	ssyncset.done $0x0  }
0xa0: {  	[sflag:s22] =	ssyncadd.s32 s3;
	_ =	sdelay $0x1  }
0xa1: {  	s23 =	simm.s32 $0x1B8B  }
0xa2: {  	_ =	swait.ge [sflag:s23], $0x1  }
0xa3: {  	[sflag:s23] =	ssyncset.done $0x0  }
0xa4: {  	s25 =	simm.s32 $0x1B8E;
	s24 =	sld [smem:$0x3FFE];
	[sflag:s23] =	ssyncadd.s32 $0xFFFFFFFF  }
0xa5: {  	s26 =	simm.s32 $execute0_lowered;
	[smem:$0x3FD2] =	sst s25  }
0xa6: {  	s4 =	sshll.u32 s26, $0x1;
	_ =	strace $0x80000046;
	[dreg:$0x1] =	wrdreg $0xFFFFFFFF  }
0xa7: {  	s28 =	simm.s32 $_size_execute0_lowered;
	s2 =	sadd.s32 s2, s4;
	[dreg:$0x0] =	wrdreg $0x0  }
0xa8: {  	s4 =	sshll.u32 s28, $0x1;
	[dreg:$0x2] =	wrdreg s2  }
0xa9: {  	[dreg:$0x3] =	wrdreg s4  }
0xaa: {  	[dreg:$0x4] =	wrdreg $0xC0  }
0xab: {  	_ =	task [dreg:s6], $0x5FFFF  }
0xac: {  	[dreg:$0x1] =	wrdreg $0xFFFFFFFF  }
0xad: {  	[dreg:$0x0] =	wrdreg $0x60  }
0xae: {  	[dreg:$0x2] =	wrdreg s24  }
0xaf: {  	[dreg:$0x3] =	wrdreg $0x40800  }
0xb0: {  	[dreg:$0x4] =	wrdreg $0x9  }
0xb1: {  	_ =	task.clear_ibuf [dreg:s6], $0x5FFFF;
	_ =	strace $0x90000046  }
0xb2: {  	s29 =	simm.s32 $0x9;
	_ =	strace $0x80000048  }
0xb3: {  	_ =	swait.ge [sflag:s29], $0x1  }
0xb4: {  	[sflag:s29] =	ssyncadd.s32 $0xFFFFFFFF  }
0xb5: {  	_ =	strace $0x90000048  }
0xb6: {  	_ =	sfence  }
0xb7: {  	s30 =	sld [smem:$0x0];
	_ =	sdelay $0x2  }
0xb8: {  	s31 =	sshll.u32 s1, $0xD;
	s1 =	sshrl.u32 s1, $0x2  }
0xb9: {  	s3 =	sand.u32 $0x4000, s31;
	s1 =	sadd.s32 s1, s30  }
0xba: {  	s0 =	sor.u32 s3, s0;
	s1 =	sshll.u32 s1, $0x11  }
0xbb: {  	s0 =	sor.u32 s1, s0  }
0xbc: {  	s0 =	sadd.s32 $0x8F2B, s0  }
0xbd: {  	[sflag:s0] =	ssyncadd.remote.s32 $0x1  }
0xbe: {  	_ =	sfence.sel $0xFFFF  }
0xbf: {  	[dreg:$0x0] =	wrdreg $0xFFFFFFFF;
	(pc) =	sbr.abs _section_cstart, $3  }
0xc0: {  	[dreg:$0x1] =	wrdreg $0xFFFFFFFF  }
0xc1: {  	_ =	task.clear_ibuf [dreg:s6], $0x2FFFF;
	_ =	strace $0x9FFFFFFF  }
0xc2: {  	(tm) =	ssettm $0x7FFFFFFF  }
0xc3: {  	_ =	shalt  }
tec
execute0_lowered:
.L_overlay_start_1:
0x0: {  	(tag) =	ssettag $0x1  }
0x1: {  	s7 =	rddreg [dreg:$0x0];
	s0 =	srdreg.scid  }
0x2: {  	s2 =	rddreg [dreg:$0x1];
	s1 =	stileid.u32  }
0x3: {  	s3 =	simm.s32 $0x0;
	s19 =	simm.s32 $0x1;
	s8 =	smul.u32 $0x280, s1  }
0x4: {  	s6 =	sand.u32 $0x1, s0;
	s0 =	rddreg [dreg:$0x2];
	s10 =	smul.u32 $0x50000, s1  }
0x5: {  	s20 =	simm.s32 $0x0;
	[smem:$0x7FF] =	sst s3;
	s4 =	smul.u32 $0x4F00, s6  }
0x6: {  	s5 =	sadd.s32 $0x16400, s7;
	s18 =	sshll.u32 s1, $0x4;
	s9 =	smul.u32 $0x2800, s6  }
0x7: {  	_ =	strace $0x80000047;
	s29 =	ssub.s32 $0x2, s6;
	s30 =	sshrl.u32 s10, $0x2  }
0x8: {  	s31 =	sshrl.u32 s29, $0x1;
	s15 =	sadd.s32 s4, s7;
	s4 =	sadd.s32 $0x16C00, s7  }
0x9: {  	s8 =	sadd.s32 s8, s9;
	s6 =	sadd.s32 s30, s2;
	s17 =	ssub.s32 s29, s31  }
0xa: {  	s8 =	sshll.u32 s8, $0x4;
	s9 =	sadd.s32 $0xC000, s6;
	s10 =	sadd.s32 $0x10000, s6  }
0xb: {  	s18 =	sadd.s32 s18, s15;
	s16 =	sadd.s32 s8, s7;
	s7 =	sadd.s32 $0x4000, s6  }
0xc: {  	s8 =	sadd.s32 $0x8000, s6;
	s11 =	sadd.s32 $0x17400, s16;
	s12 =	sadd.s32 $0x17C00, s16  }
0xd: {  	s13 =	sadd.s32 $0x18400, s16;
	s14 =	sadd.s32 $0x18C00, s16;
	s15 =	sadd.s32 $0x19400, s16  }
0xe: {  	s16 =	smax.u32 s17, $0x1;
	s17 =	sadd.s32 $0xC600, s18;
	s18 =	simm.s32 $0x80  }
.LBB2_1:
0xf: {  	[tilespmem:s18], [sflag:$0x1] =	stream.linear.gather [hbm4b:s4+s3], $0x4000, $0x38;
	[tilespmem:$0x18080] =	vst v63  }
0x10: {  	_ =	swait.ge [sflag:s19], $0x4000  }
0x11: {  	[sflag:s19] =	ssyncset.done $0x0  }
0x12: {  	[sflag:s19] =	ssyncadd.s32 $0xFFFFC000  }
0x13: {  	[spmem:s6] =	stream.linear.scatter [tilespmem:s18], [sflag:$0x1], $0x4000, $0x38;
	[tilespmem:$0x18080] =	vst v63  }
0x14: {  	_ =	swait.ge [sflag:s19], $0x4000  }
0x15: {  	[sflag:s19] =	ssyncset.done $0x0  }
0x16: {  	[sflag:s19] =	ssyncadd.s32 $0xFFFFC000  }
0x17: {  	[spmem:s7] =	stream.linear.scatter [tilespmem:s18], [sflag:$0x1], $0x4000, $0x38;
	[tilespmem:$0x18080] =	vst v63  }
0x18: {  	_ =	swait.ge [sflag:s19], $0x4000  }
0x19: {  	[sflag:s19] =	ssyncset.done $0x0  }
0x1a: {  	[sflag:s19] =	ssyncadd.s32 $0xFFFFC000  }
0x1b: {  	[spmem:s8] =	stream.linear.scatter [tilespmem:s18], [sflag:$0x1], $0x4000, $0x38;
	[tilespmem:$0x18080] =	vst v63  }
0x1c: {  	_ =	swait.ge [sflag:s19], $0x4000  }
0x1d: {  	[sflag:s19] =	ssyncset.done $0x0  }
0x1e: {  	[sflag:s19] =	ssyncadd.s32 $0xFFFFC000  }
0x1f: {  	[spmem:s9] =	stream.linear.scatter [tilespmem:s18], [sflag:$0x1], $0x4000, $0x38;
	[tilespmem:$0x18080] =	vst v63  }
0x20: {  	_ =	swait.ge [sflag:s19], $0x4000  }
0x21: {  	[sflag:s19] =	ssyncset.done $0x0  }
0x22: {  	[sflag:s19] =	ssyncadd.s32 $0xFFFFC000  }
0x23: {  	[spmem:s10] =	stream.linear.scatter [tilespmem:s18], [sflag:$0x1], $0x4000, $0x38;
	[tilespmem:$0x18080] =	vst v63  }
0x24: {  	_ =	swait.ge [sflag:s19], $0x4000  }
0x25: {  	[sflag:s19] =	ssyncset.done $0x0  }
0x26: {  	[sflag:s19] =	ssyncadd.s32 $0xFFFFC000  }
0x27: {  	[tilespmem:s18], [sflag:$0x1] =	stream.linear.gather [hbm4b:s5+s3], $0x4000, $0x38;
	[tilespmem:$0x18080] =	vst v63  }
0x28: {  	_ =	swait.ge [sflag:s19], $0x4000  }
0x29: {  	[sflag:s19] =	ssyncset.done $0x0  }
0x2a: {  	[sflag:s19] =	ssyncadd.s32 $0xFFFFC000  }
0x2b: {  	s21 =	sadd.s32 $0x0, s17;
	[bflag:$0x0] =	sbarrier.arrive $0xFFFF  }
0x2c: {  	[tilespmem:s3], [sflag:$0x1] =	stream.linear.gather [hbm4b:s21+s3], $0x80, $0x38;
	[tilespmem:$0x18080] =	vst v63  }
0x2d: {  	_ =	swait.ge [sflag:s19], $0x80  }
0x2e: {  	[sflag:s19] =	ssyncset.done $0x0  }
0x2f: {  	[sflag:s19] =	ssyncadd.s32 $0xFFFFFF80  }
0x30: {  	[spmem:s2] =	stream.indirect.scatter.add.f32 [tilespmem:s18], [sflag:$0x1], $0x80, s3, s18, $0xb8;
	[tilespmem:$0x18080] =	vst v63  }
0x31: {  	_ =	swait.ge [sflag:s19], $0x4000  }
0x32: {  	s22 =	simm.s32 $0x200;
	s21 =	simm.s32 $0x100;
	[sflag:s19] =	ssyncset.done $0x0  }
.LBB2_2:
0x33: {  	s23 =	sadd.s32 s21, s17  }
0x34: {  	[sflag:s19] =	ssyncadd.s32 $0xFFFFC000;
	s21 =	smov.u32 s22;
	s24 =	sadd.s32 $0x100, s22  }
0x35: {  	[tilespmem:s3], [sflag:$0x1] =	stream.linear.gather [hbm4b:s23+s3], $0x80, $0x38;
	[tilespmem:$0x18080] =	vst v63  }
0x36: {  	p0 =	sne.s32 s22, $0x4E00;
	_ =	swait.ge [sflag:s19], $0x80  }
.Ltmp0:
0x37: {  	[sflag:s19] =	ssyncset.done $0x0;
	(pc) =	sbr.rel @p0 .LBB2_2-.Ltmp0, $4  }
0x38: {  	[sflag:s19] =	ssyncadd.s32 $0xFFFFFF80  }
0x39: {  	[spmem:s2] =	stream.indirect.scatter.add.f32 [tilespmem:s18], [sflag:$0x1], $0x80, s3, s18, $0xb8;
	[tilespmem:$0x18080] =	vst v63  }
0x3a: {  	_ =	swait.ge [sflag:s19], $0x4000  }
0x3b: {  	s22 =	smov.u32 s24;
	[sflag:s19] =	ssyncset.done $0x0  }
0x3c: {  	s21 =	sadd.s32 s21, s17;
	[sflag:s19] =	ssyncadd.s32 $0xFFFFC000  }
0x3d: {  	[tilespmem:s3], [sflag:$0x1] =	stream.linear.gather [hbm4b:s21+s3], $0x80, $0x38;
	[tilespmem:$0x18080] =	vst v63  }
0x3e: {  	_ =	swait.ge [sflag:s19], $0x80  }
0x3f: {  	[sflag:s19] =	ssyncset.done $0x0  }
0x40: {  	[sflag:s19] =	ssyncadd.s32 $0xFFFFFF80  }
0x41: {  	[spmem:s2] =	stream.indirect.scatter.add.f32 [tilespmem:s18], [sflag:$0x1], $0x80, s3, s18, $0xb8;
	[tilespmem:$0x18080] =	vst v63  }
0x42: {  	_ =	swait.ge [sflag:s19], $0x4000  }
0x43: {  	[sflag:s19] =	ssyncset.done $0x0  }
0x44: {  	[sflag:s19] =	ssyncadd.s32 $0xFFFFC000  }
0x45: {  	[bflag:$0x0] =	sbarrier.arrive $0xFFFF  }
0x46: {  	[tilespmem:s18], [sflag:$0x1] =	stream.linear.gather [spmem:s6], $0x4000, $0x38;
	[tilespmem:$0x18080] =	vst v63  }
0x47: {  	_ =	swait.ge [sflag:s19], $0x4000  }
0x48: {  	[sflag:s19] =	ssyncset.done $0x0  }
0x49: {  	[sflag:s19] =	ssyncadd.s32 $0xFFFFC000  }
0x4a: {  	[hbm4b:s11+s3] =	stream.linear.scatter [tilespmem:s18], [sflag:$0x1], $0x4000, $0x38;
	[tilespmem:$0x18080] =	vst v63  }
0x4b: {  	_ =	swait.ge [sflag:s19], $0x4000  }
0x4c: {  	[sflag:s19] =	ssyncset.done $0x0  }
0x4d: {  	[sflag:s19] =	ssyncadd.s32 $0xFFFFC000  }
0x4e: {  	[tilespmem:s18], [sflag:$0x1] =	stream.linear.gather [spmem:s7], $0x4000, $0x38;
	[tilespmem:$0x18080] =	vst v63  }
0x4f: {  	_ =	swait.ge [sflag:s19], $0x4000  }
0x50: {  	[sflag:s19] =	ssyncset.done $0x0  }
0x51: {  	[sflag:s19] =	ssyncadd.s32 $0xFFFFC000  }
0x52: {  	[hbm4b:s12+s3] =	stream.linear.scatter [tilespmem:s18], [sflag:$0x1], $0x4000, $0x38;
	[tilespmem:$0x18080] =	vst v63  }
0x53: {  	_ =	swait.ge [sflag:s19], $0x4000  }
0x54: {  	[sflag:s19] =	ssyncset.done $0x0  }
0x55: {  	[sflag:s19] =	ssyncadd.s32 $0xFFFFC000  }
0x56: {  	[tilespmem:s18], [sflag:$0x1] =	stream.linear.gather [spmem:s8], $0x4000, $0x38;
	[tilespmem:$0x18080] =	vst v63  }
0x57: {  	_ =	swait.ge [sflag:s19], $0x4000  }
0x58: {  	[sflag:s19] =	ssyncset.done $0x0  }
0x59: {  	[sflag:s19] =	ssyncadd.s32 $0xFFFFC000  }
0x5a: {  	[hbm4b:s13+s3] =	stream.linear.scatter [tilespmem:s18], [sflag:$0x1], $0x4000, $0x38;
	[tilespmem:$0x18080] =	vst v63  }
0x5b: {  	_ =	swait.ge [sflag:s19], $0x4000  }
0x5c: {  	[sflag:s19] =	ssyncset.done $0x0  }
0x5d: {  	[sflag:s19] =	ssyncadd.s32 $0xFFFFC000  }
0x5e: {  	[tilespmem:s18], [sflag:$0x1] =	stream.linear.gather [spmem:s9], $0x4000, $0x38;
	[tilespmem:$0x18080] =	vst v63  }
0x5f: {  	_ =	swait.ge [sflag:s19], $0x4000  }
0x60: {  	[sflag:s19] =	ssyncset.done $0x0  }
0x61: {  	[sflag:s19] =	ssyncadd.s32 $0xFFFFC000  }
0x62: {  	[hbm4b:s14+s3] =	stream.linear.scatter [tilespmem:s18], [sflag:$0x1], $0x4000, $0x38;
	[tilespmem:$0x18080] =	vst v63  }
0x63: {  	_ =	swait.ge [sflag:s19], $0x4000  }
0x64: {  	[sflag:s19] =	ssyncset.done $0x0  }
0x65: {  	[sflag:s19] =	ssyncadd.s32 $0xFFFFC000  }
0x66: {  	[tilespmem:s18], [sflag:$0x1] =	stream.linear.gather [spmem:s10], $0x4000, $0x38;
	[tilespmem:$0x18080] =	vst v63  }
0x67: {  	s20 =	sadd.s32 $0x1, s20;
	_ =	swait.ge [sflag:s19], $0x4000  }
0x68: {  	p0 =	sne.s32 s20, s16;
	[sflag:s19] =	ssyncset.done $0x0  }
.Ltmp1:
0x69: {  	[sflag:s19] =	ssyncadd.s32 $0xFFFFC000;
	(pc) =	sbr.rel @p0 .LBB2_1-.Ltmp1, $4  }
0x6a: {  	[hbm4b:s15+s3] =	stream.linear.scatter [tilespmem:s18], [sflag:$0x1], $0x4000, $0x38;
	[tilespmem:$0x18080] =	vst v63  }
0x6b: {  	_ =	swait.ge [sflag:s19], $0x4000  }
0x6c: {  	[sflag:s19] =	ssyncset.done $0x0  }
0x6d: {  	[sflag:s19] =	ssyncadd.s32 $0xFFFFC000  }
0x6e: {  	_ =	sfence.sel $0x180000  }
0x6f: {  	[bflag:$0x0] =	sbarrier.arrive $0xFFFF  }
0x70: {  	p0 =	sne.s32 s1, $0x0;
	_ =	strace $0x90000047  }
0x71: {  	s0 =	sadd.s32 @!p0 $0x100000, s0;
	[bflag:$0x2] =	sbarrier.arrive $0xFFFF  }
0x72: {  	[sflag:s0] =	ssyncadd.tile.s32 @!p0 $0x1;
	_ =	shalt  }
.Lfunc_end2:
_tile_overlayer_lowered:
.L_overlay_start_2:
0x73: {  	(tag) =	ssettag $0x2  }
0x74: {  	s0 =	rddreg [dreg:$0x0];
	s2 =	stileid.u32  }
0x75: {  	s1 =	rddreg [dreg:$0x1];
	p0 =	sne.s32 s2, $0x0  }
0x76: {  	s3 =	rddreg [dreg:$0x2];
	[bflag:$0x3] =	sbarrier.arrive $0xFFFF;
	s2 =	simm.s32 @!p0 $0x1C01  }
0x77: {  	[timem:s3], [sflag:s2] =	dma.local @!p0 [hbm:s0], s1  }
0x78: {  	s0 =	simm.s32 @!p0 $0x1  }
0x79: {  	_ =	swait.ge @!p0 [sflag:s0], s1  }
0x7a: {  	s1 =	ssub.s32 @!p0 $0x0, s1;
	[sflag:s0] =	ssyncset.done @!p0 $0x0  }
0x7b: {  	[sflag:s0] =	ssyncadd.s32 @!p0 s1  }
0x7c: {  	[bflag:$0x3] =	sbarrier.arrive $0xFFFF  }
0x7d: {  	_ =	shalt  }

// kernel: kernel.13.cloned.1.call-start
scs
__scs_entry_jumppad:
0x0: {  	(pc) =	sbr.rel $0x88, $3  }
0x1: {  	(tag) =	ssettag $0x0;
	lr =	simm.s32 $0x1  }
0x2: {  	[smem:$0x3F94] =	sst lr;
	_ =	strace $0xD0000000  }
0x3: {  	_ = 	snop  }
0x4: {  	_ = 	snop  }
0x5: {  	_ = 	snop  }
0x6: {  	_ = 	snop  }
0x7: {  	_ = 	snop  }
__scs_overlays_trampoline_lowered:
0x8: {  	[smem:$0x3FA3] =	sst s0  }
0x9: {  	[smem:$0x3FA4] =	sst s1  }
0xa: {  	[smem:$0x3FA5] =	sst s2  }
0xb: {  	[smem:$0x3FA6] =	sst s3  }
0xc: {  	[smem:$0x3FA7] =	sst s4  }
0xd: {  	[smem:$0x3FA8] =	sst s5  }
0xe: {  	[smem:$0x3FA9] =	sst s6  }
0xf: {  	[smem:$0x3FAA] =	sst s7  }
0x10: {  	[smem:$0x3FAB] =	sst s8  }
0x11: {  	[smem:$0x3FAC] =	sst s9;
	s0 =	simm.s32 @!p0 $0x0  }
0x12: {  	s1 =	sld [smem:$0x3F92];
	s0 =	simm.s32 @p0 $0x1  }
0x13: {  	[smem:$0x3FAD] =	sst s0;
	s0 =	simm.s32 @!p1 $0x0  }
0x14: {  	s2 =	sld [smem:$0x3F91];
	s0 =	simm.s32 @p1 $0x1  }
0x15: {  	[smem:$0x3FAE] =	sst s0;
	s0 =	simm.s32 @!p2 $0x0  }
0x16: {  	s3 =	sld [smem:$0x3FDB];
	s0 =	simm.s32 @p2 $0x1  }
0x17: {  	s4 =	simm.s32 $0x1BF5;
	[smem:$0x3FB0] =	sst s0  }
0x18: {  	s0 =	sld [smem:$0x3F93];
	_ =	swait.ge [sflag:s4], $0x0  }
0x19: {  	s7 =	sld [smem:$0x3F94]  }
0x1a: {  	s8 =	sadd.s32 $0xFFFFE003, lr  }
0x1b: {  	s9 =	sadd.s32 $0xFFFFFEF7, lr;
	s5 =	simm.s32 $0xFFFFFFFF;
	p2 =	slt.u32 s8, $0xFFFFF086  }
0x1c: {  	p1 =	slt.u32 s9, $0xF7A;
	s5 =	simm.s32 @!p2 $0x0  }
0x1d: {  	s5 =	simm.s32 @p1 $0x1;
	p0 =	seq.s32 s7, s2  }
0x1e: {  	s7 =	smul.u32 @!p0 $0xF7A, s2;
	p2 =	seq.s32 @!p0 s5, $0x0  }
0x1f: {  	s9 =	smul.u32 $0xF7A, s1;
	s8 =	simm.s32 @!p0 $0x1BF5;
	p2 =	por !p2, p0  }
0x20: {  	[sflag:s8] =	ssyncset.s32 @!p0 $0xFFFFF086;
	s6 =	sadd.s32 @!p0 s3, s7;
	s7 =	simm.s32 @!p0 $0x108  }
0x21: {  	s3 =	sadd.s32 s3, s9;
	s6 =	sadd.s32 @!p0 $0x88, s6;
	s7 =	simm.s32 @p2 $0x1082  }
0x22: {  	[simem:s7], [sflag:s8] =	dma.local @!p0 [hbm:s6], $0xF7A  }
0x23: {  	s9 =	sor.u32 $0xD0000000, s2;
	s6 =	simm.s32 $0x108;
	_ =	swait.ge @!p0 [sflag:s8], $0x0  }
0x24: {  	s3 =	sadd.s32 $0x88, s3;
	s6 =	simm.s32 @!p1 $0x1082;
	[sflag:s4] =	ssyncset.s32 $0xFFFFF086  }
0x25: {  	[simem:s6], [sflag:s4] =	dma.local [hbm:s3], $0xF7A  }
0x26: {  	[smem:$0x3F94] =	sst s1;
	(tag) =	ssettag s2;
	_ =	strace s9  }
0x27: {  	s1 =	sld [smem:$0x3FA4]  }
0x28: {  	s2 =	sld [smem:$0x3FA5]  }
0x29: {  	s4 =	sld [smem:$0x3FA7]  }
0x2a: {  	p0 =	seq.s32 s5, $0x0;
	s5 =	sld [smem:$0x3FA8]  }
0x2b: {  	s6 =	sld [smem:$0x3FA9]  }
0x2c: {  	s7 =	sld [smem:$0x3FAA]  }
0x2d: {  	s3 =	simm.s32 $0x108;
	s8 =	sld [smem:$0x3FAB]  }
0x2e: {  	s3 =	simm.s32 @!p0 $0x1082;
	s9 =	sld [smem:$0x3FAC]  }
0x2f: {  	lr =	sadd.s32 s0, s3;
	s0 =	sld [smem:$0x3FA3]  }
0x30: {  	s3 =	sld [smem:$0x3FA6]  }
0x31: {  	[smem:$0x3FAF] =	sst s10  }
0x32: {  	s10 =	sld [smem:$0x3FAD];
	_ =	sdelay $0x3  }
0x33: {  	p0 =	seq.s32 s10, $0x1;
	s10 =	sld [smem:$0x3FAF];
	_ =	sdelay $0x3  }
0x34: {  	[smem:$0x3FAF] =	sst s10  }
0x35: {  	s10 =	sld [smem:$0x3FAE];
	_ =	sdelay $0x3  }
0x36: {  	p1 =	seq.s32 s10, $0x1;
	s10 =	sld [smem:$0x3FAF];
	_ =	sdelay $0x3  }
0x37: {  	[smem:$0x3FAF] =	sst s10  }
0x38: {  	s10 =	sld [smem:$0x3FB0]  }
0x39: {  	_ = 	snop;
	(pc) =	sbr.ind lr, $3  }
0x3a: {  	_ = 	snop  }
0x3b: {  	_ = 	snop  }
0x3c: {  	p2 =	seq.s32 s10, $0x1;
	s10 =	sld [smem:$0x3FAF]  }
0x3d: {  	_ =	shalt  }
0x3e: {  	_ =	shalt  }
0x3f: {  	_ =	shalt  }
0x40: {  	_ =	shalt  }
0x41: {  	_ =	shalt  }
0x42: {  	_ =	shalt  }
0x43: {  	_ =	shalt  }
0x44: {  	_ =	shalt  }
0x45: {  	_ =	shalt  }
0x46: {  	_ =	shalt  }
0x47: {  	_ =	shalt  }
0x48: {  	_ =	shalt  }
0x49: {  	_ =	shalt  }
0x4a: {  	_ =	shalt  }
0x4b: {  	_ =	shalt  }
0x4c: {  	_ =	shalt  }
0x4d: {  	_ =	shalt  }
0x4e: {  	_ =	shalt  }
0x4f: {  	_ =	shalt  }
0x50: {  	_ =	shalt  }
0x51: {  	_ =	shalt  }
0x52: {  	_ =	shalt  }
0x53: {  	_ =	shalt  }
0x54: {  	_ =	shalt  }
0x55: {  	_ =	shalt  }
0x56: {  	_ =	shalt  }
0x57: {  	_ =	shalt  }
0x58: {  	_ =	shalt  }
0x59: {  	_ =	shalt  }
0x5a: {  	_ =	shalt  }
0x5b: {  	_ =	shalt  }
0x5c: {  	_ =	shalt  }
0x5d: {  	_ =	shalt  }
0x5e: {  	_ =	shalt  }
0x5f: {  	_ =	shalt  }
0x60: {  	_ =	shalt  }
0x61: {  	_ =	shalt  }
0x62: {  	_ =	shalt  }
0x63: {  	_ =	shalt  }
0x64: {  	_ =	shalt  }
0x65: {  	_ =	shalt  }
0x66: {  	_ =	shalt  }
0x67: {  	_ =	shalt  }
0x68: {  	_ =	shalt  }
0x69: {  	_ =	shalt  }
0x6a: {  	_ =	shalt  }
0x6b: {  	_ =	shalt  }
0x6c: {  	_ =	shalt  }
0x6d: {  	_ =	shalt  }
0x6e: {  	_ =	shalt  }
0x6f: {  	_ =	shalt  }
0x70: {  	_ =	shalt  }
0x71: {  	_ =	shalt  }
0x72: {  	_ =	shalt  }
0x73: {  	_ =	shalt  }
0x74: {  	_ =	shalt  }
0x75: {  	_ =	shalt  }
0x76: {  	_ =	shalt  }
0x77: {  	_ =	shalt  }
0x78: {  	_ =	shalt  }
0x79: {  	_ =	shalt  }
0x7a: {  	_ =	shalt  }
0x7b: {  	_ =	shalt  }
0x7c: {  	_ =	shalt  }
0x7d: {  	_ =	shalt  }
0x7e: {  	_ =	shalt  }
0x7f: {  	_ =	shalt  }
0x80: {  	_ =	shalt  }
0x81: {  	_ =	shalt  }
0x82: {  	_ =	shalt  }
0x83: {  	_ =	shalt  }
0x84: {  	_ =	shalt  }
0x85: {  	_ =	shalt  }
0x86: {  	_ =	shalt  }
0x87: {  	_ =	shalt  }
.Lfunc_end0:
.L_simem_size_0:
called_computation.1_lowered:
.L_overlay_start_0:
0x88: {  	s2 =	sld [smem:$0x3FD9]  }
0x89: {  	s3 =	sld [smem:$0x3FFE];
	_ =	sdelay $0x1  }
0x8a: {  	s1 =	srdreg.scid  }
0x8b: {  	s0 =	sand.u32 $0x1, s1  }
0x8c: {  	s17 =	sshll.u32 s0, $0xA;
	s2 =	sadd.s32 s3, s2  }
0x8d: {  	s2 =	sadd.s32 s2, s17  }
0x8e: {  	[smem:$0x3FBB] =	sst s2  }
0x8f: {  	_ = 	snop  }
0x90: {  	s18 =	sld [smem:$0x3FC8];
	(tm) =	ssettm $0x1  }
0x91: {  	s19 =	sld [smem:$0x3FFB];
	_ =	sdelay $0x3  }
0x92: {  	_ =	strace s19  }
0x93: {  	s2 =	sld [smem:$0x3FFC];
	_ =	sdelay $0x3  }
0x94: {  	_ =	strace s2  }
0x95: {  	s2 =	sld [smem:$0x3FFD];
	_ =	sdelay $0x3  }
0x96: {  	_ =	strace s2  }
0x97: {  	_ =	strace $0x8FFFFFFF  }
0x98: {  	s20 =	sld [smem:$0x3FDB];
	_ =	sdelay $0x1  }
0x99: {  	s4 =	simm.s32 $_scs_section_size  }
0x9a: {  	s5 =	simm.s32 $_size__tile_overlayer_lowered;
	s6 =	simm.s32 $_tile_overlayer_lowered  }
0x9b: {  	s7 =	simm.s32 $0x1BFF;
	s21 =	sshll.u32 s6, $0x1;
	s4 =	sadd.s32 s4, s20  }
0x9c: {  	s22 =	simm.s32 $0x0;
	s5 =	sshll.u32 s5, $0x1;
	s6 =	sadd.s32 s21, s4  }
0x9d: {  	[timem:s22], [sflag:s7] =	dma.local [hbm:s6], s5  }
0x9e: {  	_ =	swait.ge [sflag:s7], s5  }
0x9f: {  	s5 =	ssub.s32 $0x0, s5;
	[sflag:s7] =	ssyncset.done $0x0  }
0xa0: {  	[sflag:s7] =	ssyncadd.s32 s5;
	_ =	sdelay $0x1  }
0xa1: {  	s23 =	simm.s32 $0x1B8B  }
0xa2: {  	_ =	swait.ge [sflag:s23], $0x1  }
0xa3: {  	[sflag:s23] =	ssyncset.done $0x0  }
0xa4: {  	[sflag:s23] =	ssyncadd.s32 $0xFFFFFFFF  }
0xa5: {  	s5 =	sld [smem:$0x0]  }
0xa6: {  	s6 =	sand.u32 $0xFFFFFFFE, s1  }
0xa7: {  	p0 =	sne.s32 s1, s6  }
0xa8: {  	s6 =	sshll.u32 @p0 s6, $0xE  }
0xa9: {  	s6 =	sadd.s32 @p0 $0x11B8D, s6;
	s7 =	sshll.u32 @p0 s5, $0x11  }
0xaa: {  	s6 =	sor.u32 @p0 s7, s6  }
0xab: {  	[sflag:s6] =	ssyncadd.remote.s32 @p0 $0x1;
	_ =	sdelay $0x1  }
0xac: {  	s6 =	simm.s32 @p0 $0x1B8D  }
0xad: {  	_ =	swait.eq @p0 [sflag:s6], $0x1  }
0xae: {  	[sflag:s6] =	ssyncadd.s32 @p0 $0xFFFFFFFF  }
0xaf: {  	s7 =	sshll.u32 @!p0 s1, $0xE  }
0xb0: {  	s7 =	sor.u32 @!p0 $0x4000, s7;
	s6 =	simm.s32 @!p0 $0x1B8D  }
0xb1: {  	s5 =	sshll.u32 @!p0 s5, $0x11;
	s7 =	sadd.s32 @!p0 $0x11B8D, s7;
	_ =	swait.eq @!p0 [sflag:s6], $0x1  }
0xb2: {  	s5 =	sor.u32 @!p0 s5, s7;
	[sflag:s6] =	ssyncadd.s32 @!p0 $0xFFFFFFFF  }
0xb3: {  	s25 =	simm.s32 $0x1B8E;
	s24 =	sld [smem:$0x3FFE];
	[sflag:s5] =	ssyncadd.remote.s32 @!p0 $0x1  }
0xb4: {  	s26 =	simm.s32 $execute0_lowered;
	[smem:$0x3FD2] =	sst s25  }
0xb5: {  	s6 =	sshll.u32 s26, $0x1;
	_ =	strace $0x80000049;
	[dreg:$0x1] =	wrdreg $0xFFFFFFFF  }
0xb6: {  	s28 =	simm.s32 $_size_execute0_lowered;
	s4 =	sadd.s32 s4, s6;
	[dreg:$0x0] =	wrdreg $0x0  }
0xb7: {  	s6 =	sshll.u32 s28, $0x1;
	[dreg:$0x2] =	wrdreg s4  }
0xb8: {  	[dreg:$0x3] =	wrdreg s6  }
0xb9: {  	[dreg:$0x4] =	wrdreg $0xC0  }
0xba: {  	_ =	task [dreg:s22], $0x5FFFF  }
0xbb: {  	[dreg:$0x1] =	wrdreg $0xFFFFFFFF  }
0xbc: {  	[dreg:$0x0] =	wrdreg $0x60  }
0xbd: {  	[dreg:$0x2] =	wrdreg s18  }
0xbe: {  	[dreg:$0x3] =	wrdreg s24  }
0xbf: {  	[dreg:$0x4] =	wrdreg $0x40800  }
0xc0: {  	[dreg:$0x5] =	wrdreg $0xA  }
0xc1: {  	_ =	task.clear_ibuf [dreg:s22], $0x6FFFF;
	_ =	strace $0x90000049  }
0xc2: {  	s29 =	simm.s32 $0xA;
	_ =	strace $0x8000004B  }
0xc3: {  	_ =	swait.ge [sflag:s29], $0x1  }
0xc4: {  	[sflag:s29] =	ssyncadd.s32 $0xFFFFFFFF  }
0xc5: {  	_ =	strace $0x9000004B  }
0xc6: {  	_ =	sfence  }
0xc7: {  	s30 =	sld [smem:$0x0];
	_ =	sdelay $0x2  }
0xc8: {  	s31 =	sshll.u32 s1, $0xD;
	s1 =	sshrl.u32 s1, $0x2  }
0xc9: {  	s4 =	sand.u32 $0x4000, s31;
	s1 =	sadd.s32 s1, s30  }
0xca: {  	s0 =	sor.u32 s4, s0;
	s1 =	sshll.u32 s1, $0x11  }
0xcb: {  	s0 =	sor.u32 s1, s0  }
0xcc: {  	s0 =	sadd.s32 $0x8F2B, s0  }
0xcd: {  	[sflag:s0] =	ssyncadd.remote.s32 $0x1  }
0xce: {  	_ =	sfence.sel $0xFFFF  }
0xcf: {  	[dreg:$0x0] =	wrdreg $0xFFFFFFFF;
	(pc) =	sbr.abs _section_cstart, $3  }
0xd0: {  	[dreg:$0x1] =	wrdreg $0xFFFFFFFF  }
0xd1: {  	_ =	task.clear_ibuf [dreg:s22], $0x2FFFF;
	_ =	strace $0x9FFFFFFF  }
0xd2: {  	(tm) =	ssettm $0x7FFFFFFF  }
0xd3: {  	_ =	shalt  }
tec
execute0_lowered:
.L_overlay_start_1:
0x0: {  	(tag) =	ssettag $0x1  }
0x1: {  	s0 =	rddreg [dreg:$0x0]  }
0x2: {  	s7 =	rddreg [dreg:$0x1]  }
0x3: {  	s1 =	srdreg.scid;
	s3 =	rddreg [dreg:$0x2]  }
0x4: {  	s2 =	rddreg [dreg:$0x3];
	s4 =	simm.s32 $0x0;
	s6 =	sand.u32 $0x1, s1  }
0x5: {  	s19 =	simm.s32 $0x80;
	s1 =	stileid.u32;
	s5 =	smul.u32 $0x4F00, s6  }
0x6: {  	s20 =	simm.s32 $0x2;
	s21 =	simm.s32 $0x18080;
	s8 =	smul.u32 $0x280, s1  }
0x7: {  	s22 =	simm.s32 $0x1;
	s23 =	simm.s32 $0x0;
	s9 =	smul.u32 $0x2800, s6  }
0x8: {  	[smem:$0x7FF] =	sst s4;
	s10 =	smul.u32 $0x50000, s1;
	s29 =	ssub.s32 $0x2, s6  }
0x9: {  	_ =	strace $0x8000004A;
	s18 =	sshll.u32 s1, $0x4;
	s31 =	sshrl.u32 s29, $0x1  }
0xa: {  	s15 =	sadd.s32 s5, s7;
	s5 =	sadd.s32 $0x16C00, s7;
	s8 =	sadd.s32 s8, s9  }
0xb: {  	s30 =	sshrl.u32 s10, $0x2;
	s17 =	ssub.s32 s29, s31;
	s8 =	sshll.u32 s8, $0x4  }
0xc: {  	s6 =	sadd.s32 s30, s3;
	s18 =	sadd.s32 s18, s15;
	s16 =	sadd.s32 s8, s7  }
0xd: {  	s7 =	sadd.s32 $0x4000, s6;
	s8 =	sadd.s32 $0x8000, s6;
	s9 =	sadd.s32 $0xC000, s6  }
0xe: {  	s10 =	sadd.s32 $0x10000, s6;
	s11 =	sadd.s32 $0x67400, s16;
	s12 =	sadd.s32 $0x67C00, s16  }
0xf: {  	s13 =	sadd.s32 $0x68400, s16;
	s14 =	sadd.s32 $0x68C00, s16;
	s15 =	sadd.s32 $0x69400, s16  }
0x10: {  	s16 =	smax.u32 s17, $0x1;
	s17 =	sadd.s32 $0xC600, s18;
	s18 =	sadd.s32 $0x2800, s18  }
.LBB2_1:
0x11: {  	[tilespmem:s19], [sflag:$0x2] =	stream.linear.gather [hbm4b:s5+s4], $0x4000, $0x38;
	[tilespmem:$0x18100] =	vst v63  }
0x12: {  	_ =	swait.ge [sflag:s20], $0x4000  }
0x13: {  	[sflag:s20] =	ssyncset.done $0x0  }
0x14: {  	[sflag:s20] =	ssyncadd.s32 $0xFFFFC000  }
0x15: {  	[spmem:s6] =	stream.linear.scatter [tilespmem:s19], [sflag:$0x2], $0x4000, $0x38;
	[tilespmem:$0x18100] =	vst v63  }
0x16: {  	_ =	swait.ge [sflag:s20], $0x4000  }
0x17: {  	[sflag:s20] =	ssyncset.done $0x0  }
0x18: {  	[sflag:s20] =	ssyncadd.s32 $0xFFFFC000  }
0x19: {  	[spmem:s7] =	stream.linear.scatter [tilespmem:s19], [sflag:$0x2], $0x4000, $0x38;
	[tilespmem:$0x18100] =	vst v63  }
0x1a: {  	_ =	swait.ge [sflag:s20], $0x4000  }
0x1b: {  	[sflag:s20] =	ssyncset.done $0x0  }
0x1c: {  	[sflag:s20] =	ssyncadd.s32 $0xFFFFC000  }
0x1d: {  	[spmem:s8] =	stream.linear.scatter [tilespmem:s19], [sflag:$0x2], $0x4000, $0x38;
	[tilespmem:$0x18100] =	vst v63  }
0x1e: {  	_ =	swait.ge [sflag:s20], $0x4000  }
0x1f: {  	[sflag:s20] =	ssyncset.done $0x0  }
0x20: {  	[sflag:s20] =	ssyncadd.s32 $0xFFFFC000  }
0x21: {  	[spmem:s9] =	stream.linear.scatter [tilespmem:s19], [sflag:$0x2], $0x4000, $0x38;
	[tilespmem:$0x18100] =	vst v63  }
0x22: {  	_ =	swait.ge [sflag:s20], $0x4000  }
0x23: {  	[sflag:s20] =	ssyncset.done $0x0  }
0x24: {  	[sflag:s20] =	ssyncadd.s32 $0xFFFFC000  }
0x25: {  	[spmem:s10] =	stream.linear.scatter [tilespmem:s19], [sflag:$0x2], $0x4000, $0x38;
	[tilespmem:$0x18100] =	vst v63  }
0x26: {  	_ =	swait.ge [sflag:s20], $0x4000  }
0x27: {  	[sflag:s20] =	ssyncset.done $0x0  }
0x28: {  	[sflag:s20] =	ssyncadd.s32 $0xFFFFC000  }
0x29: {  	s24 =	sadd.s32 $0x0, s17;
	[bflag:$0x0] =	sbarrier.arrive $0xFFFF  }
0x2a: {  	[tilespmem:s4], [sflag:$0x2] =	stream.linear.gather [hbm4b:s24+s4], $0x80, $0x38;
	[tilespmem:$0x18100] =	vst v63  }
0x2b: {  	_ =	swait.ge [sflag:s20], $0x80  }
0x2c: {  	[sflag:s20] =	ssyncset.done $0x0  }
0x2d: {  	s31 =	sadd.s32 $0x0, s18;
	[sflag:s20] =	ssyncadd.s32 $0xFFFFFF80  }
0x2e: {  	[tilespmem:s21], [sflag:$0x2] =	stream.linear.gather [hbm4b:s31+s4], $0x80, $0x38;
	[tilespmem:$0x18100] =	vst v63  }
0x2f: {  	_ =	swait.ge [sflag:s20], $0x80  }
0x30: {  	[sflag:s20] =	ssyncset.done $0x0  }
0x31: {  	[sflag:s20] =	ssyncadd.s32 $0xFFFFFF80  }
0x32: {  	[tilespmem:s19], [sflag:$0x1] =	stream.indirect.gather [hbm4b:s0+s19], $0x80, s21, s19, $0xb8;
	[tilespmem:$0x18100] =	vst v63  }
0x33: {  	_ =	swait.ge [sflag:s22], $0x4000  }
0x34: {  	[sflag:s22] =	ssyncset.done $0x0  }
0x35: {  	[sflag:s22] =	ssyncadd.s32 $0xFFFFC000  }
0x36: {  	[spmem:s3] =	stream.indirect.scatter.add.f32 [tilespmem:s19], [sflag:$0x2], $0x80, s4, s19, $0xb8;
	[tilespmem:$0x18100] =	vst v63  }
0x37: {  	_ =	swait.ge [sflag:s20], $0x4000  }
0x38: {  	s25 =	simm.s32 $0x200;
	s24 =	simm.s32 $0x100;
	[sflag:s20] =	ssyncset.done $0x0  }
.LBB2_2:
0x39: {  	s26 =	sadd.s32 s24, s17  }
0x3a: {  	[sflag:s20] =	ssyncadd.s32 $0xFFFFC000;
	s28 =	smov.u32 s25;
	s29 =	sadd.s32 $0x100, s25  }
0x3b: {  	[tilespmem:s4], [sflag:$0x2] =	stream.linear.gather [hbm4b:s26+s4], $0x80, $0x38;
	[tilespmem:$0x18100] =	vst v63  }
0x3c: {  	p0 =	sne.s32 s25, $0x4E00;
	_ =	swait.ge [sflag:s20], $0x80  }
0x3d: {  	[sflag:s20] =	ssyncset.done $0x0  }
0x3e: {  	s25 =	sadd.s32 s24, s18;
	s24 =	smov.u32 s28;
	[sflag:s20] =	ssyncadd.s32 $0xFFFFFF80  }
0x3f: {  	[tilespmem:s21], [sflag:$0x2] =	stream.linear.gather [hbm4b:s25+s4], $0x80, $0x38;
	[tilespmem:$0x18100] =	vst v63  }
0x40: {  	_ =	swait.ge [sflag:s20], $0x80  }
0x41: {  	[sflag:s20] =	ssyncset.done $0x0  }
0x42: {  	[sflag:s20] =	ssyncadd.s32 $0xFFFFFF80  }
0x43: {  	[tilespmem:s19], [sflag:$0x1] =	stream.indirect.gather [hbm4b:s0+s19], $0x80, s21, s19, $0xb8;
	[tilespmem:$0x18100] =	vst v63  }
0x44: {  	_ =	swait.ge [sflag:s22], $0x4000  }
.Ltmp0:
0x45: {  	[sflag:s22] =	ssyncset.done $0x0;
	(pc) =	sbr.rel @p0 .LBB2_2-.Ltmp0, $4  }
0x46: {  	[sflag:s22] =	ssyncadd.s32 $0xFFFFC000  }
0x47: {  	[spmem:s3] =	stream.indirect.scatter.add.f32 [tilespmem:s19], [sflag:$0x2], $0x80, s4, s19, $0xb8;
	[tilespmem:$0x18100] =	vst v63  }
0x48: {  	_ =	swait.ge [sflag:s20], $0x4000  }
0x49: {  	s25 =	smov.u32 s29;
	[sflag:s20] =	ssyncset.done $0x0  }
0x4a: {  	s25 =	sadd.s32 s24, s17;
	[sflag:s20] =	ssyncadd.s32 $0xFFFFC000  }
0x4b: {  	[tilespmem:s4], [sflag:$0x2] =	stream.linear.gather [hbm4b:s25+s4], $0x80, $0x38;
	[tilespmem:$0x18100] =	vst v63  }
0x4c: {  	_ =	swait.ge [sflag:s20], $0x80  }
0x4d: {  	[sflag:s20] =	ssyncset.done $0x0  }
0x4e: {  	s31 =	sadd.s32 s24, s18;
	[sflag:s20] =	ssyncadd.s32 $0xFFFFFF80  }
0x4f: {  	[tilespmem:s21], [sflag:$0x2] =	stream.linear.gather [hbm4b:s31+s4], $0x80, $0x38;
	[tilespmem:$0x18100] =	vst v63  }
0x50: {  	_ =	swait.ge [sflag:s20], $0x80  }
0x51: {  	[sflag:s20] =	ssyncset.done $0x0  }
0x52: {  	[sflag:s20] =	ssyncadd.s32 $0xFFFFFF80  }
0x53: {  	[tilespmem:s19], [sflag:$0x1] =	stream.indirect.gather [hbm4b:s0+s19], $0x80, s21, s19, $0xb8;
	[tilespmem:$0x18100] =	vst v63  }
0x54: {  	_ =	swait.ge [sflag:s22], $0x4000  }
0x55: {  	[sflag:s22] =	ssyncset.done $0x0  }
0x56: {  	[sflag:s22] =	ssyncadd.s32 $0xFFFFC000  }
0x57: {  	[spmem:s3] =	stream.indirect.scatter.add.f32 [tilespmem:s19], [sflag:$0x2], $0x80, s4, s19, $0xb8;
	[tilespmem:$0x18100] =	vst v63  }
0x58: {  	_ =	swait.ge [sflag:s20], $0x4000  }
0x59: {  	[sflag:s20] =	ssyncset.done $0x0  }
0x5a: {  	[sflag:s20] =	ssyncadd.s32 $0xFFFFC000  }
0x5b: {  	[bflag:$0x0] =	sbarrier.arrive $0xFFFF  }
0x5c: {  	[tilespmem:s19], [sflag:$0x2] =	stream.linear.gather [spmem:s6], $0x4000, $0x38;
	[tilespmem:$0x18100] =	vst v63  }
0x5d: {  	_ =	swait.ge [sflag:s20], $0x4000  }
0x5e: {  	[sflag:s20] =	ssyncset.done $0x0  }
0x5f: {  	[sflag:s20] =	ssyncadd.s32 $0xFFFFC000  }
0x60: {  	[hbm4b:s11+s4] =	stream.linear.scatter [tilespmem:s19], [sflag:$0x2], $0x4000, $0x38;
	[tilespmem:$0x18100] =	vst v63  }
0x61: {  	_ =	swait.ge [sflag:s20], $0x4000  }
0x62: {  	[sflag:s20] =	ssyncset.done $0x0  }
0x63: {  	[sflag:s20] =	ssyncadd.s32 $0xFFFFC000  }
0x64: {  	[tilespmem:s19], [sflag:$0x2] =	stream.linear.gather [spmem:s7], $0x4000, $0x38;
	[tilespmem:$0x18100] =	vst v63  }
0x65: {  	_ =	swait.ge [sflag:s20], $0x4000  }
0x66: {  	[sflag:s20] =	ssyncset.done $0x0  }
0x67: {  	[sflag:s20] =	ssyncadd.s32 $0xFFFFC000  }
0x68: {  	[hbm4b:s12+s4] =	stream.linear.scatter [tilespmem:s19], [sflag:$0x2], $0x4000, $0x38;
	[tilespmem:$0x18100] =	vst v63  }
0x69: {  	_ =	swait.ge [sflag:s20], $0x4000  }
0x6a: {  	[sflag:s20] =	ssyncset.done $0x0  }
0x6b: {  	[sflag:s20] =	ssyncadd.s32 $0xFFFFC000  }
0x6c: {  	[tilespmem:s19], [sflag:$0x2] =	stream.linear.gather [spmem:s8], $0x4000, $0x38;
	[tilespmem:$0x18100] =	vst v63  }
0x6d: {  	_ =	swait.ge [sflag:s20], $0x4000  }
0x6e: {  	[sflag:s20] =	ssyncset.done $0x0  }
0x6f: {  	[sflag:s20] =	ssyncadd.s32 $0xFFFFC000  }
0x70: {  	[hbm4b:s13+s4] =	stream.linear.scatter [tilespmem:s19], [sflag:$0x2], $0x4000, $0x38;
	[tilespmem:$0x18100] =	vst v63  }
0x71: {  	_ =	swait.ge [sflag:s20], $0x4000  }
0x72: {  	[sflag:s20] =	ssyncset.done $0x0  }
0x73: {  	[sflag:s20] =	ssyncadd.s32 $0xFFFFC000  }
0x74: {  	[tilespmem:s19], [sflag:$0x2] =	stream.linear.gather [spmem:s9], $0x4000, $0x38;
	[tilespmem:$0x18100] =	vst v63  }
0x75: {  	_ =	swait.ge [sflag:s20], $0x4000  }
0x76: {  	[sflag:s20] =	ssyncset.done $0x0  }
0x77: {  	[sflag:s20] =	ssyncadd.s32 $0xFFFFC000  }
0x78: {  	[hbm4b:s14+s4] =	stream.linear.scatter [tilespmem:s19], [sflag:$0x2], $0x4000, $0x38;
	[tilespmem:$0x18100] =	vst v63  }
0x79: {  	_ =	swait.ge [sflag:s20], $0x4000  }
0x7a: {  	[sflag:s20] =	ssyncset.done $0x0  }
0x7b: {  	[sflag:s20] =	ssyncadd.s32 $0xFFFFC000  }
0x7c: {  	[tilespmem:s19], [sflag:$0x2] =	stream.linear.gather [spmem:s10], $0x4000, $0x38;
	[tilespmem:$0x18100] =	vst v63  }
0x7d: {  	s23 =	sadd.s32 $0x1, s23;
	_ =	swait.ge [sflag:s20], $0x4000  }
0x7e: {  	p0 =	sne.s32 s23, s16;
	[sflag:s20] =	ssyncset.done $0x0  }
.Ltmp1:
0x7f: {  	[sflag:s20] =	ssyncadd.s32 $0xFFFFC000;
	(pc) =	sbr.rel @p0 .LBB2_1-.Ltmp1, $4  }
0x80: {  	[hbm4b:s15+s4] =	stream.linear.scatter [tilespmem:s19], [sflag:$0x2], $0x4000, $0x38;
	[tilespmem:$0x18100] =	vst v63  }
0x81: {  	_ =	swait.ge [sflag:s20], $0x4000  }
0x82: {  	[sflag:s20] =	ssyncset.done $0x0  }
0x83: {  	[sflag:s20] =	ssyncadd.s32 $0xFFFFC000  }
0x84: {  	_ =	sfence.sel $0x180000  }
0x85: {  	[bflag:$0x0] =	sbarrier.arrive $0xFFFF  }
0x86: {  	p0 =	sne.s32 s1, $0x0;
	_ =	strace $0x9000004A  }
0x87: {  	s0 =	sadd.s32 @!p0 $0x100000, s2;
	[bflag:$0x2] =	sbarrier.arrive $0xFFFF  }
0x88: {  	[sflag:s0] =	ssyncadd.tile.s32 @!p0 $0x1;
	_ =	shalt  }
.Lfunc_end2:
_tile_overlayer_lowered:
.L_overlay_start_2:
0x89: {  	(tag) =	ssettag $0x2  }
0x8a: {  	s0 =	rddreg [dreg:$0x0];
	s2 =	stileid.u32  }
0x8b: {  	s1 =	rddreg [dreg:$0x1];
	p0 =	sne.s32 s2, $0x0  }
0x8c: {  	s3 =	rddreg [dreg:$0x2];
	[bflag:$0x3] =	sbarrier.arrive $0xFFFF;
	s2 =	simm.s32 @!p0 $0x1C02  }
0x8d: {  	[timem:s3], [sflag:s2] =	dma.local @!p0 [hbm:s0], s1  }
0x8e: {  	s0 =	simm.s32 @!p0 $0x2  }
0x8f: {  	_ =	swait.ge @!p0 [sflag:s0], s1  }
0x90: {  	s1 =	ssub.s32 @!p0 $0x0, s1;
	[sflag:s0] =	ssyncset.done @!p0 $0x0  }
0x91: {  	[sflag:s0] =	ssyncadd.s32 @!p0 s1  }
0x92: {  	[bflag:$0x3] =	sbarrier.arrive $0xFFFF  }
0x93: {  	_ =	shalt  }

// kernel: kernel.16.cloned.1.call-start
scs
__scs_entry_jumppad:
0x0: {  	(pc) =	sbr.rel $0x88, $3  }
0x1: {  	(tag) =	ssettag $0x0;
	lr =	simm.s32 $0x1  }
0x2: {  	[smem:$0x3F94] =	sst lr;
	_ =	strace $0xD0000000  }
0x3: {  	_ = 	snop  }
0x4: {  	_ = 	snop  }
0x5: {  	_ = 	snop  }
0x6: {  	_ = 	snop  }
0x7: {  	_ = 	snop  }
__scs_overlays_trampoline_lowered:
0x8: {  	[smem:$0x3FA3] =	sst s0  }
0x9: {  	[smem:$0x3FA4] =	sst s1  }
0xa: {  	[smem:$0x3FA5] =	sst s2  }
0xb: {  	[smem:$0x3FA6] =	sst s3  }
0xc: {  	[smem:$0x3FA7] =	sst s4  }
0xd: {  	[smem:$0x3FA8] =	sst s5  }
0xe: {  	[smem:$0x3FA9] =	sst s6  }
0xf: {  	[smem:$0x3FAA] =	sst s7  }
0x10: {  	[smem:$0x3FAB] =	sst s8  }
0x11: {  	[smem:$0x3FAC] =	sst s9;
	s0 =	simm.s32 @!p0 $0x0  }
0x12: {  	s1 =	sld [smem:$0x3F92];
	s0 =	simm.s32 @p0 $0x1  }
0x13: {  	[smem:$0x3FAD] =	sst s0;
	s0 =	simm.s32 @!p1 $0x0  }
0x14: {  	s2 =	sld [smem:$0x3F91];
	s0 =	simm.s32 @p1 $0x1  }
0x15: {  	[smem:$0x3FAE] =	sst s0;
	s0 =	simm.s32 @!p2 $0x0  }
0x16: {  	s3 =	sld [smem:$0x3FDB];
	s0 =	simm.s32 @p2 $0x1  }
0x17: {  	s4 =	simm.s32 $0x1BF5;
	[smem:$0x3FB0] =	sst s0  }
0x18: {  	s0 =	sld [smem:$0x3F93];
	_ =	swait.ge [sflag:s4], $0x0  }
0x19: {  	s7 =	sld [smem:$0x3F94]  }
0x1a: {  	s8 =	sadd.s32 $0xFFFFE003, lr  }
0x1b: {  	s9 =	sadd.s32 $0xFFFFFEF7, lr;
	s5 =	simm.s32 $0xFFFFFFFF;
	p2 =	slt.u32 s8, $0xFFFFF086  }
0x1c: {  	p1 =	slt.u32 s9, $0xF7A;
	s5 =	simm.s32 @!p2 $0x0  }
0x1d: {  	s5 =	simm.s32 @p1 $0x1;
	p0 =	seq.s32 s7, s2  }
0x1e: {  	s7 =	smul.u32 @!p0 $0xF7A, s2;
	p2 =	seq.s32 @!p0 s5, $0x0  }
0x1f: {  	s9 =	smul.u32 $0xF7A, s1;
	s8 =	simm.s32 @!p0 $0x1BF5;
	p2 =	por !p2, p0  }
0x20: {  	[sflag:s8] =	ssyncset.s32 @!p0 $0xFFFFF086;
	s6 =	sadd.s32 @!p0 s3, s7;
	s7 =	simm.s32 @!p0 $0x108  }
0x21: {  	s3 =	sadd.s32 s3, s9;
	s6 =	sadd.s32 @!p0 $0x88, s6;
	s7 =	simm.s32 @p2 $0x1082  }
0x22: {  	[simem:s7], [sflag:s8] =	dma.local @!p0 [hbm:s6], $0xF7A  }
0x23: {  	s9 =	sor.u32 $0xD0000000, s2;
	s6 =	simm.s32 $0x108;
	_ =	swait.ge @!p0 [sflag:s8], $0x0  }
0x24: {  	s3 =	sadd.s32 $0x88, s3;
	s6 =	simm.s32 @!p1 $0x1082;
	[sflag:s4] =	ssyncset.s32 $0xFFFFF086  }
0x25: {  	[simem:s6], [sflag:s4] =	dma.local [hbm:s3], $0xF7A  }
0x26: {  	[smem:$0x3F94] =	sst s1;
	(tag) =	ssettag s2;
	_ =	strace s9  }
0x27: {  	s1 =	sld [smem:$0x3FA4]  }
0x28: {  	s2 =	sld [smem:$0x3FA5]  }
0x29: {  	s4 =	sld [smem:$0x3FA7]  }
0x2a: {  	p0 =	seq.s32 s5, $0x0;
	s5 =	sld [smem:$0x3FA8]  }
0x2b: {  	s6 =	sld [smem:$0x3FA9]  }
0x2c: {  	s7 =	sld [smem:$0x3FAA]  }
0x2d: {  	s3 =	simm.s32 $0x108;
	s8 =	sld [smem:$0x3FAB]  }
0x2e: {  	s3 =	simm.s32 @!p0 $0x1082;
	s9 =	sld [smem:$0x3FAC]  }
0x2f: {  	lr =	sadd.s32 s0, s3;
	s0 =	sld [smem:$0x3FA3]  }
0x30: {  	s3 =	sld [smem:$0x3FA6]  }
0x31: {  	[smem:$0x3FAF] =	sst s10  }
0x32: {  	s10 =	sld [smem:$0x3FAD];
	_ =	sdelay $0x3  }
0x33: {  	p0 =	seq.s32 s10, $0x1;
	s10 =	sld [smem:$0x3FAF];
	_ =	sdelay $0x3  }
0x34: {  	[smem:$0x3FAF] =	sst s10  }
0x35: {  	s10 =	sld [smem:$0x3FAE];
	_ =	sdelay $0x3  }
0x36: {  	p1 =	seq.s32 s10, $0x1;
	s10 =	sld [smem:$0x3FAF];
	_ =	sdelay $0x3  }
0x37: {  	[smem:$0x3FAF] =	sst s10  }
0x38: {  	s10 =	sld [smem:$0x3FB0]  }
0x39: {  	_ = 	snop;
	(pc) =	sbr.ind lr, $3  }
0x3a: {  	_ = 	snop  }
0x3b: {  	_ = 	snop  }
0x3c: {  	p2 =	seq.s32 s10, $0x1;
	s10 =	sld [smem:$0x3FAF]  }
0x3d: {  	_ =	shalt  }
0x3e: {  	_ =	shalt  }
0x3f: {  	_ =	shalt  }
0x40: {  	_ =	shalt  }
0x41: {  	_ =	shalt  }
0x42: {  	_ =	shalt  }
0x43: {  	_ =	shalt  }
0x44: {  	_ =	shalt  }
0x45: {  	_ =	shalt  }
0x46: {  	_ =	shalt  }
0x47: {  	_ =	shalt  }
0x48: {  	_ =	shalt  }
0x49: {  	_ =	shalt  }
0x4a: {  	_ =	shalt  }
0x4b: {  	_ =	shalt  }
0x4c: {  	_ =	shalt  }
0x4d: {  	_ =	shalt  }
0x4e: {  	_ =	shalt  }
0x4f: {  	_ =	shalt  }
0x50: {  	_ =	shalt  }
0x51: {  	_ =	shalt  }
0x52: {  	_ =	shalt  }
0x53: {  	_ =	shalt  }
0x54: {  	_ =	shalt  }
0x55: {  	_ =	shalt  }
0x56: {  	_ =	shalt  }
0x57: {  	_ =	shalt  }
0x58: {  	_ =	shalt  }
0x59: {  	_ =	shalt  }
0x5a: {  	_ =	shalt  }
0x5b: {  	_ =	shalt  }
0x5c: {  	_ =	shalt  }
0x5d: {  	_ =	shalt  }
0x5e: {  	_ =	shalt  }
0x5f: {  	_ =	shalt  }
0x60: {  	_ =	shalt  }
0x61: {  	_ =	shalt  }
0x62: {  	_ =	shalt  }
0x63: {  	_ =	shalt  }
0x64: {  	_ =	shalt  }
0x65: {  	_ =	shalt  }
0x66: {  	_ =	shalt  }
0x67: {  	_ =	shalt  }
0x68: {  	_ =	shalt  }
0x69: {  	_ =	shalt  }
0x6a: {  	_ =	shalt  }
0x6b: {  	_ =	shalt  }
0x6c: {  	_ =	shalt  }
0x6d: {  	_ =	shalt  }
0x6e: {  	_ =	shalt  }
0x6f: {  	_ =	shalt  }
0x70: {  	_ =	shalt  }
0x71: {  	_ =	shalt  }
0x72: {  	_ =	shalt  }
0x73: {  	_ =	shalt  }
0x74: {  	_ =	shalt  }
0x75: {  	_ =	shalt  }
0x76: {  	_ =	shalt  }
0x77: {  	_ =	shalt  }
0x78: {  	_ =	shalt  }
0x79: {  	_ =	shalt  }
0x7a: {  	_ =	shalt  }
0x7b: {  	_ =	shalt  }
0x7c: {  	_ =	shalt  }
0x7d: {  	_ =	shalt  }
0x7e: {  	_ =	shalt  }
0x7f: {  	_ =	shalt  }
0x80: {  	_ =	shalt  }
0x81: {  	_ =	shalt  }
0x82: {  	_ =	shalt  }
0x83: {  	_ =	shalt  }
0x84: {  	_ =	shalt  }
0x85: {  	_ =	shalt  }
0x86: {  	_ =	shalt  }
0x87: {  	_ =	shalt  }
.Lfunc_end0:
.L_simem_size_0:
called_computation.2_lowered:
.L_overlay_start_0:
0x88: {  	s2 =	sld [smem:$0x3FD9]  }
0x89: {  	s3 =	sld [smem:$0x3FFE];
	_ =	sdelay $0x1  }
0x8a: {  	s1 =	srdreg.scid  }
0x8b: {  	s0 =	sand.u32 $0x1, s1  }
0x8c: {  	s16 =	sshll.u32 s0, $0xA;
	s2 =	sadd.s32 s3, s2  }
0x8d: {  	s2 =	sadd.s32 s2, s16  }
0x8e: {  	[smem:$0x3FBB] =	sst s2  }
0x8f: {  	_ = 	snop  }
0x90: {  	(tm) =	ssettm $0x1  }
0x91: {  	s17 =	sld [smem:$0x3FFB];
	_ =	sdelay $0x3  }
0x92: {  	_ =	strace s17  }
0x93: {  	s2 =	sld [smem:$0x3FFC];
	_ =	sdelay $0x3  }
0x94: {  	_ =	strace s2  }
0x95: {  	s2 =	sld [smem:$0x3FFD];
	_ =	sdelay $0x3  }
0x96: {  	_ =	strace s2  }
0x97: {  	_ =	strace $0x8FFFFFFF  }
0x98: {  	s18 =	sld [smem:$0x3FDB];
	_ =	sdelay $0x1  }
0x99: {  	s19 =	simm.s32 $_scs_section_size  }
0x9a: {  	s4 =	simm.s32 $_size__tile_overlayer_lowered;
	s5 =	simm.s32 $_tile_overlayer_lowered  }
0x9b: {  	s22 =	simm.s32 $0x1BFF;
	s21 =	sshll.u32 s5, $0x1;
	s2 =	sadd.s32 s19, s18  }
0x9c: {  	s6 =	simm.s32 $0x0;
	s20 =	sshll.u32 s4, $0x1;
	s4 =	sadd.s32 s21, s2  }
0x9d: {  	[timem:s6], [sflag:s22] =	dma.local [hbm:s4], s20  }
0x9e: {  	_ =	swait.ge [sflag:s22], s20  }
0x9f: {  	s3 =	ssub.s32 $0x0, s20;
	[sflag:s22] =	ssyncset.done $0x0  }
0xa0: {  	[sflag:s22] =	ssyncadd.s32 s3;
	_ =	sdelay $0x1  }
0xa1: {  	s23 =	simm.s32 $0x1B8B  }
0xa2: {  	_ =	swait.ge [sflag:s23], $0x1  }
0xa3: {  	[sflag:s23] =	ssyncset.done $0x0  }
0xa4: {  	s25 =	simm.s32 $0x1B8E;
	s24 =	sld [smem:$0x3FFE];
	[sflag:s23] =	ssyncadd.s32 $0xFFFFFFFF  }
0xa5: {  	s26 =	simm.s32 $execute0_lowered;
	[smem:$0x3FD2] =	sst s25  }
0xa6: {  	s4 =	sshll.u32 s26, $0x1;
	_ =	strace $0x8000004C;
	[dreg:$0x1] =	wrdreg $0xFFFFFFFF  }
0xa7: {  	s28 =	simm.s32 $_size_execute0_lowered;
	s2 =	sadd.s32 s2, s4;
	[dreg:$0x0] =	wrdreg $0x0  }
0xa8: {  	s4 =	sshll.u32 s28, $0x1;
	[dreg:$0x2] =	wrdreg s2  }
0xa9: {  	[dreg:$0x3] =	wrdreg s4  }
0xaa: {  	[dreg:$0x4] =	wrdreg $0xC0  }
0xab: {  	_ =	task [dreg:s6], $0x5FFFF  }
0xac: {  	[dreg:$0x1] =	wrdreg $0xFFFFFFFF  }
0xad: {  	[dreg:$0x0] =	wrdreg $0x60  }
0xae: {  	[dreg:$0x2] =	wrdreg s24  }
0xaf: {  	[dreg:$0x3] =	wrdreg $0x40800  }
0xb0: {  	[dreg:$0x4] =	wrdreg $0x9  }
0xb1: {  	_ =	task.clear_ibuf [dreg:s6], $0x5FFFF;
	_ =	strace $0x9000004C  }
0xb2: {  	s29 =	simm.s32 $0x9;
	_ =	strace $0x8000004E  }
0xb3: {  	_ =	swait.ge [sflag:s29], $0x1  }
0xb4: {  	[sflag:s29] =	ssyncadd.s32 $0xFFFFFFFF  }
0xb5: {  	_ =	strace $0x9000004E  }
0xb6: {  	_ =	sfence  }
0xb7: {  	s30 =	sld [smem:$0x0];
	_ =	sdelay $0x2  }
0xb8: {  	s31 =	sshll.u32 s1, $0xD;
	s1 =	sshrl.u32 s1, $0x2  }
0xb9: {  	s3 =	sand.u32 $0x4000, s31;
	s1 =	sadd.s32 s1, s30  }
0xba: {  	s0 =	sor.u32 s3, s0;
	s1 =	sshll.u32 s1, $0x11  }
0xbb: {  	s0 =	sor.u32 s1, s0  }
0xbc: {  	s0 =	sadd.s32 $0x8F2B, s0  }
0xbd: {  	[sflag:s0] =	ssyncadd.remote.s32 $0x1  }
0xbe: {  	_ =	sfence.sel $0xFFFF  }
0xbf: {  	[dreg:$0x0] =	wrdreg $0xFFFFFFFF;
	(pc) =	sbr.abs _section_cstart, $3  }
0xc0: {  	[dreg:$0x1] =	wrdreg $0xFFFFFFFF  }
0xc1: {  	_ =	task.clear_ibuf [dreg:s6], $0x2FFFF;
	_ =	strace $0x9FFFFFFF  }
0xc2: {  	(tm) =	ssettm $0x7FFFFFFF  }
0xc3: {  	_ =	shalt  }
tec
execute0_lowered:
.L_overlay_start_1:
0x0: {  	(tag) =	ssettag $0x1  }
0x1: {  	s7 =	rddreg [dreg:$0x0];
	s0 =	srdreg.scid  }
0x2: {  	s2 =	rddreg [dreg:$0x1];
	s1 =	stileid.u32  }
0x3: {  	s3 =	simm.s32 $0x0;
	s19 =	simm.s32 $0x80;
	s20 =	simm.s32 $0x2  }
0x4: {  	s21 =	simm.s32 $0x18080;
	s22 =	simm.s32 $0x1;
	s8 =	smul.u32 $0x280, s1  }
0x5: {  	s6 =	sand.u32 $0x1, s0;
	s0 =	rddreg [dreg:$0x2];
	s10 =	smul.u32 $0x50000, s1  }
0x6: {  	s23 =	simm.s32 $0x0;
	[smem:$0x7FF] =	sst s3;
	s5 =	smul.u32 $0x4F00, s6  }
0x7: {  	s4 =	sadd.s32 $0x67400, s7;
	s18 =	sshll.u32 s1, $0x4;
	s9 =	smul.u32 $0x2800, s6  }
0x8: {  	_ =	strace $0x8000004D;
	s29 =	ssub.s32 $0x2, s6;
	s30 =	sshrl.u32 s10, $0x2  }
0x9: {  	s31 =	sshrl.u32 s29, $0x1;
	s15 =	sadd.s32 s5, s7;
	s5 =	sadd.s32 $0x16C00, s7  }
0xa: {  	s8 =	sadd.s32 s8, s9;
	s6 =	sadd.s32 s30, s2;
	s17 =	ssub.s32 s29, s31  }
0xb: {  	s8 =	sshll.u32 s8, $0x4;
	s9 =	sadd.s32 $0xC000, s6;
	s10 =	sadd.s32 $0x10000, s6  }
0xc: {  	s18 =	sadd.s32 s18, s15;
	s16 =	sadd.s32 s8, s7;
	s7 =	sadd.s32 $0x4000, s6  }
0xd: {  	s8 =	sadd.s32 $0x8000, s6;
	s11 =	sadd.s32 $0x8E600, s16;
	s12 =	sadd.s32 $0x8EE00, s16  }
0xe: {  	s13 =	sadd.s32 $0x8F600, s16;
	s14 =	sadd.s32 $0x8FE00, s16;
	s15 =	sadd.s32 $0x90600, s16  }
0xf: {  	s16 =	smax.u32 s17, $0x1;
	s17 =	sadd.s32 $0xC600, s18;
	s18 =	sadd.s32 $0x2800, s18  }
.LBB2_1:
0x10: {  	[tilespmem:s19], [sflag:$0x2] =	stream.linear.gather [hbm4b:s5+s3], $0x4000, $0x38;
	[tilespmem:$0x18100] =	vst v63  }
0x11: {  	_ =	swait.ge [sflag:s20], $0x4000  }
0x12: {  	[sflag:s20] =	ssyncset.done $0x0  }
0x13: {  	[sflag:s20] =	ssyncadd.s32 $0xFFFFC000  }
0x14: {  	[spmem:s6] =	stream.linear.scatter [tilespmem:s19], [sflag:$0x2], $0x4000, $0x38;
	[tilespmem:$0x18100] =	vst v63  }
0x15: {  	_ =	swait.ge [sflag:s20], $0x4000  }
0x16: {  	[sflag:s20] =	ssyncset.done $0x0  }
0x17: {  	[sflag:s20] =	ssyncadd.s32 $0xFFFFC000  }
0x18: {  	[spmem:s7] =	stream.linear.scatter [tilespmem:s19], [sflag:$0x2], $0x4000, $0x38;
	[tilespmem:$0x18100] =	vst v63  }
0x19: {  	_ =	swait.ge [sflag:s20], $0x4000  }
0x1a: {  	[sflag:s20] =	ssyncset.done $0x0  }
0x1b: {  	[sflag:s20] =	ssyncadd.s32 $0xFFFFC000  }
0x1c: {  	[spmem:s8] =	stream.linear.scatter [tilespmem:s19], [sflag:$0x2], $0x4000, $0x38;
	[tilespmem:$0x18100] =	vst v63  }
0x1d: {  	_ =	swait.ge [sflag:s20], $0x4000  }
0x1e: {  	[sflag:s20] =	ssyncset.done $0x0  }
0x1f: {  	[sflag:s20] =	ssyncadd.s32 $0xFFFFC000  }
0x20: {  	[spmem:s9] =	stream.linear.scatter [tilespmem:s19], [sflag:$0x2], $0x4000, $0x38;
	[tilespmem:$0x18100] =	vst v63  }
0x21: {  	_ =	swait.ge [sflag:s20], $0x4000  }
0x22: {  	[sflag:s20] =	ssyncset.done $0x0  }
0x23: {  	[sflag:s20] =	ssyncadd.s32 $0xFFFFC000  }
0x24: {  	[spmem:s10] =	stream.linear.scatter [tilespmem:s19], [sflag:$0x2], $0x4000, $0x38;
	[tilespmem:$0x18100] =	vst v63  }
0x25: {  	_ =	swait.ge [sflag:s20], $0x4000  }
0x26: {  	[sflag:s20] =	ssyncset.done $0x0  }
0x27: {  	[sflag:s20] =	ssyncadd.s32 $0xFFFFC000  }
0x28: {  	s24 =	sadd.s32 $0x0, s17;
	[bflag:$0x0] =	sbarrier.arrive $0xFFFF  }
0x29: {  	[tilespmem:s3], [sflag:$0x2] =	stream.linear.gather [hbm4b:s24+s3], $0x80, $0x38;
	[tilespmem:$0x18100] =	vst v63  }
0x2a: {  	_ =	swait.ge [sflag:s20], $0x80  }
0x2b: {  	[sflag:s20] =	ssyncset.done $0x0  }
0x2c: {  	s31 =	sadd.s32 $0x0, s18;
	[sflag:s20] =	ssyncadd.s32 $0xFFFFFF80  }
0x2d: {  	[tilespmem:s21], [sflag:$0x2] =	stream.linear.gather [hbm4b:s31+s3], $0x80, $0x38;
	[tilespmem:$0x18100] =	vst v63  }
0x2e: {  	_ =	swait.ge [sflag:s20], $0x80  }
0x2f: {  	[sflag:s20] =	ssyncset.done $0x0  }
0x30: {  	[sflag:s20] =	ssyncadd.s32 $0xFFFFFF80  }
0x31: {  	[tilespmem:s19], [sflag:$0x1] =	stream.indirect.gather [hbm4b:s4+s19], $0x80, s21, s19, $0xb8;
	[tilespmem:$0x18100] =	vst v63  }
0x32: {  	_ =	swait.ge [sflag:s22], $0x4000  }
0x33: {  	[sflag:s22] =	ssyncset.done $0x0  }
0x34: {  	[sflag:s22] =	ssyncadd.s32 $0xFFFFC000  }
0x35: {  	[spmem:s2] =	stream.indirect.scatter.add.f32 [tilespmem:s19], [sflag:$0x2], $0x80, s3, s19, $0xb8;
	[tilespmem:$0x18100] =	vst v63  }
0x36: {  	_ =	swait.ge [sflag:s20], $0x4000  }
0x37: {  	s25 =	simm.s32 $0x200;
	s24 =	simm.s32 $0x100;
	[sflag:s20] =	ssyncset.done $0x0  }
.LBB2_2:
0x38: {  	s26 =	sadd.s32 s24, s17  }
0x39: {  	[sflag:s20] =	ssyncadd.s32 $0xFFFFC000;
	s28 =	smov.u32 s25;
	s29 =	sadd.s32 $0x100, s25  }
0x3a: {  	[tilespmem:s3], [sflag:$0x2] =	stream.linear.gather [hbm4b:s26+s3], $0x80, $0x38;
	[tilespmem:$0x18100] =	vst v63  }
0x3b: {  	p0 =	sne.s32 s25, $0x4E00;
	_ =	swait.ge [sflag:s20], $0x80  }
0x3c: {  	[sflag:s20] =	ssyncset.done $0x0  }
0x3d: {  	s25 =	sadd.s32 s24, s18;
	s24 =	smov.u32 s28;
	[sflag:s20] =	ssyncadd.s32 $0xFFFFFF80  }
0x3e: {  	[tilespmem:s21], [sflag:$0x2] =	stream.linear.gather [hbm4b:s25+s3], $0x80, $0x38;
	[tilespmem:$0x18100] =	vst v63  }
0x3f: {  	_ =	swait.ge [sflag:s20], $0x80  }
0x40: {  	[sflag:s20] =	ssyncset.done $0x0  }
0x41: {  	[sflag:s20] =	ssyncadd.s32 $0xFFFFFF80  }
0x42: {  	[tilespmem:s19], [sflag:$0x1] =	stream.indirect.gather [hbm4b:s4+s19], $0x80, s21, s19, $0xb8;
	[tilespmem:$0x18100] =	vst v63  }
0x43: {  	_ =	swait.ge [sflag:s22], $0x4000  }
.Ltmp0:
0x44: {  	[sflag:s22] =	ssyncset.done $0x0;
	(pc) =	sbr.rel @p0 .LBB2_2-.Ltmp0, $4  }
0x45: {  	[sflag:s22] =	ssyncadd.s32 $0xFFFFC000  }
0x46: {  	[spmem:s2] =	stream.indirect.scatter.add.f32 [tilespmem:s19], [sflag:$0x2], $0x80, s3, s19, $0xb8;
	[tilespmem:$0x18100] =	vst v63  }
0x47: {  	_ =	swait.ge [sflag:s20], $0x4000  }
0x48: {  	s25 =	smov.u32 s29;
	[sflag:s20] =	ssyncset.done $0x0  }
0x49: {  	s25 =	sadd.s32 s24, s17;
	[sflag:s20] =	ssyncadd.s32 $0xFFFFC000  }
0x4a: {  	[tilespmem:s3], [sflag:$0x2] =	stream.linear.gather [hbm4b:s25+s3], $0x80, $0x38;
	[tilespmem:$0x18100] =	vst v63  }
0x4b: {  	_ =	swait.ge [sflag:s20], $0x80  }
0x4c: {  	[sflag:s20] =	ssyncset.done $0x0  }
0x4d: {  	s31 =	sadd.s32 s24, s18;
	[sflag:s20] =	ssyncadd.s32 $0xFFFFFF80  }
0x4e: {  	[tilespmem:s21], [sflag:$0x2] =	stream.linear.gather [hbm4b:s31+s3], $0x80, $0x38;
	[tilespmem:$0x18100] =	vst v63  }
0x4f: {  	_ =	swait.ge [sflag:s20], $0x80  }
0x50: {  	[sflag:s20] =	ssyncset.done $0x0  }
0x51: {  	[sflag:s20] =	ssyncadd.s32 $0xFFFFFF80  }
0x52: {  	[tilespmem:s19], [sflag:$0x1] =	stream.indirect.gather [hbm4b:s4+s19], $0x80, s21, s19, $0xb8;
	[tilespmem:$0x18100] =	vst v63  }
0x53: {  	_ =	swait.ge [sflag:s22], $0x4000  }
0x54: {  	[sflag:s22] =	ssyncset.done $0x0  }
0x55: {  	[sflag:s22] =	ssyncadd.s32 $0xFFFFC000  }
0x56: {  	[spmem:s2] =	stream.indirect.scatter.add.f32 [tilespmem:s19], [sflag:$0x2], $0x80, s3, s19, $0xb8;
	[tilespmem:$0x18100] =	vst v63  }
0x57: {  	_ =	swait.ge [sflag:s20], $0x4000  }
0x58: {  	[sflag:s20] =	ssyncset.done $0x0  }
0x59: {  	[sflag:s20] =	ssyncadd.s32 $0xFFFFC000  }
0x5a: {  	[bflag:$0x0] =	sbarrier.arrive $0xFFFF  }
0x5b: {  	[tilespmem:s19], [sflag:$0x2] =	stream.linear.gather [spmem:s6], $0x4000, $0x38;
	[tilespmem:$0x18100] =	vst v63  }
0x5c: {  	_ =	swait.ge [sflag:s20], $0x4000  }
0x5d: {  	[sflag:s20] =	ssyncset.done $0x0  }
0x5e: {  	[sflag:s20] =	ssyncadd.s32 $0xFFFFC000  }
0x5f: {  	[hbm4b:s11+s3] =	stream.linear.scatter [tilespmem:s19], [sflag:$0x2], $0x4000, $0x38;
	[tilespmem:$0x18100] =	vst v63  }
0x60: {  	_ =	swait.ge [sflag:s20], $0x4000  }
0x61: {  	[sflag:s20] =	ssyncset.done $0x0  }
0x62: {  	[sflag:s20] =	ssyncadd.s32 $0xFFFFC000  }
0x63: {  	[tilespmem:s19], [sflag:$0x2] =	stream.linear.gather [spmem:s7], $0x4000, $0x38;
	[tilespmem:$0x18100] =	vst v63  }
0x64: {  	_ =	swait.ge [sflag:s20], $0x4000  }
0x65: {  	[sflag:s20] =	ssyncset.done $0x0  }
0x66: {  	[sflag:s20] =	ssyncadd.s32 $0xFFFFC000  }
0x67: {  	[hbm4b:s12+s3] =	stream.linear.scatter [tilespmem:s19], [sflag:$0x2], $0x4000, $0x38;
	[tilespmem:$0x18100] =	vst v63  }
0x68: {  	_ =	swait.ge [sflag:s20], $0x4000  }
0x69: {  	[sflag:s20] =	ssyncset.done $0x0  }
0x6a: {  	[sflag:s20] =	ssyncadd.s32 $0xFFFFC000  }
0x6b: {  	[tilespmem:s19], [sflag:$0x2] =	stream.linear.gather [spmem:s8], $0x4000, $0x38;
	[tilespmem:$0x18100] =	vst v63  }
0x6c: {  	_ =	swait.ge [sflag:s20], $0x4000  }
0x6d: {  	[sflag:s20] =	ssyncset.done $0x0  }
0x6e: {  	[sflag:s20] =	ssyncadd.s32 $0xFFFFC000  }
0x6f: {  	[hbm4b:s13+s3] =	stream.linear.scatter [tilespmem:s19], [sflag:$0x2], $0x4000, $0x38;
	[tilespmem:$0x18100] =	vst v63  }
0x70: {  	_ =	swait.ge [sflag:s20], $0x4000  }
0x71: {  	[sflag:s20] =	ssyncset.done $0x0  }
0x72: {  	[sflag:s20] =	ssyncadd.s32 $0xFFFFC000  }
0x73: {  	[tilespmem:s19], [sflag:$0x2] =	stream.linear.gather [spmem:s9], $0x4000, $0x38;
	[tilespmem:$0x18100] =	vst v63  }
0x74: {  	_ =	swait.ge [sflag:s20], $0x4000  }
0x75: {  	[sflag:s20] =	ssyncset.done $0x0  }
0x76: {  	[sflag:s20] =	ssyncadd.s32 $0xFFFFC000  }
0x77: {  	[hbm4b:s14+s3] =	stream.linear.scatter [tilespmem:s19], [sflag:$0x2], $0x4000, $0x38;
	[tilespmem:$0x18100] =	vst v63  }
0x78: {  	_ =	swait.ge [sflag:s20], $0x4000  }
0x79: {  	[sflag:s20] =	ssyncset.done $0x0  }
0x7a: {  	[sflag:s20] =	ssyncadd.s32 $0xFFFFC000  }
0x7b: {  	[tilespmem:s19], [sflag:$0x2] =	stream.linear.gather [spmem:s10], $0x4000, $0x38;
	[tilespmem:$0x18100] =	vst v63  }
0x7c: {  	s23 =	sadd.s32 $0x1, s23;
	_ =	swait.ge [sflag:s20], $0x4000  }
0x7d: {  	p0 =	sne.s32 s23, s16;
	[sflag:s20] =	ssyncset.done $0x0  }
.Ltmp1:
0x7e: {  	[sflag:s20] =	ssyncadd.s32 $0xFFFFC000;
	(pc) =	sbr.rel @p0 .LBB2_1-.Ltmp1, $4  }
0x7f: {  	[hbm4b:s15+s3] =	stream.linear.scatter [tilespmem:s19], [sflag:$0x2], $0x4000, $0x38;
	[tilespmem:$0x18100] =	vst v63  }
0x80: {  	_ =	swait.ge [sflag:s20], $0x4000  }
0x81: {  	[sflag:s20] =	ssyncset.done $0x0  }
0x82: {  	[sflag:s20] =	ssyncadd.s32 $0xFFFFC000  }
0x83: {  	_ =	sfence.sel $0x180000  }
0x84: {  	[bflag:$0x0] =	sbarrier.arrive $0xFFFF  }
0x85: {  	p0 =	sne.s32 s1, $0x0;
	_ =	strace $0x9000004D  }
0x86: {  	s0 =	sadd.s32 @!p0 $0x100000, s0;
	[bflag:$0x2] =	sbarrier.arrive $0xFFFF  }
0x87: {  	[sflag:s0] =	ssyncadd.tile.s32 @!p0 $0x1;
	_ =	shalt  }
.Lfunc_end2:
_tile_overlayer_lowered:
.L_overlay_start_2:
0x88: {  	(tag) =	ssettag $0x2  }
0x89: {  	s0 =	rddreg [dreg:$0x0];
	s2 =	stileid.u32  }
0x8a: {  	s1 =	rddreg [dreg:$0x1];
	p0 =	sne.s32 s2, $0x0  }
0x8b: {  	s3 =	rddreg [dreg:$0x2];
	[bflag:$0x3] =	sbarrier.arrive $0xFFFF;
	s2 =	simm.s32 @!p0 $0x1C02  }
0x8c: {  	[timem:s3], [sflag:s2] =	dma.local @!p0 [hbm:s0], s1  }
0x8d: {  	s0 =	simm.s32 @!p0 $0x2  }
0x8e: {  	_ =	swait.ge @!p0 [sflag:s0], s1  }
0x8f: {  	s1 =	ssub.s32 @!p0 $0x0, s1;
	[sflag:s0] =	ssyncset.done @!p0 $0x0  }
0x90: {  	[sflag:s0] =	ssyncadd.s32 @!p0 s1  }
0x91: {  	[bflag:$0x3] =	sbarrier.arrive $0xFFFF  }
0x92: {  	_ =	shalt  }

// kernel: kernel.19.cloned.1.call-start
scs
__scs_entry_jumppad:
0x0: {  	(pc) =	sbr.rel $0x88, $3  }
0x1: {  	(tag) =	ssettag $0x0;
	lr =	simm.s32 $0x1  }
0x2: {  	[smem:$0x3F94] =	sst lr;
	_ =	strace $0xD0000000  }
0x3: {  	_ = 	snop  }
0x4: {  	_ = 	snop  }
0x5: {  	_ = 	snop  }
0x6: {  	_ = 	snop  }
0x7: {  	_ = 	snop  }
__scs_overlays_trampoline_lowered:
0x8: {  	[smem:$0x3FA3] =	sst s0  }
0x9: {  	[smem:$0x3FA4] =	sst s1  }
0xa: {  	[smem:$0x3FA5] =	sst s2  }
0xb: {  	[smem:$0x3FA6] =	sst s3  }
0xc: {  	[smem:$0x3FA7] =	sst s4  }
0xd: {  	[smem:$0x3FA8] =	sst s5  }
0xe: {  	[smem:$0x3FA9] =	sst s6  }
0xf: {  	[smem:$0x3FAA] =	sst s7  }
0x10: {  	[smem:$0x3FAB] =	sst s8  }
0x11: {  	[smem:$0x3FAC] =	sst s9;
	s0 =	simm.s32 @!p0 $0x0  }
0x12: {  	s1 =	sld [smem:$0x3F92];
	s0 =	simm.s32 @p0 $0x1  }
0x13: {  	[smem:$0x3FAD] =	sst s0;
	s0 =	simm.s32 @!p1 $0x0  }
0x14: {  	s2 =	sld [smem:$0x3F91];
	s0 =	simm.s32 @p1 $0x1  }
0x15: {  	[smem:$0x3FAE] =	sst s0;
	s0 =	simm.s32 @!p2 $0x0  }
0x16: {  	s3 =	sld [smem:$0x3FDB];
	s0 =	simm.s32 @p2 $0x1  }
0x17: {  	s4 =	simm.s32 $0x1BF5;
	[smem:$0x3FB0] =	sst s0  }
0x18: {  	s0 =	sld [smem:$0x3F93];
	_ =	swait.ge [sflag:s4], $0x0  }
0x19: {  	s7 =	sld [smem:$0x3F94]  }
0x1a: {  	s8 =	sadd.s32 $0xFFFFE003, lr  }
0x1b: {  	s9 =	sadd.s32 $0xFFFFFEF7, lr;
	s5 =	simm.s32 $0xFFFFFFFF;
	p2 =	slt.u32 s8, $0xFFFFF086  }
0x1c: {  	p1 =	slt.u32 s9, $0xF7A;
	s5 =	simm.s32 @!p2 $0x0  }
0x1d: {  	s5 =	simm.s32 @p1 $0x1;
	p0 =	seq.s32 s7, s2  }
0x1e: {  	s7 =	smul.u32 @!p0 $0xF7A, s2;
	p2 =	seq.s32 @!p0 s5, $0x0  }
0x1f: {  	s9 =	smul.u32 $0xF7A, s1;
	s8 =	simm.s32 @!p0 $0x1BF5;
	p2 =	por !p2, p0  }
0x20: {  	[sflag:s8] =	ssyncset.s32 @!p0 $0xFFFFF086;
	s6 =	sadd.s32 @!p0 s3, s7;
	s7 =	simm.s32 @!p0 $0x108  }
0x21: {  	s3 =	sadd.s32 s3, s9;
	s6 =	sadd.s32 @!p0 $0x88, s6;
	s7 =	simm.s32 @p2 $0x1082  }
0x22: {  	[simem:s7], [sflag:s8] =	dma.local @!p0 [hbm:s6], $0xF7A  }
0x23: {  	s9 =	sor.u32 $0xD0000000, s2;
	s6 =	simm.s32 $0x108;
	_ =	swait.ge @!p0 [sflag:s8], $0x0  }
0x24: {  	s3 =	sadd.s32 $0x88, s3;
	s6 =	simm.s32 @!p1 $0x1082;
	[sflag:s4] =	ssyncset.s32 $0xFFFFF086  }
0x25: {  	[simem:s6], [sflag:s4] =	dma.local [hbm:s3], $0xF7A  }
0x26: {  	[smem:$0x3F94] =	sst s1;
	(tag) =	ssettag s2;
	_ =	strace s9  }
0x27: {  	s1 =	sld [smem:$0x3FA4]  }
0x28: {  	s2 =	sld [smem:$0x3FA5]  }
0x29: {  	s4 =	sld [smem:$0x3FA7]  }
0x2a: {  	p0 =	seq.s32 s5, $0x0;
	s5 =	sld [smem:$0x3FA8]  }
0x2b: {  	s6 =	sld [smem:$0x3FA9]  }
0x2c: {  	s7 =	sld [smem:$0x3FAA]  }
0x2d: {  	s3 =	simm.s32 $0x108;
	s8 =	sld [smem:$0x3FAB]  }
0x2e: {  	s3 =	simm.s32 @!p0 $0x1082;
	s9 =	sld [smem:$0x3FAC]  }
0x2f: {  	lr =	sadd.s32 s0, s3;
	s0 =	sld [smem:$0x3FA3]  }
0x30: {  	s3 =	sld [smem:$0x3FA6]  }
0x31: {  	[smem:$0x3FAF] =	sst s10  }
0x32: {  	s10 =	sld [smem:$0x3FAD];
	_ =	sdelay $0x3  }
0x33: {  	p0 =	seq.s32 s10, $0x1;
	s10 =	sld [smem:$0x3FAF];
	_ =	sdelay $0x3  }
0x34: {  	[smem:$0x3FAF] =	sst s10  }
0x35: {  	s10 =	sld [smem:$0x3FAE];
	_ =	sdelay $0x3  }
0x36: {  	p1 =	seq.s32 s10, $0x1;
	s10 =	sld [smem:$0x3FAF];
	_ =	sdelay $0x3  }
0x37: {  	[smem:$0x3FAF] =	sst s10  }
0x38: {  	s10 =	sld [smem:$0x3FB0]  }
0x39: {  	_ = 	snop;
	(pc) =	sbr.ind lr, $3  }
0x3a: {  	_ = 	snop  }
0x3b: {  	_ = 	snop  }
0x3c: {  	p2 =	seq.s32 s10, $0x1;
	s10 =	sld [smem:$0x3FAF]  }
0x3d: {  	_ =	shalt  }
0x3e: {  	_ =	shalt  }
0x3f: {  	_ =	shalt  }
0x40: {  	_ =	shalt  }
0x41: {  	_ =	shalt  }
0x42: {  	_ =	shalt  }
0x43: {  	_ =	shalt  }
0x44: {  	_ =	shalt  }
0x45: {  	_ =	shalt  }
0x46: {  	_ =	shalt  }
0x47: {  	_ =	shalt  }
0x48: {  	_ =	shalt  }
0x49: {  	_ =	shalt  }
0x4a: {  	_ =	shalt  }
0x4b: {  	_ =	shalt  }
0x4c: {  	_ =	shalt  }
0x4d: {  	_ =	shalt  }
0x4e: {  	_ =	shalt  }
0x4f: {  	_ =	shalt  }
0x50: {  	_ =	shalt  }
0x51: {  	_ =	shalt  }
0x52: {  	_ =	shalt  }
0x53: {  	_ =	shalt  }
0x54: {  	_ =	shalt  }
0x55: {  	_ =	shalt  }
0x56: {  	_ =	shalt  }
0x57: {  	_ =	shalt  }
0x58: {  	_ =	shalt  }
0x59: {  	_ =	shalt  }
0x5a: {  	_ =	shalt  }
0x5b: {  	_ =	shalt  }
0x5c: {  	_ =	shalt  }
0x5d: {  	_ =	shalt  }
0x5e: {  	_ =	shalt  }
0x5f: {  	_ =	shalt  }
0x60: {  	_ =	shalt  }
0x61: {  	_ =	shalt  }
0x62: {  	_ =	shalt  }
0x63: {  	_ =	shalt  }
0x64: {  	_ =	shalt  }
0x65: {  	_ =	shalt  }
0x66: {  	_ =	shalt  }
0x67: {  	_ =	shalt  }
0x68: {  	_ =	shalt  }
0x69: {  	_ =	shalt  }
0x6a: {  	_ =	shalt  }
0x6b: {  	_ =	shalt  }
0x6c: {  	_ =	shalt  }
0x6d: {  	_ =	shalt  }
0x6e: {  	_ =	shalt  }
0x6f: {  	_ =	shalt  }
0x70: {  	_ =	shalt  }
0x71: {  	_ =	shalt  }
0x72: {  	_ =	shalt  }
0x73: {  	_ =	shalt  }
0x74: {  	_ =	shalt  }
0x75: {  	_ =	shalt  }
0x76: {  	_ =	shalt  }
0x77: {  	_ =	shalt  }
0x78: {  	_ =	shalt  }
0x79: {  	_ =	shalt  }
0x7a: {  	_ =	shalt  }
0x7b: {  	_ =	shalt  }
0x7c: {  	_ =	shalt  }
0x7d: {  	_ =	shalt  }
0x7e: {  	_ =	shalt  }
0x7f: {  	_ =	shalt  }
0x80: {  	_ =	shalt  }
0x81: {  	_ =	shalt  }
0x82: {  	_ =	shalt  }
0x83: {  	_ =	shalt  }
0x84: {  	_ =	shalt  }
0x85: {  	_ =	shalt  }
0x86: {  	_ =	shalt  }
0x87: {  	_ =	shalt  }
.Lfunc_end0:
.L_simem_size_0:
called_computation.3_lowered:
.L_overlay_start_0:
0x88: {  	s2 =	sld [smem:$0x3FD9]  }
0x89: {  	s3 =	sld [smem:$0x3FFE];
	_ =	sdelay $0x1  }
0x8a: {  	s1 =	srdreg.scid  }
0x8b: {  	s0 =	sand.u32 $0x1, s1  }
0x8c: {  	s16 =	sshll.u32 s0, $0xA;
	s2 =	sadd.s32 s3, s2  }
0x8d: {  	s2 =	sadd.s32 s2, s16  }
0x8e: {  	[smem:$0x3FBB] =	sst s2  }
0x8f: {  	_ = 	snop  }
0x90: {  	(tm) =	ssettm $0x1  }
0x91: {  	s17 =	sld [smem:$0x3FFB];
	_ =	sdelay $0x3  }
0x92: {  	_ =	strace s17  }
0x93: {  	s2 =	sld [smem:$0x3FFC];
	_ =	sdelay $0x3  }
0x94: {  	_ =	strace s2  }
0x95: {  	s2 =	sld [smem:$0x3FFD];
	_ =	sdelay $0x3  }
0x96: {  	_ =	strace s2  }
0x97: {  	_ =	strace $0x8FFFFFFF  }
0x98: {  	s18 =	sld [smem:$0x3FDB];
	_ =	sdelay $0x1  }
0x99: {  	s19 =	simm.s32 $_scs_section_size  }
0x9a: {  	s4 =	simm.s32 $_size__tile_overlayer_lowered;
	s5 =	simm.s32 $_tile_overlayer_lowered  }
0x9b: {  	s22 =	simm.s32 $0x1BFF;
	s21 =	sshll.u32 s5, $0x1;
	s2 =	sadd.s32 s19, s18  }
0x9c: {  	s6 =	simm.s32 $0x0;
	s20 =	sshll.u32 s4, $0x1;
	s4 =	sadd.s32 s21, s2  }
0x9d: {  	[timem:s6], [sflag:s22] =	dma.local [hbm:s4], s20  }
0x9e: {  	_ =	swait.ge [sflag:s22], s20  }
0x9f: {  	s3 =	ssub.s32 $0x0, s20;
	[sflag:s22] =	ssyncset.done $0x0  }
0xa0: {  	[sflag:s22] =	ssyncadd.s32 s3;
	_ =	sdelay $0x1  }
0xa1: {  	s23 =	simm.s32 $0x1B8B  }
0xa2: {  	_ =	swait.ge [sflag:s23], $0x1  }
0xa3: {  	[sflag:s23] =	ssyncset.done $0x0  }
0xa4: {  	s25 =	simm.s32 $0x1B8E;
	s24 =	sld [smem:$0x3FFE];
	[sflag:s23] =	ssyncadd.s32 $0xFFFFFFFF  }
0xa5: {  	s26 =	simm.s32 $execute0_lowered;
	[smem:$0x3FD2] =	sst s25  }
0xa6: {  	s4 =	sshll.u32 s26, $0x1;
	_ =	strace $0x8000004F;
	[dreg:$0x1] =	wrdreg $0xFFFFFFFF  }
0xa7: {  	s28 =	simm.s32 $_size_execute0_lowered;
	s2 =	sadd.s32 s2, s4;
	[dreg:$0x0] =	wrdreg $0x0  }
0xa8: {  	s4 =	sshll.u32 s28, $0x1;
	[dreg:$0x2] =	wrdreg s2  }
0xa9: {  	[dreg:$0x3] =	wrdreg s4  }
0xaa: {  	[dreg:$0x4] =	wrdreg $0xC0  }
0xab: {  	_ =	task [dreg:s6], $0x5FFFF  }
0xac: {  	[dreg:$0x1] =	wrdreg $0xFFFFFFFF  }
0xad: {  	[dreg:$0x0] =	wrdreg $0x60  }
0xae: {  	[dreg:$0x2] =	wrdreg s24  }
0xaf: {  	[dreg:$0x3] =	wrdreg $0x40800  }
0xb0: {  	[dreg:$0x4] =	wrdreg $0x9  }
0xb1: {  	_ =	task.clear_ibuf [dreg:s6], $0x5FFFF;
	_ =	strace $0x9000004F  }
0xb2: {  	s29 =	simm.s32 $0x9;
	_ =	strace $0x80000051  }
0xb3: {  	_ =	swait.ge [sflag:s29], $0x1  }
0xb4: {  	[sflag:s29] =	ssyncadd.s32 $0xFFFFFFFF  }
0xb5: {  	_ =	strace $0x90000051  }
0xb6: {  	_ =	sfence  }
0xb7: {  	s30 =	sld [smem:$0x0];
	_ =	sdelay $0x2  }
0xb8: {  	s31 =	sshll.u32 s1, $0xD;
	s1 =	sshrl.u32 s1, $0x2  }
0xb9: {  	s3 =	sand.u32 $0x4000, s31;
	s1 =	sadd.s32 s1, s30  }
0xba: {  	s0 =	sor.u32 s3, s0;
	s1 =	sshll.u32 s1, $0x11  }
0xbb: {  	s0 =	sor.u32 s1, s0  }
0xbc: {  	s0 =	sadd.s32 $0x8F2B, s0  }
0xbd: {  	[sflag:s0] =	ssyncadd.remote.s32 $0x1  }
0xbe: {  	_ =	sfence.sel $0xFFFF  }
0xbf: {  	[dreg:$0x0] =	wrdreg $0xFFFFFFFF;
	(pc) =	sbr.abs _section_cstart, $3  }
0xc0: {  	[dreg:$0x1] =	wrdreg $0xFFFFFFFF  }
0xc1: {  	_ =	task.clear_ibuf [dreg:s6], $0x2FFFF;
	_ =	strace $0x9FFFFFFF  }
0xc2: {  	(tm) =	ssettm $0x7FFFFFFF  }
0xc3: {  	_ =	shalt  }
tec
execute0_lowered:
.L_overlay_start_1:
0x0: {  	(tag) =	ssettag $0x1  }
0x1: {  	s7 =	rddreg [dreg:$0x0];
	s0 =	srdreg.scid  }
0x2: {  	s2 =	rddreg [dreg:$0x1];
	s1 =	stileid.u32  }
0x3: {  	s3 =	simm.s32 $0x0;
	s19 =	simm.s32 $0x80;
	s20 =	simm.s32 $0x2  }
0x4: {  	s21 =	simm.s32 $0x18080;
	s22 =	simm.s32 $0x1;
	s8 =	smul.u32 $0x280, s1  }
0x5: {  	s6 =	sand.u32 $0x1, s0;
	s0 =	rddreg [dreg:$0x2];
	s10 =	smul.u32 $0x50000, s1  }
0x6: {  	s23 =	simm.s32 $0x0;
	[smem:$0x7FF] =	sst s3;
	s5 =	smul.u32 $0x4F00, s6  }
0x7: {  	s4 =	sadd.s32 $0x67400, s7;
	s18 =	sshll.u32 s1, $0x4;
	s9 =	smul.u32 $0x2800, s6  }
0x8: {  	_ =	strace $0x80000050;
	s29 =	ssub.s32 $0x2, s6;
	s30 =	sshrl.u32 s10, $0x2  }
0x9: {  	s31 =	sshrl.u32 s29, $0x1;
	s15 =	sadd.s32 s5, s7;
	s5 =	sadd.s32 $0x16C00, s7  }
0xa: {  	s8 =	sadd.s32 s8, s9;
	s6 =	sadd.s32 s30, s2;
	s17 =	ssub.s32 s29, s31  }
0xb: {  	s8 =	sshll.u32 s8, $0x4;
	s9 =	sadd.s32 $0xC000, s6;
	s10 =	sadd.s32 $0x10000, s6  }
0xc: {  	s18 =	sadd.s32 s18, s15;
	s16 =	sadd.s32 s8, s7;
	s7 =	sadd.s32 $0x4000, s6  }
0xd: {  	s8 =	sadd.s32 $0x8000, s6;
	s11 =	sadd.s32 $0x8E600, s16;
	s12 =	sadd.s32 $0x8EE00, s16  }
0xe: {  	s13 =	sadd.s32 $0x8F600, s16;
	s14 =	sadd.s32 $0x8FE00, s16;
	s15 =	sadd.s32 $0x90600, s16  }
0xf: {  	s16 =	smax.u32 s17, $0x1;
	s17 =	sadd.s32 $0xC600, s18;
	s18 =	sadd.s32 $0x2800, s18  }
.LBB2_1:
0x10: {  	[tilespmem:s19], [sflag:$0x2] =	stream.linear.gather [hbm4b:s5+s3], $0x4000, $0x38;
	[tilespmem:$0x18100] =	vst v63  }
0x11: {  	_ =	swait.ge [sflag:s20], $0x4000  }
0x12: {  	[sflag:s20] =	ssyncset.done $0x0  }
0x13: {  	[sflag:s20] =	ssyncadd.s32 $0xFFFFC000  }
0x14: {  	[spmem:s6] =	stream.linear.scatter [tilespmem:s19], [sflag:$0x2], $0x4000, $0x38;
	[tilespmem:$0x18100] =	vst v63  }
0x15: {  	_ =	swait.ge [sflag:s20], $0x4000  }
0x16: {  	[sflag:s20] =	ssyncset.done $0x0  }
0x17: {  	[sflag:s20] =	ssyncadd.s32 $0xFFFFC000  }
0x18: {  	[spmem:s7] =	stream.linear.scatter [tilespmem:s19], [sflag:$0x2], $0x4000, $0x38;
	[tilespmem:$0x18100] =	vst v63  }
0x19: {  	_ =	swait.ge [sflag:s20], $0x4000  }
0x1a: {  	[sflag:s20] =	ssyncset.done $0x0  }
0x1b: {  	[sflag:s20] =	ssyncadd.s32 $0xFFFFC000  }
0x1c: {  	[spmem:s8] =	stream.linear.scatter [tilespmem:s19], [sflag:$0x2], $0x4000, $0x38;
	[tilespmem:$0x18100] =	vst v63  }
0x1d: {  	_ =	swait.ge [sflag:s20], $0x4000  }
0x1e: {  	[sflag:s20] =	ssyncset.done $0x0  }
0x1f: {  	[sflag:s20] =	ssyncadd.s32 $0xFFFFC000  }
0x20: {  	[spmem:s9] =	stream.linear.scatter [tilespmem:s19], [sflag:$0x2], $0x4000, $0x38;
	[tilespmem:$0x18100] =	vst v63  }
0x21: {  	_ =	swait.ge [sflag:s20], $0x4000  }
0x22: {  	[sflag:s20] =	ssyncset.done $0x0  }
0x23: {  	[sflag:s20] =	ssyncadd.s32 $0xFFFFC000  }
0x24: {  	[spmem:s10] =	stream.linear.scatter [tilespmem:s19], [sflag:$0x2], $0x4000, $0x38;
	[tilespmem:$0x18100] =	vst v63  }
0x25: {  	_ =	swait.ge [sflag:s20], $0x4000  }
0x26: {  	[sflag:s20] =	ssyncset.done $0x0  }
0x27: {  	[sflag:s20] =	ssyncadd.s32 $0xFFFFC000  }
0x28: {  	s24 =	sadd.s32 $0x0, s17;
	[bflag:$0x0] =	sbarrier.arrive $0xFFFF  }
0x29: {  	[tilespmem:s3], [sflag:$0x2] =	stream.linear.gather [hbm4b:s24+s3], $0x80, $0x38;
	[tilespmem:$0x18100] =	vst v63  }
0x2a: {  	_ =	swait.ge [sflag:s20], $0x80  }
0x2b: {  	[sflag:s20] =	ssyncset.done $0x0  }
0x2c: {  	s31 =	sadd.s32 $0x0, s18;
	[sflag:s20] =	ssyncadd.s32 $0xFFFFFF80  }
0x2d: {  	[tilespmem:s21], [sflag:$0x2] =	stream.linear.gather [hbm4b:s31+s3], $0x80, $0x38;
	[tilespmem:$0x18100] =	vst v63  }
0x2e: {  	_ =	swait.ge [sflag:s20], $0x80  }
0x2f: {  	[sflag:s20] =	ssyncset.done $0x0  }
0x30: {  	[sflag:s20] =	ssyncadd.s32 $0xFFFFFF80  }
0x31: {  	[tilespmem:s19], [sflag:$0x1] =	stream.indirect.gather [hbm4b:s4+s19], $0x80, s21, s19, $0xb8;
	[tilespmem:$0x18100] =	vst v63  }
0x32: {  	_ =	swait.ge [sflag:s22], $0x4000  }
0x33: {  	[sflag:s22] =	ssyncset.done $0x0  }
0x34: {  	[sflag:s22] =	ssyncadd.s32 $0xFFFFC000  }
0x35: {  	[spmem:s2] =	stream.indirect.scatter.add.f32 [tilespmem:s19], [sflag:$0x2], $0x80, s3, s19, $0xb8;
	[tilespmem:$0x18100] =	vst v63  }
0x36: {  	_ =	swait.ge [sflag:s20], $0x4000  }
0x37: {  	s25 =	simm.s32 $0x200;
	s24 =	simm.s32 $0x100;
	[sflag:s20] =	ssyncset.done $0x0  }
.LBB2_2:
0x38: {  	s26 =	sadd.s32 s24, s17  }
0x39: {  	[sflag:s20] =	ssyncadd.s32 $0xFFFFC000;
	s28 =	smov.u32 s25;
	s29 =	sadd.s32 $0x100, s25  }
0x3a: {  	[tilespmem:s3], [sflag:$0x2] =	stream.linear.gather [hbm4b:s26+s3], $0x80, $0x38;
	[tilespmem:$0x18100] =	vst v63  }
0x3b: {  	p0 =	sne.s32 s25, $0x4E00;
	_ =	swait.ge [sflag:s20], $0x80  }
0x3c: {  	[sflag:s20] =	ssyncset.done $0x0  }
0x3d: {  	s25 =	sadd.s32 s24, s18;
	s24 =	smov.u32 s28;
	[sflag:s20] =	ssyncadd.s32 $0xFFFFFF80  }
0x3e: {  	[tilespmem:s21], [sflag:$0x2] =	stream.linear.gather [hbm4b:s25+s3], $0x80, $0x38;
	[tilespmem:$0x18100] =	vst v63  }
0x3f: {  	_ =	swait.ge [sflag:s20], $0x80  }
0x40: {  	[sflag:s20] =	ssyncset.done $0x0  }
0x41: {  	[sflag:s20] =	ssyncadd.s32 $0xFFFFFF80  }
0x42: {  	[tilespmem:s19], [sflag:$0x1] =	stream.indirect.gather [hbm4b:s4+s19], $0x80, s21, s19, $0xb8;
	[tilespmem:$0x18100] =	vst v63  }
0x43: {  	_ =	swait.ge [sflag:s22], $0x4000  }
.Ltmp0:
0x44: {  	[sflag:s22] =	ssyncset.done $0x0;
	(pc) =	sbr.rel @p0 .LBB2_2-.Ltmp0, $4  }
0x45: {  	[sflag:s22] =	ssyncadd.s32 $0xFFFFC000  }
0x46: {  	[spmem:s2] =	stream.indirect.scatter.add.f32 [tilespmem:s19], [sflag:$0x2], $0x80, s3, s19, $0xb8;
	[tilespmem:$0x18100] =	vst v63  }
0x47: {  	_ =	swait.ge [sflag:s20], $0x4000  }
0x48: {  	s25 =	smov.u32 s29;
	[sflag:s20] =	ssyncset.done $0x0  }
0x49: {  	s25 =	sadd.s32 s24, s17;
	[sflag:s20] =	ssyncadd.s32 $0xFFFFC000  }
0x4a: {  	[tilespmem:s3], [sflag:$0x2] =	stream.linear.gather [hbm4b:s25+s3], $0x80, $0x38;
	[tilespmem:$0x18100] =	vst v63  }
0x4b: {  	_ =	swait.ge [sflag:s20], $0x80  }
0x4c: {  	[sflag:s20] =	ssyncset.done $0x0  }
0x4d: {  	s31 =	sadd.s32 s24, s18;
	[sflag:s20] =	ssyncadd.s32 $0xFFFFFF80  }
0x4e: {  	[tilespmem:s21], [sflag:$0x2] =	stream.linear.gather [hbm4b:s31+s3], $0x80, $0x38;
	[tilespmem:$0x18100] =	vst v63  }
0x4f: {  	_ =	swait.ge [sflag:s20], $0x80  }
0x50: {  	[sflag:s20] =	ssyncset.done $0x0  }
0x51: {  	[sflag:s20] =	ssyncadd.s32 $0xFFFFFF80  }
0x52: {  	[tilespmem:s19], [sflag:$0x1] =	stream.indirect.gather [hbm4b:s4+s19], $0x80, s21, s19, $0xb8;
	[tilespmem:$0x18100] =	vst v63  }
0x53: {  	_ =	swait.ge [sflag:s22], $0x4000  }
0x54: {  	[sflag:s22] =	ssyncset.done $0x0  }
0x55: {  	[sflag:s22] =	ssyncadd.s32 $0xFFFFC000  }
0x56: {  	[spmem:s2] =	stream.indirect.scatter.add.f32 [tilespmem:s19], [sflag:$0x2], $0x80, s3, s19, $0xb8;
	[tilespmem:$0x18100] =	vst v63  }
0x57: {  	_ =	swait.ge [sflag:s20], $0x4000  }
0x58: {  	[sflag:s20] =	ssyncset.done $0x0  }
0x59: {  	[sflag:s20] =	ssyncadd.s32 $0xFFFFC000  }
0x5a: {  	[bflag:$0x0] =	sbarrier.arrive $0xFFFF  }
0x5b: {  	[tilespmem:s19], [sflag:$0x2] =	stream.linear.gather [spmem:s6], $0x4000, $0x38;
	[tilespmem:$0x18100] =	vst v63  }
0x5c: {  	_ =	swait.ge [sflag:s20], $0x4000  }
0x5d: {  	[sflag:s20] =	ssyncset.done $0x0  }
0x5e: {  	[sflag:s20] =	ssyncadd.s32 $0xFFFFC000  }
0x5f: {  	[hbm4b:s11+s3] =	stream.linear.scatter [tilespmem:s19], [sflag:$0x2], $0x4000, $0x38;
	[tilespmem:$0x18100] =	vst v63  }
0x60: {  	_ =	swait.ge [sflag:s20], $0x4000  }
0x61: {  	[sflag:s20] =	ssyncset.done $0x0  }
0x62: {  	[sflag:s20] =	ssyncadd.s32 $0xFFFFC000  }
0x63: {  	[tilespmem:s19], [sflag:$0x2] =	stream.linear.gather [spmem:s7], $0x4000, $0x38;
	[tilespmem:$0x18100] =	vst v63  }
0x64: {  	_ =	swait.ge [sflag:s20], $0x4000  }
0x65: {  	[sflag:s20] =	ssyncset.done $0x0  }
0x66: {  	[sflag:s20] =	ssyncadd.s32 $0xFFFFC000  }
0x67: {  	[hbm4b:s12+s3] =	stream.linear.scatter [tilespmem:s19], [sflag:$0x2], $0x4000, $0x38;
	[tilespmem:$0x18100] =	vst v63  }
0x68: {  	_ =	swait.ge [sflag:s20], $0x4000  }
0x69: {  	[sflag:s20] =	ssyncset.done $0x0  }
0x6a: {  	[sflag:s20] =	ssyncadd.s32 $0xFFFFC000  }
0x6b: {  	[tilespmem:s19], [sflag:$0x2] =	stream.linear.gather [spmem:s8], $0x4000, $0x38;
	[tilespmem:$0x18100] =	vst v63  }
0x6c: {  	_ =	swait.ge [sflag:s20], $0x4000  }
0x6d: {  	[sflag:s20] =	ssyncset.done $0x0  }
0x6e: {  	[sflag:s20] =	ssyncadd.s32 $0xFFFFC000  }
0x6f: {  	[hbm4b:s13+s3] =	stream.linear.scatter [tilespmem:s19], [sflag:$0x2], $0x4000, $0x38;
	[tilespmem:$0x18100] =	vst v63  }
0x70: {  	_ =	swait.ge [sflag:s20], $0x4000  }
0x71: {  	[sflag:s20] =	ssyncset.done $0x0  }
0x72: {  	[sflag:s20] =	ssyncadd.s32 $0xFFFFC000  }
0x73: {  	[tilespmem:s19], [sflag:$0x2] =	stream.linear.gather [spmem:s9], $0x4000, $0x38;
	[tilespmem:$0x18100] =	vst v63  }
0x74: {  	_ =	swait.ge [sflag:s20], $0x4000  }
0x75: {  	[sflag:s20] =	ssyncset.done $0x0  }
0x76: {  	[sflag:s20] =	ssyncadd.s32 $0xFFFFC000  }
0x77: {  	[hbm4b:s14+s3] =	stream.linear.scatter [tilespmem:s19], [sflag:$0x2], $0x4000, $0x38;
	[tilespmem:$0x18100] =	vst v63  }
0x78: {  	_ =	swait.ge [sflag:s20], $0x4000  }
0x79: {  	[sflag:s20] =	ssyncset.done $0x0  }
0x7a: {  	[sflag:s20] =	ssyncadd.s32 $0xFFFFC000  }
0x7b: {  	[tilespmem:s19], [sflag:$0x2] =	stream.linear.gather [spmem:s10], $0x4000, $0x38;
	[tilespmem:$0x18100] =	vst v63  }
0x7c: {  	s23 =	sadd.s32 $0x1, s23;
	_ =	swait.ge [sflag:s20], $0x4000  }
0x7d: {  	p0 =	sne.s32 s23, s16;
	[sflag:s20] =	ssyncset.done $0x0  }
.Ltmp1:
0x7e: {  	[sflag:s20] =	ssyncadd.s32 $0xFFFFC000;
	(pc) =	sbr.rel @p0 .LBB2_1-.Ltmp1, $4  }
0x7f: {  	[hbm4b:s15+s3] =	stream.linear.scatter [tilespmem:s19], [sflag:$0x2], $0x4000, $0x38;
	[tilespmem:$0x18100] =	vst v63  }
0x80: {  	_ =	swait.ge [sflag:s20], $0x4000  }
0x81: {  	[sflag:s20] =	ssyncset.done $0x0  }
0x82: {  	[sflag:s20] =	ssyncadd.s32 $0xFFFFC000  }
0x83: {  	_ =	sfence.sel $0x180000  }
0x84: {  	[bflag:$0x0] =	sbarrier.arrive $0xFFFF  }
0x85: {  	p0 =	sne.s32 s1, $0x0;
	_ =	strace $0x90000050  }
0x86: {  	s0 =	sadd.s32 @!p0 $0x100000, s0;
	[bflag:$0x2] =	sbarrier.arrive $0xFFFF  }
0x87: {  	[sflag:s0] =	ssyncadd.tile.s32 @!p0 $0x1;
	_ =	shalt  }
.Lfunc_end2:
_tile_overlayer_lowered:
.L_overlay_start_2:
0x88: {  	(tag) =	ssettag $0x2  }
0x89: {  	s0 =	rddreg [dreg:$0x0];
	s2 =	stileid.u32  }
0x8a: {  	s1 =	rddreg [dreg:$0x1];
	p0 =	sne.s32 s2, $0x0  }
0x8b: {  	s3 =	rddreg [dreg:$0x2];
	[bflag:$0x3] =	sbarrier.arrive $0xFFFF;
	s2 =	simm.s32 @!p0 $0x1C02  }
0x8c: {  	[timem:s3], [sflag:s2] =	dma.local @!p0 [hbm:s0], s1  }
0x8d: {  	s0 =	simm.s32 @!p0 $0x2  }
0x8e: {  	_ =	swait.ge @!p0 [sflag:s0], s1  }
0x8f: {  	s1 =	ssub.s32 @!p0 $0x0, s1;
	[sflag:s0] =	ssyncset.done @!p0 $0x0  }
0x90: {  	[sflag:s0] =	ssyncadd.s32 @!p0 s1  }
0x91: {  	[bflag:$0x3] =	sbarrier.arrive $0xFFFF  }
0x92: {  	_ =	shalt  }

</sc_bundles>
